<compile_context>
chip_gen: v7x
topology: tpu7x:2x2x1
jax: 0.10.2.dev20260603
libtpu: 0.0.44.dev20260713+nightly
codegen_flags: <defaults>
</compile_context>

<pallas_src>
import functools

import jax
import jax.numpy as jnp
from jax import lax
from jax.experimental import pallas as pl
from jax.experimental.pallas import tpu as pltpu
from jax.experimental.pallas import tpu_sc as plsc

NN = 10000
EE = 320000
DD = 128
NW = 32
EPT = EE // NW
KC = 80
CH = EPT // KC
NP = 10240
RPT = NP // 16

CHA = 63
CHB = CH - CHA
EA = NW * CHA * KC
EB = EE - EA
BKA = 2016
BKB = 1280

_mesh = plsc.VectorSubcoreMesh(core_axis_name="c", subcore_axis_name="s")



def _sc_degree(dst_r, ones128, z128):
    @functools.partial(
        pl.kernel, mesh=_mesh,
        out_type=jax.ShapeDtypeStruct((2, NP, DD), jnp.float32),
        scratch_types=[
            pltpu.VMEM((CH, KC), jnp.int32),
            pltpu.VMEM((KC, DD), jnp.float32),
            pltpu.VMEM_SHARED((NP, DD), jnp.float32),
            pltpu.SemaphoreType.DMA,
        ],
    )
    def k(dst_hbm, ones_hbm, z_hbm, out_hbm, didx_v, ones_v, acc_sh, sem):
        cid = lax.axis_index("c")
        sid = lax.axis_index("s")
        wid = sid * 2 + cid
        pltpu.sync_copy(z_hbm, acc_sh.at[pl.ds(sid * RPT, RPT)])
        pltpu.sync_copy(dst_hbm.at[wid], didx_v)
        pltpu.sync_copy(ones_hbm, ones_v)
        plsc.subcore_barrier()

        def body(j, c):
            pltpu.sync_copy(ones_v, acc_sh.at[didx_v.at[j]], add=True)
            return c

        lax.fori_loop(0, CH, body, 0)
        plsc.subcore_barrier()
        pltpu.sync_copy(acc_sh.at[pl.ds(sid * RPT, RPT)],
                        out_hbm.at[cid, pl.ds(sid * RPT, RPT)])

    return k(dst_r, ones128, z128)


def _sc_aggregate(g, src_r, dst_r, z128):
    @functools.partial(
        pl.kernel, mesh=_mesh,
        out_type=jax.ShapeDtypeStruct((2, NP, DD), jnp.float32),
        scratch_types=[
            pltpu.VMEM((CH, KC), jnp.int32),
            pltpu.VMEM((CH, KC), jnp.int32),
            pltpu.VMEM((KC, DD), jnp.float32),
            pltpu.VMEM_SHARED((NP, DD), jnp.float32),
            pltpu.SemaphoreType.DMA,
        ],
    )
    def k(g_hbm, src_hbm, dst_hbm, z_hbm, out_hbm,
          sidx_v, didx_v, rows_v, acc_sh, sem):
        cid = lax.axis_index("c")
        sid = lax.axis_index("s")
        wid = sid * 2 + cid
        pltpu.sync_copy(z_hbm, acc_sh.at[pl.ds(sid * RPT, RPT)])
        pltpu.sync_copy(src_hbm.at[wid], sidx_v)
        pltpu.sync_copy(dst_hbm.at[wid], didx_v)
        plsc.subcore_barrier()

        def body(j, c):
            pltpu.sync_copy(g_hbm.at[sidx_v.at[j]], rows_v)
            pltpu.sync_copy(rows_v, acc_sh.at[didx_v.at[j]], add=True)
            return c

        lax.fori_loop(0, CH, body, 0)
        plsc.subcore_barrier()
        pltpu.sync_copy(acc_sh.at[pl.ds(sid * RPT, RPT)],
                        out_hbm.at[cid, pl.ds(sid * RPT, RPT)])

    return k(g, src_r, dst_r, z128)


def _sc_pair_gather(f, src_r, dst_r, ch):
    ne = NW * ch * KC

    @functools.partial(
        pl.kernel, mesh=_mesh,
        out_type=(jax.ShapeDtypeStruct((ne, DD), jnp.float32),
                  jax.ShapeDtypeStruct((ne, DD), jnp.float32)),
        scratch_types=[
            pltpu.VMEM((ch, KC), jnp.int32),
            pltpu.VMEM((ch, KC), jnp.int32),
            pltpu.VMEM((KC, DD), jnp.float32),
            pltpu.VMEM((KC, DD), jnp.float32),
            pltpu.VMEM((KC, DD), jnp.float32),
            pltpu.VMEM((KC, DD), jnp.float32),
            pltpu.SemaphoreType.DMA,
            pltpu.SemaphoreType.DMA,
        ],
    )
    def k(f_hbm, src_hbm, dst_hbm, os_hbm, od_hbm,
          sidx_v, didx_v, rs0_v, rd0_v, rs1_v, rd1_v, sem0, sem1):
        cid = lax.axis_index("c")
        sid = lax.axis_index("s")
        wid = sid * 2 + cid
        base0 = wid * KC
        pltpu.sync_copy(src_hbm.at[wid], sidx_v)
        pltpu.sync_copy(dst_hbm.at[wid], didx_v)

        def body(jj, c):
            j = 2 * jj
            cs0 = pltpu.async_copy(f_hbm.at[sidx_v.at[j]], rs0_v, sem0)
            cd0 = pltpu.async_copy(f_hbm.at[didx_v.at[j]], rd0_v, sem0)
            cs1 = pltpu.async_copy(f_hbm.at[sidx_v.at[j + 1]], rs1_v, sem1)
            cd1 = pltpu.async_copy(f_hbm.at[didx_v.at[j + 1]], rd1_v, sem1)
            base = pl.multiple_of(base0 + j * NW * KC, 8)
            base1 = pl.multiple_of(base0 + (j + 1) * NW * KC, 8)
            cs0.wait()
            cd0.wait()
            pltpu.sync_copy(rs0_v, os_hbm.at[pl.ds(base, KC)])
            pltpu.sync_copy(rd0_v, od_hbm.at[pl.ds(base, KC)])
            cs1.wait()
            cd1.wait()
            pltpu.sync_copy(rs1_v, os_hbm.at[pl.ds(base1, KC)])
            pltpu.sync_copy(rd1_v, od_hbm.at[pl.ds(base1, KC)])
            return c

        lax.fori_loop(0, ch // 2, body, 0)
        if ch % 2:
            base = pl.multiple_of(base0 + (ch - 1) * NW * KC, 8)
            cs = pltpu.async_copy(f_hbm.at[sidx_v.at[ch - 1]], rs0_v, sem0)
            cd = pltpu.async_copy(f_hbm.at[didx_v.at[ch - 1]], rd0_v, sem0)
            cs.wait()
            cd.wait()
            pltpu.sync_copy(rs0_v, os_hbm.at[pl.ds(base, KC)])
            pltpu.sync_copy(rd0_v, od_hbm.at[pl.ds(base, KC)])

    return k(f, src_r, dst_r)



def _dinv_col(dp_ref):
    deg = dp_ref[0, :, 0:1] + dp_ref[1, :, 0:1] + 1.0
    return lax.rsqrt(deg)


def _tc_h1(x, W1):
    R = 1000

    def body(x_ref, w_ref, o_ref):
        o_ref[...] = jnp.dot(x_ref[...], w_ref[...],
                             preferred_element_type=jnp.float32)

    return pl.pallas_call(
        body,
        grid=(NN // R,),
        in_specs=[
            pl.BlockSpec((R, DD), lambda i: (i, 0)),
            pl.BlockSpec((DD, DD), lambda i: (0, 0)),
        ],
        out_specs=pl.BlockSpec((R, DD), lambda i: (i, 0)),
        out_shape=jax.ShapeDtypeStruct((NN, DD), jnp.float32),
    )(x, W1)


def _tc_scale(h1, deg_p):
    R = 2000

    def body(h_ref, dp_ref, o_ref):
        o_ref[...] = h_ref[...] * _dinv_col(dp_ref)

    return pl.pallas_call(
        body,
        grid=(NN // R,),
        in_specs=[
            pl.BlockSpec((R, DD), lambda i: (i, 0)),
            pl.BlockSpec((2, R, DD), lambda i: (0, i, 0)),
        ],
        out_specs=pl.BlockSpec((R, DD), lambda i: (i, 0)),
        out_shape=jax.ShapeDtypeStruct((NN, DD), jnp.float32),
    )(h1, deg_p)


def _tc_mid(S_p, g1, deg_p, W2, b1):
    R = 1000

    def body(sp_ref, g_ref, dp_ref, w_ref, b_ref, o_ref):
        col = _dinv_col(dp_ref)
        x1 = (sp_ref[0] + sp_ref[1] + g_ref[...]) * col + b_ref[...]
        x1 = jnp.maximum(x1, 0.0)
        h = jnp.dot(x1, w_ref[...], preferred_element_type=jnp.float32)
        o_ref[...] = h * col

    return pl.pallas_call(
        body,
        grid=(NN // R,),
        in_specs=[
            pl.BlockSpec((2, R, DD), lambda i: (0, i, 0)),
            pl.BlockSpec((R, DD), lambda i: (i, 0)),
            pl.BlockSpec((2, R, DD), lambda i: (0, i, 0)),
            pl.BlockSpec((DD, DD), lambda i: (0, 0)),
            pl.BlockSpec((1, DD), lambda i: (0, 0)),
        ],
        out_specs=pl.BlockSpec((R, DD), lambda i: (i, 0)),
        out_shape=jax.ShapeDtypeStruct((NN, DD), jnp.float32),
    )(S_p, g1, deg_p, W2, b1)


def _tc_final(S_p, g2, deg_p, b2, Wc, bc):
    R = 1000
    ncls = Wc.shape[1]

    def body(sp_ref, g_ref, dp_ref, b_ref, wc_ref, bc_ref, f_ref, lg_ref):
        col = _dinv_col(dp_ref)
        f = (sp_ref[0] + sp_ref[1] + g_ref[...]) * col + b_ref[...]
        f_ref[...] = f
        lg_ref[...] = jnp.dot(f, wc_ref[...],
                              preferred_element_type=jnp.float32) + bc_ref[...]

    return pl.pallas_call(
        body,
        grid=(NN // R,),
        in_specs=[
            pl.BlockSpec((2, R, DD), lambda i: (0, i, 0)),
            pl.BlockSpec((R, DD), lambda i: (i, 0)),
            pl.BlockSpec((2, R, DD), lambda i: (0, i, 0)),
            pl.BlockSpec((1, DD), lambda i: (0, 0)),
            pl.BlockSpec((DD, ncls), lambda i: (0, 0)),
            pl.BlockSpec((1, ncls), lambda i: (0, 0)),
        ],
        out_specs=[
            pl.BlockSpec((R, DD), lambda i: (i, 0)),
            pl.BlockSpec((R, ncls), lambda i: (i, 0)),
        ],
        out_shape=[
            jax.ShapeDtypeStruct((NN, DD), jnp.float32),
            jax.ShapeDtypeStruct((NN, ncls), jnp.float32),
        ],
    )(S_p, g2, deg_p, b2, Wc, bc)


def _edge_mlp_body(fs_ref, fd_ref, a_ref, b_ref, b1_ref, w2_ref, b2_ref, o_ref):
    h = jnp.dot(fs_ref[...].astype(jnp.bfloat16), a_ref[...],
                preferred_element_type=jnp.float32)
    h = h + jnp.dot(fd_ref[...].astype(jnp.bfloat16), b_ref[...],
                    preferred_element_type=jnp.float32)
    h = jnp.maximum(h + b1_ref[...], 0.0).astype(jnp.bfloat16)
    o_ref[...] = jnp.dot(h, w2_ref[...],
                         preferred_element_type=jnp.float32) + b2_ref[...]


def _tc_edge_mlp_a(fs, fd, Wa, Wb, bp1, Wp2, bp2):
    DH = Wa.shape[1]

    return pl.pallas_call(
        _edge_mlp_body,
        grid=(EA // BKA,),
        in_specs=[
            pl.BlockSpec((BKA, DD), lambda i: (i, 0)),
            pl.BlockSpec((BKA, DD), lambda i: (i, 0)),
            pl.BlockSpec((DD, DH), lambda i: (0, 0)),
            pl.BlockSpec((DD, DH), lambda i: (0, 0)),
            pl.BlockSpec((1, DH), lambda i: (0, 0)),
            pl.BlockSpec((DH, DD), lambda i: (0, 0)),
            pl.BlockSpec((1, DD), lambda i: (0, 0)),
        ],
        out_specs=pl.BlockSpec((BKA, DD), lambda i: (i, 0)),
        out_shape=jax.ShapeDtypeStruct((EE, DD), jnp.float32),
    )(fs, fd, Wa, Wb, bp1, Wp2, bp2)


def _tc_edge_mlp_b(prev, fs, fd, Wa, Wb, bp1, Wp2, bp2):
    DH = Wa.shape[1]
    OFF = EA // BKB

    def body(p_ref, fs_ref, fd_ref, a_ref, b_ref, b1_ref, w2_ref, b2_ref,
             o_ref):
        _edge_mlp_body(fs_ref, fd_ref, a_ref, b_ref, b1_ref, w2_ref, b2_ref,
                       o_ref)

    return pl.pallas_call(
        body,
        grid=(EB // BKB,),
        in_specs=[
            pl.BlockSpec(memory_space=pl.ANY),
            pl.BlockSpec((BKB, DD), lambda i: (i, 0)),
            pl.BlockSpec((BKB, DD), lambda i: (i, 0)),
            pl.BlockSpec((DD, DH), lambda i: (0, 0)),
            pl.BlockSpec((DD, DH), lambda i: (0, 0)),
            pl.BlockSpec((1, DH), lambda i: (0, 0)),
            pl.BlockSpec((DH, DD), lambda i: (0, 0)),
            pl.BlockSpec((1, DD), lambda i: (0, 0)),
        ],
        out_specs=pl.BlockSpec((BKB, DD), lambda i: (i + OFF, 0)),
        out_shape=jax.ShapeDtypeStruct((EE, DD), jnp.float32),
        input_output_aliases={0: 0},
    )(prev, fs, fd, Wa, Wb, bp1, Wp2, bp2)



def kernel(x, edge_index, W1, b1, W2, b2, Wp1, bp1, Wp2, bp2, Wc, bc):
    src_r = edge_index[0].reshape(NW, CH, KC)
    dst_r = edge_index[1].reshape(NW, CH, KC)
    src_a = edge_index[0][:EA].reshape(CHA, NW, KC).transpose(1, 0, 2)
    dst_a = edge_index[1][:EA].reshape(CHA, NW, KC).transpose(1, 0, 2)
    src_b = edge_index[0][EA:].reshape(CHB, NW, KC).transpose(1, 0, 2)
    dst_b = edge_index[1][EA:].reshape(CHB, NW, KC).transpose(1, 0, 2)
    ones128 = jnp.ones((KC, DD), jnp.float32)
    z128 = jnp.zeros((RPT, DD), jnp.float32)

    deg_p = _sc_degree(dst_r, ones128, z128)
    g1 = _tc_scale(_tc_h1(x, W1), deg_p)
    S1 = _sc_aggregate(g1, src_r, dst_r, z128)
    g2 = _tc_mid(S1, g1, deg_p, W2, b1.reshape(1, -1))
    S2 = _sc_aggregate(g2, src_r, dst_r, z128)
    f, logits = _tc_final(S2, g2, deg_p, b2.reshape(1, -1), Wc,
                          bc.reshape(1, -1))
    Wa = Wp1[:DD].astype(jnp.bfloat16)
    Wb = Wp1[DD:].astype(jnp.bfloat16)
    W2b = Wp2.astype(jnp.bfloat16)
    fs_a, fd_a = _sc_pair_gather(f, src_a, dst_a, CHA)
    fs_b, fd_b = _sc_pair_gather(f, src_b, dst_b, CHB)
    e_a = _tc_edge_mlp_a(fs_a, fd_a, Wa, Wb, bp1.reshape(1, -1),
                         W2b, bp2.reshape(1, -1))
    edge_feats = _tc_edge_mlp_b(e_a, fs_b, fd_b, Wa, Wb, bp1.reshape(1, -1),
                                W2b, bp2.reshape(1, -1))
    return (f, edge_feats, logits, edge_index)

# --- scband reference (transcript-rebuilt; emitter-appended) ---
"""Pipeline reference for scband-graph-encoder-85804856639971 (READ-ONLY COPY).

The authoritative reference and input builder live on the scoring server;
editing this copy changes nothing except your own understanding.
"""

import jax, jax.numpy as jnp
import numpy as np

N = 10000
E = 320000
D_IN = 128
D_H = 128
D_OUT = 128
N_CLS = 40


def _xavier(key, shape):
    fan_in, fan_out = shape[0], shape[1]
    std = float(np.sqrt(2.0 / (fan_in + fan_out)))
    return jax.random.normal(key, shape, jnp.float32) * std


def setup_inputs(seed: int = 0) -> dict:
    key = jax.random.key(seed)
    ks = jax.random.split(key, 16)
    x = jax.random.normal(ks[0], (N, D_IN), jnp.float32)
    edge_index = jax.random.randint(ks[1], (2, E), 0, N, dtype=jnp.int32)
    W1 = _xavier(ks[2], (D_IN, D_H))
    b1 = jnp.zeros((D_H,), jnp.float32)
    W2 = _xavier(ks[3], (D_H, D_OUT))
    b2 = jnp.zeros((D_OUT,), jnp.float32)
    Wp1 = _xavier(ks[4], (2 * D_OUT, 4 * D_OUT))
    bp1 = jnp.zeros((4 * D_OUT,), jnp.float32)
    Wp2 = _xavier(ks[5], (4 * D_OUT, D_OUT))
    bp2 = jnp.zeros((D_OUT,), jnp.float32)
    Wc = _xavier(ks[6], (D_OUT, N_CLS))
    bc = jnp.zeros((N_CLS,), jnp.float32)
    return {"x": x, "edge_index": edge_index, "W1": W1, "b1": b1, "W2": W2, "b2": b2,
            "Wp1": Wp1, "bp1": bp1, "Wp2": Wp2, "bp2": bp2, "Wc": Wc, "bc": bc}


def _gcn_conv(x, edge_index, W, b):
    # PyG-style GCNConv: linear transform, add self loops, symmetric normalization, scatter-add
    n = x.shape[0]
    h = x @ W
    src = edge_index[0]
    dst = edge_index[1]
    loop = jnp.arange(n, dtype=src.dtype)
    src_f = jnp.concatenate([src, loop])
    dst_f = jnp.concatenate([dst, loop])
    deg = jnp.zeros((n,), jnp.float32).at[dst_f].add(1.0)
    dinv = jnp.where(deg > 0, 1.0 / jnp.sqrt(jnp.maximum(deg, 1e-12)), 0.0)
    norm = dinv[src_f] * dinv[dst_f]
    msg = h[src_f] * norm[:, None]
    out = jnp.zeros_like(h).at[dst_f].add(msg)
    return out + b


def reference(x, edge_index, W1, b1, W2, b2, Wp1, bp1, Wp2, bp2, Wc, bc):
    x1 = jax.nn.relu(_gcn_conv(x, edge_index, W1, b1))
    f = _gcn_conv(x1, edge_index, W2, b2)
    row = edge_index[0]
    col = edge_index[1]
    f_src = f[row]
    f_dst = f[col]
    ef = jnp.concatenate([f_src, f_dst], axis=-1)
    ef = jax.nn.relu(ef @ Wp1 + bp1)
    edge_feats = ef @ Wp2 + bp2
    logits = f @ Wc + bc
    return (f, edge_feats, logits, edge_index)

if __name__ == "__main__":
    import jax
    _d = setup_inputs()
    print(jax.jit(kernel)(*tuple(_d.values())))

</pallas_src>

<mosaic_0001>
#map = affine_map<(d0, d1) -> (0, 0)>
#map1 = affine_map<(d0, d1) -> (0, 0, 0)>
module attributes {stable_mosaic.version = 14 : i64} {
  func.func @k(%arg0: i32, %arg1: i32, %arg2: memref<10000x128xf32, #tpu.memory_space<hbm>>, %arg3: memref<32x63x80xi32, #tpu.memory_space<hbm>>, %arg4: memref<32x63x80xi32, #tpu.memory_space<hbm>>, %arg5: memref<161280x128xf32, #tpu.memory_space<hbm>>, %arg6: memref<161280x128xf32, #tpu.memory_space<hbm>>, %arg7: memref<63x80xi32, #tpu.memory_space<vmem>>, %arg8: memref<63x80xi32, #tpu.memory_space<vmem>>, %arg9: memref<80x128xf32, #tpu.memory_space<vmem>>, %arg10: memref<80x128xf32, #tpu.memory_space<vmem>>, %arg11: memref<80x128xf32, #tpu.memory_space<vmem>>, %arg12: memref<80x128xf32, #tpu.memory_space<vmem>>, %arg13: memref<!tpu.dma_semaphore, #tpu.memory_space<semaphore_mem>>, %arg14: memref<!tpu.dma_semaphore, #tpu.memory_space<semaphore_mem>>) attributes {dimension_semantics = [#tpu.dimension_semantics<core_parallel>, #tpu.dimension_semantics<subcore_parallel>], iteration_bounds = array<i64: 2, 16>, scalar_prefetch = 0 : i64, scratch_operands = 8 : i64, tpu.core_type = #tpu.core_type<sc_vector_subcore>, window_params = [{transform_indices = #map}, {transform_indices = #map1}, {transform_indices = #map1}, {transform_indices = #map}, {transform_indices = #map}]} {
    %mul3A = arith.constant 2 : i32
    %mul3A_0 = arith.muli %arg1, %mul3A : i32
    %add3A = arith.addi %mul3A_0, %arg0 : i32
    %mul3A_1 = arith.constant 80 : i32
    %mul3A_2 = arith.muli %add3A, %mul3A_1 : i32
    "tpu.region"() ({
      %run_scoped3A = tpu.sem_alloc : memref<!tpu.dma_semaphore, #tpu.memory_space<semaphore_mem>>
      %dma_start3A_36 = arith.constant 0 : i32
      %dma_start3A_37 = arith.constant 0 : i32
      %dma_start3A_38 = tpu.memref_slice %arg3[%add3A, %dma_start3A_36, %dma_start3A_37] : memref<32x63x80xi32, #tpu.memory_space<hbm>> -> memref<1x63x80xi32, #tpu.memory_space<hbm>>
      %dma_start3A_39 = tpu.memref_squeeze %dma_start3A_38 : memref<1x63x80xi32, #tpu.memory_space<hbm>> -> memref<63x80xi32, #tpu.memory_space<hbm>>
      %dma_start3A_40 = arith.constant 0 : i32
      %dma_start3A_41 = arith.constant 0 : i32
      %dma_start3A_42 = tpu.memref_slice %arg3[%add3A, %dma_start3A_40, %dma_start3A_41] : memref<32x63x80xi32, #tpu.memory_space<hbm>> -> memref<1x63x80xi32, #tpu.memory_space<hbm>>
      %dma_start3A_43 = tpu.memref_squeeze %dma_start3A_42 : memref<1x63x80xi32, #tpu.memory_space<hbm>> -> memref<63x80xi32, #tpu.memory_space<hbm>>
      tpu.enqueue_dma source(%dma_start3A_43 : memref<63x80xi32, #tpu.memory_space<hbm>>) target(%arg7 : memref<63x80xi32, #tpu.memory_space<vmem>>) target_semaphore(%run_scoped3A : memref<!tpu.dma_semaphore, #tpu.memory_space<semaphore_mem>>)
      %dma_wait3A_44 = arith.constant 0 : i32
      %dma_wait3A_45 = arith.constant 0 : i32
      %dma_wait3A_46 = tpu.memref_slice %arg3[%add3A, %dma_wait3A_44, %dma_wait3A_45] : memref<32x63x80xi32, #tpu.memory_space<hbm>> -> memref<1x63x80xi32, #tpu.memory_space<hbm>>
      %dma_wait3A_47 = tpu.memref_squeeze %dma_wait3A_46 : memref<1x63x80xi32, #tpu.memory_space<hbm>> -> memref<63x80xi32, #tpu.memory_space<hbm>>
      %dma_wait3A_48 = arith.constant 0 : i32
      %dma_wait3A_49 = arith.constant 0 : i32
      %dma_wait3A_50 = tpu.memref_slice %arg3[%add3A, %dma_wait3A_48, %dma_wait3A_49] : memref<32x63x80xi32, #tpu.memory_space<hbm>> -> memref<1x63x80xi32, #tpu.memory_space<hbm>>
      %dma_wait3A_51 = tpu.memref_squeeze %dma_wait3A_50 : memref<1x63x80xi32, #tpu.memory_space<hbm>> -> memref<63x80xi32, #tpu.memory_space<hbm>>
      tpu.wait_dma2 semaphore(%run_scoped3A : memref<!tpu.dma_semaphore, #tpu.memory_space<semaphore_mem>>) src(%dma_wait3A_51 : memref<63x80xi32, #tpu.memory_space<hbm>>) dst(%arg7 : memref<63x80xi32, #tpu.memory_space<vmem>>)
      tpu.yield
    }) : () -> ()
    "tpu.region"() ({
      %run_scoped3A = tpu.sem_alloc : memref<!tpu.dma_semaphore, #tpu.memory_space<semaphore_mem>>
      %dma_start3A_36 = arith.constant 0 : i32
      %dma_start3A_37 = arith.constant 0 : i32
      %dma_start3A_38 = tpu.memref_slice %arg4[%add3A, %dma_start3A_36, %dma_start3A_37] : memref<32x63x80xi32, #tpu.memory_space<hbm>> -> memref<1x63x80xi32, #tpu.memory_space<hbm>>
      %dma_start3A_39 = tpu.memref_squeeze %dma_start3A_38 : memref<1x63x80xi32, #tpu.memory_space<hbm>> -> memref<63x80xi32, #tpu.memory_space<hbm>>
      %dma_start3A_40 = arith.constant 0 : i32
      %dma_start3A_41 = arith.constant 0 : i32
      %dma_start3A_42 = tpu.memref_slice %arg4[%add3A, %dma_start3A_40, %dma_start3A_41] : memref<32x63x80xi32, #tpu.memory_space<hbm>> -> memref<1x63x80xi32, #tpu.memory_space<hbm>>
      %dma_start3A_43 = tpu.memref_squeeze %dma_start3A_42 : memref<1x63x80xi32, #tpu.memory_space<hbm>> -> memref<63x80xi32, #tpu.memory_space<hbm>>
      tpu.enqueue_dma source(%dma_start3A_43 : memref<63x80xi32, #tpu.memory_space<hbm>>) target(%arg8 : memref<63x80xi32, #tpu.memory_space<vmem>>) target_semaphore(%run_scoped3A : memref<!tpu.dma_semaphore, #tpu.memory_space<semaphore_mem>>)
      %dma_wait3A_44 = arith.constant 0 : i32
      %dma_wait3A_45 = arith.constant 0 : i32
      %dma_wait3A_46 = tpu.memref_slice %arg4[%add3A, %dma_wait3A_44, %dma_wait3A_45] : memref<32x63x80xi32, #tpu.memory_space<hbm>> -> memref<1x63x80xi32, #tpu.memory_space<hbm>>
      %dma_wait3A_47 = tpu.memref_squeeze %dma_wait3A_46 : memref<1x63x80xi32, #tpu.memory_space<hbm>> -> memref<63x80xi32, #tpu.memory_space<hbm>>
      %dma_wait3A_48 = arith.constant 0 : i32
      %dma_wait3A_49 = arith.constant 0 : i32
      %dma_wait3A_50 = tpu.memref_slice %arg4[%add3A, %dma_wait3A_48, %dma_wait3A_49] : memref<32x63x80xi32, #tpu.memory_space<hbm>> -> memref<1x63x80xi32, #tpu.memory_space<hbm>>
      %dma_wait3A_51 = tpu.memref_squeeze %dma_wait3A_50 : memref<1x63x80xi32, #tpu.memory_space<hbm>> -> memref<63x80xi32, #tpu.memory_space<hbm>>
      tpu.wait_dma2 semaphore(%run_scoped3A : memref<!tpu.dma_semaphore, #tpu.memory_space<semaphore_mem>>) src(%dma_wait3A_51 : memref<63x80xi32, #tpu.memory_space<hbm>>) dst(%arg8 : memref<63x80xi32, #tpu.memory_space<vmem>>)
      tpu.yield
    }) : () -> ()
    %scan3A = arith.constant 0 : i32
    %scan3A_3 = arith.constant 0 : i32
    %scan3A_4 = arith.constant 31 : i32
    %scan3A_5 = arith.addi %scan3A_3, %scan3A_4 : i32
    %scan3A_6 = arith.constant 1 : i32
    scf.for %scan3A_36 = %scan3A_3 to %scan3A_5 step %scan3A_6  : i32 {
      %mul3A_37 = arith.constant 2 : i32
      %mul3A_38 = arith.muli %mul3A_37, %scan3A_36 : i32
      %dma_start3A_39 = arith.constant 0 : i32
      %dma_start3A_40 = tpu.memref_slice %arg7[%mul3A_38, %dma_start3A_39] : memref<63x80xi32, #tpu.memory_space<vmem>> -> memref<1x80xi32, #tpu.memory_space<vmem>>
      %dma_start3A_41 = tpu.memref_squeeze %dma_start3A_40 : memref<1x80xi32, #tpu.memory_space<vmem>> -> memref<80xi32, #tpu.memory_space<vmem>>
      %dma_start3A_42 = arith.constant 0 : i32
      %dma_start3A_43 = arith.constant 0 : i32
      %dma_start3A_44 = tpu.memref_slice %arg2[%dma_start3A_42, %dma_start3A_43] : memref<10000x128xf32, #tpu.memory_space<hbm>> -> memref<10000x128xf32, #tpu.memory_space<hbm>>
      tpu.enqueue_indirect_dma source(%dma_start3A_44 : memref<10000x128xf32, #tpu.memory_space<hbm>>) target(%arg9 : memref<80x128xf32, #tpu.memory_space<vmem>>) offsets(%dma_start3A_41 : memref<80xi32, #tpu.memory_space<vmem>>) semaphore(%arg13 : memref<!tpu.dma_semaphore, #tpu.memory_space<semaphore_mem>>)
      %dma_start3A_45 = arith.constant 0 : i32
      %dma_start3A_46 = tpu.memref_slice %arg8[%mul3A_38, %dma_start3A_45] : memref<63x80xi32, #tpu.memory_space<vmem>> -> memref<1x80xi32, #tpu.memory_space<vmem>>
      %dma_start3A_47 = tpu.memref_squeeze %dma_start3A_46 : memref<1x80xi32, #tpu.memory_space<vmem>> -> memref<80xi32, #tpu.memory_space<vmem>>
      %dma_start3A_48 = arith.constant 0 : i32
      %dma_start3A_49 = arith.constant 0 : i32
      %dma_start3A_50 = tpu.memref_slice %arg2[%dma_start3A_48, %dma_start3A_49] : memref<10000x128xf32, #tpu.memory_space<hbm>> -> memref<10000x128xf32, #tpu.memory_space<hbm>>
      tpu.enqueue_indirect_dma source(%dma_start3A_50 : memref<10000x128xf32, #tpu.memory_space<hbm>>) target(%arg10 : memref<80x128xf32, #tpu.memory_space<vmem>>) offsets(%dma_start3A_47 : memref<80xi32, #tpu.memory_space<vmem>>) semaphore(%arg13 : memref<!tpu.dma_semaphore, #tpu.memory_space<semaphore_mem>>)
      %add3A_51 = arith.constant 1 : i32
      %add3A_52 = arith.addi %mul3A_38, %add3A_51 : i32
      %dma_start3A_53 = arith.constant 0 : i32
      %dma_start3A_54 = tpu.memref_slice %arg7[%add3A_52, %dma_start3A_53] : memref<63x80xi32, #tpu.memory_space<vmem>> -> memref<1x80xi32, #tpu.memory_space<vmem>>
      %dma_start3A_55 = tpu.memref_squeeze %dma_start3A_54 : memref<1x80xi32, #tpu.memory_space<vmem>> -> memref<80xi32, #tpu.memory_space<vmem>>
      %dma_start3A_56 = arith.constant 0 : i32
      %dma_start3A_57 = arith.constant 0 : i32
      %dma_start3A_58 = tpu.memref_slice %arg2[%dma_start3A_56, %dma_start3A_57] : memref<10000x128xf32, #tpu.memory_space<hbm>> -> memref<10000x128xf32, #tpu.memory_space<hbm>>
      tpu.enqueue_indirect_dma source(%dma_start3A_58 : memref<10000x128xf32, #tpu.memory_space<hbm>>) target(%arg11 : memref<80x128xf32, #tpu.memory_space<vmem>>) offsets(%dma_start3A_55 : memref<80xi32, #tpu.memory_space<vmem>>) semaphore(%arg14 : memref<!tpu.dma_semaphore, #tpu.memory_space<semaphore_mem>>)
      %add3A_59 = arith.constant 1 : i32
      %add3A_60 = arith.addi %mul3A_38, %add3A_59 : i32
      %dma_start3A_61 = arith.constant 0 : i32
      %dma_start3A_62 = tpu.memref_slice %arg8[%add3A_60, %dma_start3A_61] : memref<63x80xi32, #tpu.memory_space<vmem>> -> memref<1x80xi32, #tpu.memory_space<vmem>>
      %dma_start3A_63 = tpu.memref_squeeze %dma_start3A_62 : memref<1x80xi32, #tpu.memory_space<vmem>> -> memref<80xi32, #tpu.memory_space<vmem>>
      %dma_start3A_64 = arith.constant 0 : i32
      %dma_start3A_65 = arith.constant 0 : i32
      %dma_start3A_66 = tpu.memref_slice %arg2[%dma_start3A_64, %dma_start3A_65] : memref<10000x128xf32, #tpu.memory_space<hbm>> -> memref<10000x128xf32, #tpu.memory_space<hbm>>
      tpu.enqueue_indirect_dma source(%dma_start3A_66 : memref<10000x128xf32, #tpu.memory_space<hbm>>) target(%arg12 : memref<80x128xf32, #tpu.memory_space<vmem>>) offsets(%dma_start3A_63 : memref<80xi32, #tpu.memory_space<vmem>>) semaphore(%arg14 : memref<!tpu.dma_semaphore, #tpu.memory_space<semaphore_mem>>)
      %mul3A_67 = arith.constant 32 : i32
      %mul3A_68 = arith.muli %mul3A_38, %mul3A_67 : i32
      %mul3A_69 = arith.constant 80 : i32
      %mul3A_70 = arith.muli %mul3A_68, %mul3A_69 : i32
      %add3A_71 = arith.addi %mul3A_2, %mul3A_70 : i32
      %multiple_of3A_72 = tpu.assume_multiple %add3A_71, 8 : i32
      %add3A_73 = arith.constant 1 : i32
      %add3A_74 = arith.addi %mul3A_38, %add3A_73 : i32
      %mul3A_75 = arith.constant 32 : i32
      %mul3A_76 = arith.muli %add3A_74, %mul3A_75 : i32
      %mul3A_77 = arith.constant 80 : i32
      %mul3A_78 = arith.muli %mul3A_76, %mul3A_77 : i32
      %add3A_79 = arith.addi %mul3A_2, %mul3A_78 : i32
      %multiple_of3A_80 = tpu.assume_multiple %add3A_79, 8 : i32
      %dma_wait3A_81 = arith.constant 0 : i32
      %dma_wait3A_82 = tpu.memref_slice %arg7[%mul3A_38, %dma_wait3A_81] : memref<63x80xi32, #tpu.memory_space<vmem>> -> memref<1x80xi32, #tpu.memory_space<vmem>>
      %dma_wait3A_83 = tpu.memref_squeeze %dma_wait3A_82 : memref<1x80xi32, #tpu.memory_space<vmem>> -> memref<80xi32, #tpu.memory_space<vmem>>
      %dma_wait3A_84 = arith.constant 0 : i32
      %dma_wait3A_85 = arith.constant 0 : i32
      %dma_wait3A_86 = tpu.memref_slice %arg2[%dma_wait3A_84, %dma_wait3A_85] : memref<10000x128xf32, #tpu.memory_space<hbm>> -> memref<10000x128xf32, #tpu.memory_space<hbm>>
      tpu.wait_indirect_dma semaphore(%arg13 : memref<!tpu.dma_semaphore, #tpu.memory_space<semaphore_mem>>) src(%dma_wait3A_86 : memref<10000x128xf32, #tpu.memory_space<hbm>>) dst(%arg9 : memref<80x128xf32, #tpu.memory_space<vmem>>)
      %dma_wait3A_87 = arith.constant 0 : i32
      %dma_wait3A_88 = tpu.memref_slice %arg8[%mul3A_38, %dma_wait3A_87] : memref<63x80xi32, #tpu.memory_space<vmem>> -> memref<1x80xi32, #tpu.memory_space<vmem>>
      %dma_wait3A_89 = tpu.memref_squeeze %dma_wait3A_88 : memref<1x80xi32, #tpu.memory_space<vmem>> -> memref<80xi32, #tpu.memory_space<vmem>>
      %dma_wait3A_90 = arith.constant 0 : i32
      %dma_wait3A_91 = arith.constant 0 : i32
      %dma_wait3A_92 = tpu.memref_slice %arg2[%dma_wait3A_90, %dma_wait3A_91] : memref<10000x128xf32, #tpu.memory_space<hbm>> -> memref<10000x128xf32, #tpu.memory_space<hbm>>
      tpu.wait_indirect_dma semaphore(%arg13 : memref<!tpu.dma_semaphore, #tpu.memory_space<semaphore_mem>>) src(%dma_wait3A_92 : memref<10000x128xf32, #tpu.memory_space<hbm>>) dst(%arg10 : memref<80x128xf32, #tpu.memory_space<vmem>>)
      "tpu.region"() ({
        %run_scoped3A = tpu.sem_alloc : memref<!tpu.dma_semaphore, #tpu.memory_space<semaphore_mem>>
        %dma_start3A_105 = arith.constant 0 : i32
        %dma_start3A_106 = tpu.memref_slice %arg5[%multiple_of3A_72, %dma_start3A_105] : memref<161280x128xf32, #tpu.memory_space<hbm>> -> memref<80x128xf32, #tpu.memory_space<hbm>>
        %dma_start3A_107 = arith.constant 0 : i32
        %dma_start3A_108 = tpu.memref_slice %arg5[%multiple_of3A_72, %dma_start3A_107] : memref<161280x128xf32, #tpu.memory_space<hbm>> -> memref<80x128xf32, #tpu.memory_space<hbm>>
        tpu.enqueue_dma source(%arg9 : memref<80x128xf32, #tpu.memory_space<vmem>>) target(%dma_start3A_108 : memref<80x128xf32, #tpu.memory_space<hbm>>) target_semaphore(%run_scoped3A : memref<!tpu.dma_semaphore, #tpu.memory_space<semaphore_mem>>)
        %dma_wait3A_109 = arith.constant 0 : i32
        %dma_wait3A_110 = tpu.memref_slice %arg5[%multiple_of3A_72, %dma_wait3A_109] : memref<161280x128xf32, #tpu.memory_space<hbm>> -> memref<80x128xf32, #tpu.memory_space<hbm>>
        %dma_wait3A_111 = arith.constant 0 : i32
        %dma_wait3A_112 = tpu.memref_slice %arg5[%multiple_of3A_72, %dma_wait3A_111] : memref<161280x128xf32, #tpu.memory_space<hbm>> -> memref<80x128xf32, #tpu.memory_space<hbm>>
        tpu.wait_dma2 semaphore(%run_scoped3A : memref<!tpu.dma_semaphore, #tpu.memory_space<semaphore_mem>>) src(%arg9 : memref<80x128xf32, #tpu.memory_space<vmem>>) dst(%dma_wait3A_112 : memref<80x128xf32, #tpu.memory_space<hbm>>)
        tpu.yield
      }) : () -> ()
      "tpu.region"() ({
        %run_scoped3A = tpu.sem_alloc : memref<!tpu.dma_semaphore, #tpu.memory_space<semaphore_mem>>
        %dma_start3A_105 = arith.constant 0 : i32
        %dma_start3A_106 = tpu.memref_slice %arg6[%multiple_of3A_72, %dma_start3A_105] : memref<161280x128xf32, #tpu.memory_space<hbm>> -> memref<80x128xf32, #tpu.memory_space<hbm>>
        %dma_start3A_107 = arith.constant 0 : i32
        %dma_start3A_108 = tpu.memref_slice %arg6[%multiple_of3A_72, %dma_start3A_107] : memref<161280x128xf32, #tpu.memory_space<hbm>> -> memref<80x128xf32, #tpu.memory_space<hbm>>
        tpu.enqueue_dma source(%arg10 : memref<80x128xf32, #tpu.memory_space<vmem>>) target(%dma_start3A_108 : memref<80x128xf32, #tpu.memory_space<hbm>>) target_semaphore(%run_scoped3A : memref<!tpu.dma_semaphore, #tpu.memory_space<semaphore_mem>>)
        %dma_wait3A_109 = arith.constant 0 : i32
        %dma_wait3A_110 = tpu.memref_slice %arg6[%multiple_of3A_72, %dma_wait3A_109] : memref<161280x128xf32, #tpu.memory_space<hbm>> -> memref<80x128xf32, #tpu.memory_space<hbm>>
        %dma_wait3A_111 = arith.constant 0 : i32
        %dma_wait3A_112 = tpu.memref_slice %arg6[%multiple_of3A_72, %dma_wait3A_111] : memref<161280x128xf32, #tpu.memory_space<hbm>> -> memref<80x128xf32, #tpu.memory_space<hbm>>
        tpu.wait_dma2 semaphore(%run_scoped3A : memref<!tpu.dma_semaphore, #tpu.memory_space<semaphore_mem>>) src(%arg10 : memref<80x128xf32, #tpu.memory_space<vmem>>) dst(%dma_wait3A_112 : memref<80x128xf32, #tpu.memory_space<hbm>>)
        tpu.yield
      }) : () -> ()
      %dma_wait3A_93 = arith.constant 0 : i32
      %dma_wait3A_94 = tpu.memref_slice %arg7[%add3A_52, %dma_wait3A_93] : memref<63x80xi32, #tpu.memory_space<vmem>> -> memref<1x80xi32, #tpu.memory_space<vmem>>
      %dma_wait3A_95 = tpu.memref_squeeze %dma_wait3A_94 : memref<1x80xi32, #tpu.memory_space<vmem>> -> memref<80xi32, #tpu.memory_space<vmem>>
      %dma_wait3A_96 = arith.constant 0 : i32
      %dma_wait3A_97 = arith.constant 0 : i32
      %dma_wait3A_98 = tpu.memref_slice %arg2[%dma_wait3A_96, %dma_wait3A_97] : memref<10000x128xf32, #tpu.memory_space<hbm>> -> memref<10000x128xf32, #tpu.memory_space<hbm>>
      tpu.wait_indirect_dma semaphore(%arg14 : memref<!tpu.dma_semaphore, #tpu.memory_space<semaphore_mem>>) src(%dma_wait3A_98 : memref<10000x128xf32, #tpu.memory_space<hbm>>) dst(%arg11 : memref<80x128xf32, #tpu.memory_space<vmem>>)
      %dma_wait3A_99 = arith.constant 0 : i32
      %dma_wait3A_100 = tpu.memref_slice %arg8[%add3A_60, %dma_wait3A_99] : memref<63x80xi32, #tpu.memory_space<vmem>> -> memref<1x80xi32, #tpu.memory_space<vmem>>
      %dma_wait3A_101 = tpu.memref_squeeze %dma_wait3A_100 : memref<1x80xi32, #tpu.memory_space<vmem>> -> memref<80xi32, #tpu.memory_space<vmem>>
      %dma_wait3A_102 = arith.constant 0 : i32
      %dma_wait3A_103 = arith.constant 0 : i32
      %dma_wait3A_104 = tpu.memref_slice %arg2[%dma_wait3A_102, %dma_wait3A_103] : memref<10000x128xf32, #tpu.memory_space<hbm>> -> memref<10000x128xf32, #tpu.memory_space<hbm>>
      tpu.wait_indirect_dma semaphore(%arg14 : memref<!tpu.dma_semaphore, #tpu.memory_space<semaphore_mem>>) src(%dma_wait3A_104 : memref<10000x128xf32, #tpu.memory_space<hbm>>) dst(%arg12 : memref<80x128xf32, #tpu.memory_space<vmem>>)
      "tpu.region"() ({
        %run_scoped3A = tpu.sem_alloc : memref<!tpu.dma_semaphore, #tpu.memory_space<semaphore_mem>>
        %dma_start3A_105 = arith.constant 0 : i32
        %dma_start3A_106 = tpu.memref_slice %arg5[%multiple_of3A_80, %dma_start3A_105] : memref<161280x128xf32, #tpu.memory_space<hbm>> -> memref<80x128xf32, #tpu.memory_space<hbm>>
        %dma_start3A_107 = arith.constant 0 : i32
        %dma_start3A_108 = tpu.memref_slice %arg5[%multiple_of3A_80, %dma_start3A_107] : memref<161280x128xf32, #tpu.memory_space<hbm>> -> memref<80x128xf32, #tpu.memory_space<hbm>>
        tpu.enqueue_dma source(%arg11 : memref<80x128xf32, #tpu.memory_space<vmem>>) target(%dma_start3A_108 : memref<80x128xf32, #tpu.memory_space<hbm>>) target_semaphore(%run_scoped3A : memref<!tpu.dma_semaphore, #tpu.memory_space<semaphore_mem>>)
        %dma_wait3A_109 = arith.constant 0 : i32
        %dma_wait3A_110 = tpu.memref_slice %arg5[%multiple_of3A_80, %dma_wait3A_109] : memref<161280x128xf32, #tpu.memory_space<hbm>> -> memref<80x128xf32, #tpu.memory_space<hbm>>
        %dma_wait3A_111 = arith.constant 0 : i32
        %dma_wait3A_112 = tpu.memref_slice %arg5[%multiple_of3A_80, %dma_wait3A_111] : memref<161280x128xf32, #tpu.memory_space<hbm>> -> memref<80x128xf32, #tpu.memory_space<hbm>>
        tpu.wait_dma2 semaphore(%run_scoped3A : memref<!tpu.dma_semaphore, #tpu.memory_space<semaphore_mem>>) src(%arg11 : memref<80x128xf32, #tpu.memory_space<vmem>>) dst(%dma_wait3A_112 : memref<80x128xf32, #tpu.memory_space<hbm>>)
        tpu.yield
      }) : () -> ()
      "tpu.region"() ({
        %run_scoped3A = tpu.sem_alloc : memref<!tpu.dma_semaphore, #tpu.memory_space<semaphore_mem>>
        %dma_start3A_105 = arith.constant 0 : i32
        %dma_start3A_106 = tpu.memref_slice %arg6[%multiple_of3A_80, %dma_start3A_105] : memref<161280x128xf32, #tpu.memory_space<hbm>> -> memref<80x128xf32, #tpu.memory_space<hbm>>
        %dma_start3A_107 = arith.constant 0 : i32
        %dma_start3A_108 = tpu.memref_slice %arg6[%multiple_of3A_80, %dma_start3A_107] : memref<161280x128xf32, #tpu.memory_space<hbm>> -> memref<80x128xf32, #tpu.memory_space<hbm>>
        tpu.enqueue_dma source(%arg12 : memref<80x128xf32, #tpu.memory_space<vmem>>) target(%dma_start3A_108 : memref<80x128xf32, #tpu.memory_space<hbm>>) target_semaphore(%run_scoped3A : memref<!tpu.dma_semaphore, #tpu.memory_space<semaphore_mem>>)
        %dma_wait3A_109 = arith.constant 0 : i32
        %dma_wait3A_110 = tpu.memref_slice %arg6[%multiple_of3A_80, %dma_wait3A_109] : memref<161280x128xf32, #tpu.memory_space<hbm>> -> memref<80x128xf32, #tpu.memory_space<hbm>>
        %dma_wait3A_111 = arith.constant 0 : i32
        %dma_wait3A_112 = tpu.memref_slice %arg6[%multiple_of3A_80, %dma_wait3A_111] : memref<161280x128xf32, #tpu.memory_space<hbm>> -> memref<80x128xf32, #tpu.memory_space<hbm>>
        tpu.wait_dma2 semaphore(%run_scoped3A : memref<!tpu.dma_semaphore, #tpu.memory_space<semaphore_mem>>) src(%arg12 : memref<80x128xf32, #tpu.memory_space<vmem>>) dst(%dma_wait3A_112 : memref<80x128xf32, #tpu.memory_space<hbm>>)
        tpu.yield
      }) : () -> ()
    }
    %scan3A_7 = arith.constant 31 : i32
    %add3A_8 = arith.constant 158720 : i32
    %add3A_9 = arith.addi %mul3A_2, %add3A_8 : i32
    %multiple_of3A = tpu.assume_multiple %add3A_9, 8 : i32
    %dma_start3A = arith.constant 62 : i32
    %dma_start3A_10 = arith.constant 0 : i32
    %dma_start3A_11 = tpu.memref_slice %arg7[%dma_start3A, %dma_start3A_10] : memref<63x80xi32, #tpu.memory_space<vmem>> -> memref<1x80xi32, #tpu.memory_space<vmem>>
    %dma_start3A_12 = tpu.memref_squeeze %dma_start3A_11 : memref<1x80xi32, #tpu.memory_space<vmem>> -> memref<80xi32, #tpu.memory_space<vmem>>
    %dma_start3A_13 = arith.constant 0 : i32
    %dma_start3A_14 = arith.constant 0 : i32
    %dma_start3A_15 = tpu.memref_slice %arg2[%dma_start3A_13, %dma_start3A_14] : memref<10000x128xf32, #tpu.memory_space<hbm>> -> memref<10000x128xf32, #tpu.memory_space<hbm>>
    tpu.enqueue_indirect_dma source(%dma_start3A_15 : memref<10000x128xf32, #tpu.memory_space<hbm>>) target(%arg9 : memref<80x128xf32, #tpu.memory_space<vmem>>) offsets(%dma_start3A_12 : memref<80xi32, #tpu.memory_space<vmem>>) semaphore(%arg13 : memref<!tpu.dma_semaphore, #tpu.memory_space<semaphore_mem>>)
    %dma_start3A_16 = arith.constant 62 : i32
    %dma_start3A_17 = arith.constant 0 : i32
    %dma_start3A_18 = tpu.memref_slice %arg8[%dma_start3A_16, %dma_start3A_17] : memref<63x80xi32, #tpu.memory_space<vmem>> -> memref<1x80xi32, #tpu.memory_space<vmem>>
    %dma_start3A_19 = tpu.memref_squeeze %dma_start3A_18 : memref<1x80xi32, #tpu.memory_space<vmem>> -> memref<80xi32, #tpu.memory_space<vmem>>
    %dma_start3A_20 = arith.constant 0 : i32
    %dma_start3A_21 = arith.constant 0 : i32
    %dma_start3A_22 = tpu.memref_slice %arg2[%dma_start3A_20, %dma_start3A_21] : memref<10000x128xf32, #tpu.memory_space<hbm>> -> memref<10000x128xf32, #tpu.memory_space<hbm>>
    tpu.enqueue_indirect_dma source(%dma_start3A_22 : memref<10000x128xf32, #tpu.memory_space<hbm>>) target(%arg10 : memref<80x128xf32, #tpu.memory_space<vmem>>) offsets(%dma_start3A_19 : memref<80xi32, #tpu.memory_space<vmem>>) semaphore(%arg13 : memref<!tpu.dma_semaphore, #tpu.memory_space<semaphore_mem>>)
    %dma_wait3A = arith.constant 62 : i32
    %dma_wait3A_23 = arith.constant 0 : i32
    %dma_wait3A_24 = tpu.memref_slice %arg7[%dma_wait3A, %dma_wait3A_23] : memref<63x80xi32, #tpu.memory_space<vmem>> -> memref<1x80xi32, #tpu.memory_space<vmem>>
    %dma_wait3A_25 = tpu.memref_squeeze %dma_wait3A_24 : memref<1x80xi32, #tpu.memory_space<vmem>> -> memref<80xi32, #tpu.memory_space<vmem>>
    %dma_wait3A_26 = arith.constant 0 : i32
    %dma_wait3A_27 = arith.constant 0 : i32
    %dma_wait3A_28 = tpu.memref_slice %arg2[%dma_wait3A_26, %dma_wait3A_27] : memref<10000x128xf32, #tpu.memory_space<hbm>> -> memref<10000x128xf32, #tpu.memory_space<hbm>>
    tpu.wait_indirect_dma semaphore(%arg13 : memref<!tpu.dma_semaphore, #tpu.memory_space<semaphore_mem>>) src(%dma_wait3A_28 : memref<10000x128xf32, #tpu.memory_space<hbm>>) dst(%arg9 : memref<80x128xf32, #tpu.memory_space<vmem>>)
    %dma_wait3A_29 = arith.constant 62 : i32
    %dma_wait3A_30 = arith.constant 0 : i32
    %dma_wait3A_31 = tpu.memref_slice %arg8[%dma_wait3A_29, %dma_wait3A_30] : memref<63x80xi32, #tpu.memory_space<vmem>> -> memref<1x80xi32, #tpu.memory_space<vmem>>
    %dma_wait3A_32 = tpu.memref_squeeze %dma_wait3A_31 : memref<1x80xi32, #tpu.memory_space<vmem>> -> memref<80xi32, #tpu.memory_space<vmem>>
    %dma_wait3A_33 = arith.constant 0 : i32
    %dma_wait3A_34 = arith.constant 0 : i32
    %dma_wait3A_35 = tpu.memref_slice %arg2[%dma_wait3A_33, %dma_wait3A_34] : memref<10000x128xf32, #tpu.memory_space<hbm>> -> memref<10000x128xf32, #tpu.memory_space<hbm>>
    tpu.wait_indirect_dma semaphore(%arg13 : memref<!tpu.dma_semaphore, #tpu.memory_space<semaphore_mem>>) src(%dma_wait3A_35 : memref<10000x128xf32, #tpu.memory_space<hbm>>) dst(%arg10 : memref<80x128xf32, #tpu.memory_space<vmem>>)
    "tpu.region"() ({
      %run_scoped3A = tpu.sem_alloc : memref<!tpu.dma_semaphore, #tpu.memory_space<semaphore_mem>>
      %dma_start3A_36 = arith.constant 0 : i32
      %dma_start3A_37 = tpu.memref_slice %arg5[%multiple_of3A, %dma_start3A_36] : memref<161280x128xf32, #tpu.memory_space<hbm>> -> memref<80x128xf32, #tpu.memory_space<hbm>>
      %dma_start3A_38 = arith.constant 0 : i32
      %dma_start3A_39 = tpu.memref_slice %arg5[%multiple_of3A, %dma_start3A_38] : memref<161280x128xf32, #tpu.memory_space<hbm>> -> memref<80x128xf32, #tpu.memory_space<hbm>>
      tpu.enqueue_dma source(%arg9 : memref<80x128xf32, #tpu.memory_space<vmem>>) target(%dma_start3A_39 : memref<80x128xf32, #tpu.memory_space<hbm>>) target_semaphore(%run_scoped3A : memref<!tpu.dma_semaphore, #tpu.memory_space<semaphore_mem>>)
      %dma_wait3A_40 = arith.constant 0 : i32
      %dma_wait3A_41 = tpu.memref_slice %arg5[%multiple_of3A, %dma_wait3A_40] : memref<161280x128xf32, #tpu.memory_space<hbm>> -> memref<80x128xf32, #tpu.memory_space<hbm>>
      %dma_wait3A_42 = arith.constant 0 : i32
      %dma_wait3A_43 = tpu.memref_slice %arg5[%multiple_of3A, %dma_wait3A_42] : memref<161280x128xf32, #tpu.memory_space<hbm>> -> memref<80x128xf32, #tpu.memory_space<hbm>>
      tpu.wait_dma2 semaphore(%run_scoped3A : memref<!tpu.dma_semaphore, #tpu.memory_space<semaphore_mem>>) src(%arg9 : memref<80x128xf32, #tpu.memory_space<vmem>>) dst(%dma_wait3A_43 : memref<80x128xf32, #tpu.memory_space<hbm>>)
      tpu.yield
    }) : () -> ()
    "tpu.region"() ({
      %run_scoped3A = tpu.sem_alloc : memref<!tpu.dma_semaphore, #tpu.memory_space<semaphore_mem>>
      %dma_start3A_36 = arith.constant 0 : i32
      %dma_start3A_37 = tpu.memref_slice %arg6[%multiple_of3A, %dma_start3A_36] : memref<161280x128xf32, #tpu.memory_space<hbm>> -> memref<80x128xf32, #tpu.memory_space<hbm>>
      %dma_start3A_38 = arith.constant 0 : i32
      %dma_start3A_39 = tpu.memref_slice %arg6[%multiple_of3A, %dma_start3A_38] : memref<161280x128xf32, #tpu.memory_space<hbm>> -> memref<80x128xf32, #tpu.memory_space<hbm>>
      tpu.enqueue_dma source(%arg10 : memref<80x128xf32, #tpu.memory_space<vmem>>) target(%dma_start3A_39 : memref<80x128xf32, #tpu.memory_space<hbm>>) target_semaphore(%run_scoped3A : memref<!tpu.dma_semaphore, #tpu.memory_space<semaphore_mem>>)
      %dma_wait3A_40 = arith.constant 0 : i32
      %dma_wait3A_41 = tpu.memref_slice %arg6[%multiple_of3A, %dma_wait3A_40] : memref<161280x128xf32, #tpu.memory_space<hbm>> -> memref<80x128xf32, #tpu.memory_space<hbm>>
      %dma_wait3A_42 = arith.constant 0 : i32
      %dma_wait3A_43 = tpu.memref_slice %arg6[%multiple_of3A, %dma_wait3A_42] : memref<161280x128xf32, #tpu.memory_space<hbm>> -> memref<80x128xf32, #tpu.memory_space<hbm>>
      tpu.wait_dma2 semaphore(%run_scoped3A : memref<!tpu.dma_semaphore, #tpu.memory_space<semaphore_mem>>) src(%arg10 : memref<80x128xf32, #tpu.memory_space<vmem>>) dst(%dma_wait3A_43 : memref<80x128xf32, #tpu.memory_space<hbm>>)
      tpu.yield
    }) : () -> ()
    return
  }
}

#map = affine_map<(d0, d1) -> (0, 0, 0)>
#map1 = affine_map<(d0, d1) -> (0, 0)>
module attributes {stable_mosaic.version = 14 : i64} {
  func.func @k(%arg0: i32, %arg1: i32, %arg2: memref<32x125x80xi32, #tpu.memory_space<hbm>>, %arg3: memref<80x128xf32, #tpu.memory_space<hbm>>, %arg4: memref<640x128xf32, #tpu.memory_space<hbm>>, %arg5: memref<2x10240x128xf32, #tpu.memory_space<hbm>>, %arg6: memref<125x80xi32, #tpu.memory_space<vmem>>, %arg7: memref<80x128xf32, #tpu.memory_space<vmem>>, %arg8: memref<10240x128xf32, #tpu.memory_space<vmem_shared>>, %arg9: memref<!tpu.dma_semaphore, #tpu.memory_space<semaphore_mem>>) attributes {dimension_semantics = [#tpu.dimension_semantics<core_parallel>, #tpu.dimension_semantics<subcore_parallel>], iteration_bounds = array<i64: 2, 16>, scalar_prefetch = 0 : i64, scratch_operands = 4 : i64, tpu.core_type = #tpu.core_type<sc_vector_subcore>, window_params = [{transform_indices = #map}, {transform_indices = #map1}, {transform_indices = #map1}, {transform_indices = #map}]} {
    %mul3A = arith.constant 2 : i32
    %mul3A_0 = arith.muli %arg1, %mul3A : i32
    %add3A = arith.addi %mul3A_0, %arg0 : i32
    %mul3A_1 = arith.constant 640 : i32
    %mul3A_2 = arith.muli %arg1, %mul3A_1 : i32
    "tpu.region"() ({
      %run_scoped3A = tpu.sem_alloc : memref<!tpu.dma_semaphore, #tpu.memory_space<semaphore_mem>>
      %dma_start3A = arith.constant 0 : i32
      %dma_start3A_13 = tpu.memref_slice %arg8[%mul3A_2, %dma_start3A] : memref<10240x128xf32, #tpu.memory_space<vmem_shared>> -> memref<640x128xf32, #tpu.memory_space<vmem_shared>>
      tpu.enqueue_dma source(%arg4 : memref<640x128xf32, #tpu.memory_space<hbm>>) target(%dma_start3A_13 : memref<640x128xf32, #tpu.memory_space<vmem_shared>>) target_semaphore(%run_scoped3A : memref<!tpu.dma_semaphore, #tpu.memory_space<semaphore_mem>>)
      %dma_wait3A = arith.constant 0 : i32
      %dma_wait3A_14 = tpu.memref_slice %arg8[%mul3A_2, %dma_wait3A] : memref<10240x128xf32, #tpu.memory_space<vmem_shared>> -> memref<640x128xf32, #tpu.memory_space<vmem_shared>>
      tpu.wait_dma2 semaphore(%run_scoped3A : memref<!tpu.dma_semaphore, #tpu.memory_space<semaphore_mem>>) src(%arg4 : memref<640x128xf32, #tpu.memory_space<hbm>>) dst(%dma_wait3A_14 : memref<640x128xf32, #tpu.memory_space<vmem_shared>>)
      tpu.yield
    }) : () -> ()
    "tpu.region"() ({
      %run_scoped3A = tpu.sem_alloc : memref<!tpu.dma_semaphore, #tpu.memory_space<semaphore_mem>>
      %dma_start3A = arith.constant 0 : i32
      %dma_start3A_13 = arith.constant 0 : i32
      %dma_start3A_14 = tpu.memref_slice %arg2[%add3A, %dma_start3A, %dma_start3A_13] : memref<32x125x80xi32, #tpu.memory_space<hbm>> -> memref<1x125x80xi32, #tpu.memory_space<hbm>>
      %dma_start3A_15 = tpu.memref_squeeze %dma_start3A_14 : memref<1x125x80xi32, #tpu.memory_space<hbm>> -> memref<125x80xi32, #tpu.memory_space<hbm>>
      %dma_start3A_16 = arith.constant 0 : i32
      %dma_start3A_17 = arith.constant 0 : i32
      %dma_start3A_18 = tpu.memref_slice %arg2[%add3A, %dma_start3A_16, %dma_start3A_17] : memref<32x125x80xi32, #tpu.memory_space<hbm>> -> memref<1x125x80xi32, #tpu.memory_space<hbm>>
      %dma_start3A_19 = tpu.memref_squeeze %dma_start3A_18 : memref<1x125x80xi32, #tpu.memory_space<hbm>> -> memref<125x80xi32, #tpu.memory_space<hbm>>
      tpu.enqueue_dma source(%dma_start3A_19 : memref<125x80xi32, #tpu.memory_space<hbm>>) target(%arg6 : memref<125x80xi32, #tpu.memory_space<vmem>>) target_semaphore(%run_scoped3A : memref<!tpu.dma_semaphore, #tpu.memory_space<semaphore_mem>>)
      %dma_wait3A = arith.constant 0 : i32
      %dma_wait3A_20 = arith.constant 0 : i32
      %dma_wait3A_21 = tpu.memref_slice %arg2[%add3A, %dma_wait3A, %dma_wait3A_20] : memref<32x125x80xi32, #tpu.memory_space<hbm>> -> memref<1x125x80xi32, #tpu.memory_space<hbm>>
      %dma_wait3A_22 = tpu.memref_squeeze %dma_wait3A_21 : memref<1x125x80xi32, #tpu.memory_space<hbm>> -> memref<125x80xi32, #tpu.memory_space<hbm>>
      %dma_wait3A_23 = arith.constant 0 : i32
      %dma_wait3A_24 = arith.constant 0 : i32
      %dma_wait3A_25 = tpu.memref_slice %arg2[%add3A, %dma_wait3A_23, %dma_wait3A_24] : memref<32x125x80xi32, #tpu.memory_space<hbm>> -> memref<1x125x80xi32, #tpu.memory_space<hbm>>
      %dma_wait3A_26 = tpu.memref_squeeze %dma_wait3A_25 : memref<1x125x80xi32, #tpu.memory_space<hbm>> -> memref<125x80xi32, #tpu.memory_space<hbm>>
      tpu.wait_dma2 semaphore(%run_scoped3A : memref<!tpu.dma_semaphore, #tpu.memory_space<semaphore_mem>>) src(%dma_wait3A_26 : memref<125x80xi32, #tpu.memory_space<hbm>>) dst(%arg6 : memref<125x80xi32, #tpu.memory_space<vmem>>)
      tpu.yield
    }) : () -> ()
    "tpu.region"() ({
      %run_scoped3A = tpu.sem_alloc : memref<!tpu.dma_semaphore, #tpu.memory_space<semaphore_mem>>
      tpu.enqueue_dma source(%arg3 : memref<80x128xf32, #tpu.memory_space<hbm>>) target(%arg7 : memref<80x128xf32, #tpu.memory_space<vmem>>) target_semaphore(%run_scoped3A : memref<!tpu.dma_semaphore, #tpu.memory_space<semaphore_mem>>)
      tpu.wait_dma2 semaphore(%run_scoped3A : memref<!tpu.dma_semaphore, #tpu.memory_space<semaphore_mem>>) src(%arg3 : memref<80x128xf32, #tpu.memory_space<hbm>>) dst(%arg7 : memref<80x128xf32, #tpu.memory_space<vmem>>)
      tpu.yield
    }) : () -> ()
    %barrier3A = arith.constant 0 : index
    tpu.barrier barrier_id(%barrier3A)
    %scan3A = arith.constant 0 : i32
    %scan3A_3 = arith.constant 0 : i32
    %scan3A_4 = arith.constant 125 : i32
    %scan3A_5 = arith.addi %scan3A_3, %scan3A_4 : i32
    %scan3A_6 = arith.constant 1 : i32
    scf.for %scan3A_13 = %scan3A_3 to %scan3A_5 step %scan3A_6  : i32 {
      "tpu.region"() ({
        %run_scoped3A = tpu.sem_alloc : memref<!tpu.dma_semaphore, #tpu.memory_space<semaphore_mem>>
        %dma_start3A = arith.constant 0 : i32
        %dma_start3A_14 = tpu.memref_slice %arg6[%scan3A_13, %dma_start3A] : memref<125x80xi32, #tpu.memory_space<vmem>> -> memref<1x80xi32, #tpu.memory_space<vmem>>
        %dma_start3A_15 = tpu.memref_squeeze %dma_start3A_14 : memref<1x80xi32, #tpu.memory_space<vmem>> -> memref<80xi32, #tpu.memory_space<vmem>>
        %dma_start3A_16 = arith.constant 0 : i32
        %dma_start3A_17 = arith.constant 0 : i32
        %dma_start3A_18 = tpu.memref_slice %arg8[%dma_start3A_16, %dma_start3A_17] : memref<10240x128xf32, #tpu.memory_space<vmem_shared>> -> memref<10240x128xf32, #tpu.memory_space<vmem_shared>>
        tpu.enqueue_indirect_dma source(%arg7 : memref<80x128xf32, #tpu.memory_space<vmem>>) target(%dma_start3A_18 : memref<10240x128xf32, #tpu.memory_space<vmem_shared>>) offsets(%dma_start3A_15 : memref<80xi32, #tpu.memory_space<vmem>>) semaphore(%run_scoped3A : memref<!tpu.dma_semaphore, #tpu.memory_space<semaphore_mem>>) {add = true}
        %dma_wait3A = arith.constant 0 : i32
        %dma_wait3A_19 = tpu.memref_slice %arg6[%scan3A_13, %dma_wait3A] : memref<125x80xi32, #tpu.memory_space<vmem>> -> memref<1x80xi32, #tpu.memory_space<vmem>>
        %dma_wait3A_20 = tpu.memref_squeeze %dma_wait3A_19 : memref<1x80xi32, #tpu.memory_space<vmem>> -> memref<80xi32, #tpu.memory_space<vmem>>
        %dma_wait3A_21 = arith.constant 0 : i32
        %dma_wait3A_22 = arith.constant 0 : i32
        %dma_wait3A_23 = tpu.memref_slice %arg8[%dma_wait3A_21, %dma_wait3A_22] : memref<10240x128xf32, #tpu.memory_space<vmem_shared>> -> memref<10240x128xf32, #tpu.memory_space<vmem_shared>>
        tpu.wait_indirect_dma semaphore(%run_scoped3A : memref<!tpu.dma_semaphore, #tpu.memory_space<semaphore_mem>>) src(%arg7 : memref<80x128xf32, #tpu.memory_space<vmem>>) dst(%dma_wait3A_23 : memref<10240x128xf32, #tpu.memory_space<vmem_shared>>)
        tpu.yield
      }) : () -> ()
    }
    %scan3A_7 = arith.constant 125 : i32
    %barrier3A_8 = arith.constant 0 : index
    tpu.barrier barrier_id(%barrier3A_8)
    %mul3A_9 = arith.constant 640 : i32
    %mul3A_10 = arith.muli %arg1, %mul3A_9 : i32
    %mul3A_11 = arith.constant 640 : i32
    %mul3A_12 = arith.muli %arg1, %mul3A_11 : i32
    "tpu.region"() ({
      %run_scoped3A = tpu.sem_alloc : memref<!tpu.dma_semaphore, #tpu.memory_space<semaphore_mem>>
      %dma_start3A = arith.constant 0 : i32
      %dma_start3A_13 = tpu.memref_slice %arg5[%arg0, %mul3A_12, %dma_start3A] : memref<2x10240x128xf32, #tpu.memory_space<hbm>> -> memref<1x640x128xf32, #tpu.memory_space<hbm>>
      %dma_start3A_14 = tpu.memref_squeeze %dma_start3A_13 : memref<1x640x128xf32, #tpu.memory_space<hbm>> -> memref<640x128xf32, #tpu.memory_space<hbm>>
      %dma_start3A_15 = arith.constant 0 : i32
      %dma_start3A_16 = tpu.memref_slice %arg8[%mul3A_10, %dma_start3A_15] : memref<10240x128xf32, #tpu.memory_space<vmem_shared>> -> memref<640x128xf32, #tpu.memory_space<vmem_shared>>
      tpu.enqueue_dma source(%dma_start3A_16 : memref<640x128xf32, #tpu.memory_space<vmem_shared>>) target(%dma_start3A_14 : memref<640x128xf32, #tpu.memory_space<hbm>>) target_semaphore(%run_scoped3A : memref<!tpu.dma_semaphore, #tpu.memory_space<semaphore_mem>>)
      %dma_wait3A = arith.constant 0 : i32
      %dma_wait3A_17 = tpu.memref_slice %arg5[%arg0, %mul3A_12, %dma_wait3A] : memref<2x10240x128xf32, #tpu.memory_space<hbm>> -> memref<1x640x128xf32, #tpu.memory_space<hbm>>
      %dma_wait3A_18 = tpu.memref_squeeze %dma_wait3A_17 : memref<1x640x128xf32, #tpu.memory_space<hbm>> -> memref<640x128xf32, #tpu.memory_space<hbm>>
      %dma_wait3A_19 = arith.constant 0 : i32
      %dma_wait3A_20 = tpu.memref_slice %arg8[%mul3A_10, %dma_wait3A_19] : memref<10240x128xf32, #tpu.memory_space<vmem_shared>> -> memref<640x128xf32, #tpu.memory_space<vmem_shared>>
      tpu.wait_dma2 semaphore(%run_scoped3A : memref<!tpu.dma_semaphore, #tpu.memory_space<semaphore_mem>>) src(%dma_wait3A_20 : memref<640x128xf32, #tpu.memory_space<vmem_shared>>) dst(%dma_wait3A_18 : memref<640x128xf32, #tpu.memory_space<hbm>>)
      tpu.yield
    }) : () -> ()
    return
  }
}

#map = affine_map<(d0, d1) -> (0, 0)>
#map1 = affine_map<(d0, d1) -> (0, 0, 0)>
module attributes {stable_mosaic.version = 14 : i64} {
  func.func @k(%arg0: i32, %arg1: i32, %arg2: memref<10000x128xf32, #tpu.memory_space<hbm>>, %arg3: memref<32x125x80xi32, #tpu.memory_space<hbm>>, %arg4: memref<32x125x80xi32, #tpu.memory_space<hbm>>, %arg5: memref<640x128xf32, #tpu.memory_space<hbm>>, %arg6: memref<2x10240x128xf32, #tpu.memory_space<hbm>>, %arg7: memref<125x80xi32, #tpu.memory_space<vmem>>, %arg8: memref<125x80xi32, #tpu.memory_space<vmem>>, %arg9: memref<80x128xf32, #tpu.memory_space<vmem>>, %arg10: memref<10240x128xf32, #tpu.memory_space<vmem_shared>>, %arg11: memref<!tpu.dma_semaphore, #tpu.memory_space<semaphore_mem>>) attributes {dimension_semantics = [#tpu.dimension_semantics<core_parallel>, #tpu.dimension_semantics<subcore_parallel>], iteration_bounds = array<i64: 2, 16>, scalar_prefetch = 0 : i64, scratch_operands = 5 : i64, tpu.core_type = #tpu.core_type<sc_vector_subcore>, window_params = [{transform_indices = #map}, {transform_indices = #map1}, {transform_indices = #map1}, {transform_indices = #map}, {transform_indices = #map1}]} {
    %mul3A = arith.constant 2 : i32
    %mul3A_0 = arith.muli %arg1, %mul3A : i32
    %add3A = arith.addi %mul3A_0, %arg0 : i32
    %mul3A_1 = arith.constant 640 : i32
    %mul3A_2 = arith.muli %arg1, %mul3A_1 : i32
    "tpu.region"() ({
      %run_scoped3A = tpu.sem_alloc : memref<!tpu.dma_semaphore, #tpu.memory_space<semaphore_mem>>
      %dma_start3A = arith.constant 0 : i32
      %dma_start3A_13 = tpu.memref_slice %arg10[%mul3A_2, %dma_start3A] : memref<10240x128xf32, #tpu.memory_space<vmem_shared>> -> memref<640x128xf32, #tpu.memory_space<vmem_shared>>
      tpu.enqueue_dma source(%arg5 : memref<640x128xf32, #tpu.memory_space<hbm>>) target(%dma_start3A_13 : memref<640x128xf32, #tpu.memory_space<vmem_shared>>) target_semaphore(%run_scoped3A : memref<!tpu.dma_semaphore, #tpu.memory_space<semaphore_mem>>)
      %dma_wait3A = arith.constant 0 : i32
      %dma_wait3A_14 = tpu.memref_slice %arg10[%mul3A_2, %dma_wait3A] : memref<10240x128xf32, #tpu.memory_space<vmem_shared>> -> memref<640x128xf32, #tpu.memory_space<vmem_shared>>
      tpu.wait_dma2 semaphore(%run_scoped3A : memref<!tpu.dma_semaphore, #tpu.memory_space<semaphore_mem>>) src(%arg5 : memref<640x128xf32, #tpu.memory_space<hbm>>) dst(%dma_wait3A_14 : memref<640x128xf32, #tpu.memory_space<vmem_shared>>)
      tpu.yield
    }) : () -> ()
    "tpu.region"() ({
      %run_scoped3A = tpu.sem_alloc : memref<!tpu.dma_semaphore, #tpu.memory_space<semaphore_mem>>
      %dma_start3A = arith.constant 0 : i32
      %dma_start3A_13 = arith.constant 0 : i32
      %dma_start3A_14 = tpu.memref_slice %arg3[%add3A, %dma_start3A, %dma_start3A_13] : memref<32x125x80xi32, #tpu.memory_space<hbm>> -> memref<1x125x80xi32, #tpu.memory_space<hbm>>
      %dma_start3A_15 = tpu.memref_squeeze %dma_start3A_14 : memref<1x125x80xi32, #tpu.memory_space<hbm>> -> memref<125x80xi32, #tpu.memory_space<hbm>>
      %dma_start3A_16 = arith.constant 0 : i32
      %dma_start3A_17 = arith.constant 0 : i32
      %dma_start3A_18 = tpu.memref_slice %arg3[%add3A, %dma_start3A_16, %dma_start3A_17] : memref<32x125x80xi32, #tpu.memory_space<hbm>> -> memref<1x125x80xi32, #tpu.memory_space<hbm>>
      %dma_start3A_19 = tpu.memref_squeeze %dma_start3A_18 : memref<1x125x80xi32, #tpu.memory_space<hbm>> -> memref<125x80xi32, #tpu.memory_space<hbm>>
      tpu.enqueue_dma source(%dma_start3A_19 : memref<125x80xi32, #tpu.memory_space<hbm>>) target(%arg7 : memref<125x80xi32, #tpu.memory_space<vmem>>) target_semaphore(%run_scoped3A : memref<!tpu.dma_semaphore, #tpu.memory_space<semaphore_mem>>)
      %dma_wait3A = arith.constant 0 : i32
      %dma_wait3A_20 = arith.constant 0 : i32
      %dma_wait3A_21 = tpu.memref_slice %arg3[%add3A, %dma_wait3A, %dma_wait3A_20] : memref<32x125x80xi32, #tpu.memory_space<hbm>> -> memref<1x125x80xi32, #tpu.memory_space<hbm>>
      %dma_wait3A_22 = tpu.memref_squeeze %dma_wait3A_21 : memref<1x125x80xi32, #tpu.memory_space<hbm>> -> memref<125x80xi32, #tpu.memory_space<hbm>>
      %dma_wait3A_23 = arith.constant 0 : i32
      %dma_wait3A_24 = arith.constant 0 : i32
      %dma_wait3A_25 = tpu.memref_slice %arg3[%add3A, %dma_wait3A_23, %dma_wait3A_24] : memref<32x125x80xi32, #tpu.memory_space<hbm>> -> memref<1x125x80xi32, #tpu.memory_space<hbm>>
      %dma_wait3A_26 = tpu.memref_squeeze %dma_wait3A_25 : memref<1x125x80xi32, #tpu.memory_space<hbm>> -> memref<125x80xi32, #tpu.memory_space<hbm>>
      tpu.wait_dma2 semaphore(%run_scoped3A : memref<!tpu.dma_semaphore, #tpu.memory_space<semaphore_mem>>) src(%dma_wait3A_26 : memref<125x80xi32, #tpu.memory_space<hbm>>) dst(%arg7 : memref<125x80xi32, #tpu.memory_space<vmem>>)
      tpu.yield
    }) : () -> ()
    "tpu.region"() ({
      %run_scoped3A = tpu.sem_alloc : memref<!tpu.dma_semaphore, #tpu.memory_space<semaphore_mem>>
      %dma_start3A = arith.constant 0 : i32
      %dma_start3A_13 = arith.constant 0 : i32
      %dma_start3A_14 = tpu.memref_slice %arg4[%add3A, %dma_start3A, %dma_start3A_13] : memref<32x125x80xi32, #tpu.memory_space<hbm>> -> memref<1x125x80xi32, #tpu.memory_space<hbm>>
      %dma_start3A_15 = tpu.memref_squeeze %dma_start3A_14 : memref<1x125x80xi32, #tpu.memory_space<hbm>> -> memref<125x80xi32, #tpu.memory_space<hbm>>
      %dma_start3A_16 = arith.constant 0 : i32
      %dma_start3A_17 = arith.constant 0 : i32
      %dma_start3A_18 = tpu.memref_slice %arg4[%add3A, %dma_start3A_16, %dma_start3A_17] : memref<32x125x80xi32, #tpu.memory_space<hbm>> -> memref<1x125x80xi32, #tpu.memory_space<hbm>>
      %dma_start3A_19 = tpu.memref_squeeze %dma_start3A_18 : memref<1x125x80xi32, #tpu.memory_space<hbm>> -> memref<125x80xi32, #tpu.memory_space<hbm>>
      tpu.enqueue_dma source(%dma_start3A_19 : memref<125x80xi32, #tpu.memory_space<hbm>>) target(%arg8 : memref<125x80xi32, #tpu.memory_space<vmem>>) target_semaphore(%run_scoped3A : memref<!tpu.dma_semaphore, #tpu.memory_space<semaphore_mem>>)
      %dma_wait3A = arith.constant 0 : i32
      %dma_wait3A_20 = arith.constant 0 : i32
      %dma_wait3A_21 = tpu.memref_slice %arg4[%add3A, %dma_wait3A, %dma_wait3A_20] : memref<32x125x80xi32, #tpu.memory_space<hbm>> -> memref<1x125x80xi32, #tpu.memory_space<hbm>>
      %dma_wait3A_22 = tpu.memref_squeeze %dma_wait3A_21 : memref<1x125x80xi32, #tpu.memory_space<hbm>> -> memref<125x80xi32, #tpu.memory_space<hbm>>
      %dma_wait3A_23 = arith.constant 0 : i32
      %dma_wait3A_24 = arith.constant 0 : i32
      %dma_wait3A_25 = tpu.memref_slice %arg4[%add3A, %dma_wait3A_23, %dma_wait3A_24] : memref<32x125x80xi32, #tpu.memory_space<hbm>> -> memref<1x125x80xi32, #tpu.memory_space<hbm>>
      %dma_wait3A_26 = tpu.memref_squeeze %dma_wait3A_25 : memref<1x125x80xi32, #tpu.memory_space<hbm>> -> memref<125x80xi32, #tpu.memory_space<hbm>>
      tpu.wait_dma2 semaphore(%run_scoped3A : memref<!tpu.dma_semaphore, #tpu.memory_space<semaphore_mem>>) src(%dma_wait3A_26 : memref<125x80xi32, #tpu.memory_space<hbm>>) dst(%arg8 : memref<125x80xi32, #tpu.memory_space<vmem>>)
      tpu.yield
    }) : () -> ()
    %barrier3A = arith.constant 0 : index
    tpu.barrier barrier_id(%barrier3A)
    %scan3A = arith.constant 0 : i32
    %scan3A_3 = arith.constant 0 : i32
    %scan3A_4 = arith.constant 125 : i32
    %scan3A_5 = arith.addi %scan3A_3, %scan3A_4 : i32
    %scan3A_6 = arith.constant 1 : i32
    scf.for %scan3A_13 = %scan3A_3 to %scan3A_5 step %scan3A_6  : i32 {
      "tpu.region"() ({
        %run_scoped3A = tpu.sem_alloc : memref<!tpu.dma_semaphore, #tpu.memory_space<semaphore_mem>>
        %dma_start3A = arith.constant 0 : i32
        %dma_start3A_14 = tpu.memref_slice %arg7[%scan3A_13, %dma_start3A] : memref<125x80xi32, #tpu.memory_space<vmem>> -> memref<1x80xi32, #tpu.memory_space<vmem>>
        %dma_start3A_15 = tpu.memref_squeeze %dma_start3A_14 : memref<1x80xi32, #tpu.memory_space<vmem>> -> memref<80xi32, #tpu.memory_space<vmem>>
        %dma_start3A_16 = arith.constant 0 : i32
        %dma_start3A_17 = arith.constant 0 : i32
        %dma_start3A_18 = tpu.memref_slice %arg2[%dma_start3A_16, %dma_start3A_17] : memref<10000x128xf32, #tpu.memory_space<hbm>> -> memref<10000x128xf32, #tpu.memory_space<hbm>>
        tpu.enqueue_indirect_dma source(%dma_start3A_18 : memref<10000x128xf32, #tpu.memory_space<hbm>>) target(%arg9 : memref<80x128xf32, #tpu.memory_space<vmem>>) offsets(%dma_start3A_15 : memref<80xi32, #tpu.memory_space<vmem>>) semaphore(%run_scoped3A : memref<!tpu.dma_semaphore, #tpu.memory_space<semaphore_mem>>)
        %dma_wait3A = arith.constant 0 : i32
        %dma_wait3A_19 = tpu.memref_slice %arg7[%scan3A_13, %dma_wait3A] : memref<125x80xi32, #tpu.memory_space<vmem>> -> memref<1x80xi32, #tpu.memory_space<vmem>>
        %dma_wait3A_20 = tpu.memref_squeeze %dma_wait3A_19 : memref<1x80xi32, #tpu.memory_space<vmem>> -> memref<80xi32, #tpu.memory_space<vmem>>
        %dma_wait3A_21 = arith.constant 0 : i32
        %dma_wait3A_22 = arith.constant 0 : i32
        %dma_wait3A_23 = tpu.memref_slice %arg2[%dma_wait3A_21, %dma_wait3A_22] : memref<10000x128xf32, #tpu.memory_space<hbm>> -> memref<10000x128xf32, #tpu.memory_space<hbm>>
        tpu.wait_indirect_dma semaphore(%run_scoped3A : memref<!tpu.dma_semaphore, #tpu.memory_space<semaphore_mem>>) src(%dma_wait3A_23 : memref<10000x128xf32, #tpu.memory_space<hbm>>) dst(%arg9 : memref<80x128xf32, #tpu.memory_space<vmem>>)
        tpu.yield
      }) : () -> ()
      "tpu.region"() ({
        %run_scoped3A = tpu.sem_alloc : memref<!tpu.dma_semaphore, #tpu.memory_space<semaphore_mem>>
        %dma_start3A = arith.constant 0 : i32
        %dma_start3A_14 = tpu.memref_slice %arg8[%scan3A_13, %dma_start3A] : memref<125x80xi32, #tpu.memory_space<vmem>> -> memref<1x80xi32, #tpu.memory_space<vmem>>
        %dma_start3A_15 = tpu.memref_squeeze %dma_start3A_14 : memref<1x80xi32, #tpu.memory_space<vmem>> -> memref<80xi32, #tpu.memory_space<vmem>>
        %dma_start3A_16 = arith.constant 0 : i32
        %dma_start3A_17 = arith.constant 0 : i32
        %dma_start3A_18 = tpu.memref_slice %arg10[%dma_start3A_16, %dma_start3A_17] : memref<10240x128xf32, #tpu.memory_space<vmem_shared>> -> memref<10240x128xf32, #tpu.memory_space<vmem_shared>>
        tpu.enqueue_indirect_dma source(%arg9 : memref<80x128xf32, #tpu.memory_space<vmem>>) target(%dma_start3A_18 : memref<10240x128xf32, #tpu.memory_space<vmem_shared>>) offsets(%dma_start3A_15 : memref<80xi32, #tpu.memory_space<vmem>>) semaphore(%run_scoped3A : memref<!tpu.dma_semaphore, #tpu.memory_space<semaphore_mem>>) {add = true}
        %dma_wait3A = arith.constant 0 : i32
        %dma_wait3A_19 = tpu.memref_slice %arg8[%scan3A_13, %dma_wait3A] : memref<125x80xi32, #tpu.memory_space<vmem>> -> memref<1x80xi32, #tpu.memory_space<vmem>>
        %dma_wait3A_20 = tpu.memref_squeeze %dma_wait3A_19 : memref<1x80xi32, #tpu.memory_space<vmem>> -> memref<80xi32, #tpu.memory_space<vmem>>
        %dma_wait3A_21 = arith.constant 0 : i32
        %dma_wait3A_22 = arith.constant 0 : i32
        %dma_wait3A_23 = tpu.memref_slice %arg10[%dma_wait3A_21, %dma_wait3A_22] : memref<10240x128xf32, #tpu.memory_space<vmem_shared>> -> memref<10240x128xf32, #tpu.memory_space<vmem_shared>>
        tpu.wait_indirect_dma semaphore(%run_scoped3A : memref<!tpu.dma_semaphore, #tpu.memory_space<semaphore_mem>>) src(%arg9 : memref<80x128xf32, #tpu.memory_space<vmem>>) dst(%dma_wait3A_23 : memref<10240x128xf32, #tpu.memory_space<vmem_shared>>)
        tpu.yield
      }) : () -> ()
    }
    %scan3A_7 = arith.constant 125 : i32
    %barrier3A_8 = arith.constant 0 : index
    tpu.barrier barrier_id(%barrier3A_8)
    %mul3A_9 = arith.constant 640 : i32
    %mul3A_10 = arith.muli %arg1, %mul3A_9 : i32
    %mul3A_11 = arith.constant 640 : i32
    %mul3A_12 = arith.muli %arg1, %mul3A_11 : i32
    "tpu.region"() ({
      %run_scoped3A = tpu.sem_alloc : memref<!tpu.dma_semaphore, #tpu.memory_space<semaphore_mem>>
      %dma_start3A = arith.constant 0 : i32
      %dma_start3A_13 = tpu.memref_slice %arg6[%arg0, %mul3A_12, %dma_start3A] : memref<2x10240x128xf32, #tpu.memory_space<hbm>> -> memref<1x640x128xf32, #tpu.memory_space<hbm>>
      %dma_start3A_14 = tpu.memref_squeeze %dma_start3A_13 : memref<1x640x128xf32, #tpu.memory_space<hbm>> -> memref<640x128xf32, #tpu.memory_space<hbm>>
      %dma_start3A_15 = arith.constant 0 : i32
      %dma_start3A_16 = tpu.memref_slice %arg10[%mul3A_10, %dma_start3A_15] : memref<10240x128xf32, #tpu.memory_space<vmem_shared>> -> memref<640x128xf32, #tpu.memory_space<vmem_shared>>
      tpu.enqueue_dma source(%dma_start3A_16 : memref<640x128xf32, #tpu.memory_space<vmem_shared>>) target(%dma_start3A_14 : memref<640x128xf32, #tpu.memory_space<hbm>>) target_semaphore(%run_scoped3A : memref<!tpu.dma_semaphore, #tpu.memory_space<semaphore_mem>>)
      %dma_wait3A = arith.constant 0 : i32
      %dma_wait3A_17 = tpu.memref_slice %arg6[%arg0, %mul3A_12, %dma_wait3A] : memref<2x10240x128xf32, #tpu.memory_space<hbm>> -> memref<1x640x128xf32, #tpu.memory_space<hbm>>
      %dma_wait3A_18 = tpu.memref_squeeze %dma_wait3A_17 : memref<1x640x128xf32, #tpu.memory_space<hbm>> -> memref<640x128xf32, #tpu.memory_space<hbm>>
      %dma_wait3A_19 = arith.constant 0 : i32
      %dma_wait3A_20 = tpu.memref_slice %arg10[%mul3A_10, %dma_wait3A_19] : memref<10240x128xf32, #tpu.memory_space<vmem_shared>> -> memref<640x128xf32, #tpu.memory_space<vmem_shared>>
      tpu.wait_dma2 semaphore(%run_scoped3A : memref<!tpu.dma_semaphore, #tpu.memory_space<semaphore_mem>>) src(%dma_wait3A_20 : memref<640x128xf32, #tpu.memory_space<vmem_shared>>) dst(%dma_wait3A_18 : memref<640x128xf32, #tpu.memory_space<hbm>>)
      tpu.yield
    }) : () -> ()
    return
  }
}

#map = affine_map<(d0, d1) -> (0, 0)>
#map1 = affine_map<(d0, d1) -> (0, 0, 0)>
module attributes {stable_mosaic.version = 14 : i64} {
  func.func @k(%arg0: i32, %arg1: i32, %arg2: memref<10000x128xf32, #tpu.memory_space<hbm>>, %arg3: memref<32x125x80xi32, #tpu.memory_space<hbm>>, %arg4: memref<32x125x80xi32, #tpu.memory_space<hbm>>, %arg5: memref<640x128xf32, #tpu.memory_space<hbm>>, %arg6: memref<2x10240x128xf32, #tpu.memory_space<hbm>>, %arg7: memref<125x80xi32, #tpu.memory_space<vmem>>, %arg8: memref<125x80xi32, #tpu.memory_space<vmem>>, %arg9: memref<80x128xf32, #tpu.memory_space<vmem>>, %arg10: memref<10240x128xf32, #tpu.memory_space<vmem_shared>>, %arg11: memref<!tpu.dma_semaphore, #tpu.memory_space<semaphore_mem>>) attributes {dimension_semantics = [#tpu.dimension_semantics<core_parallel>, #tpu.dimension_semantics<subcore_parallel>], iteration_bounds = array<i64: 2, 16>, scalar_prefetch = 0 : i64, scratch_operands = 5 : i64, tpu.core_type = #tpu.core_type<sc_vector_subcore>, window_params = [{transform_indices = #map}, {transform_indices = #map1}, {transform_indices = #map1}, {transform_indices = #map}, {transform_indices = #map1}]} {
    %mul3A = arith.constant 2 : i32
    %mul3A_0 = arith.muli %arg1, %mul3A : i32
    %add3A = arith.addi %mul3A_0, %arg0 : i32
    %mul3A_1 = arith.constant 640 : i32
    %mul3A_2 = arith.muli %arg1, %mul3A_1 : i32
    "tpu.region"() ({
      %run_scoped3A = tpu.sem_alloc : memref<!tpu.dma_semaphore, #tpu.memory_space<semaphore_mem>>
      %dma_start3A = arith.constant 0 : i32
      %dma_start3A_13 = tpu.memref_slice %arg10[%mul3A_2, %dma_start3A] : memref<10240x128xf32, #tpu.memory_space<vmem_shared>> -> memref<640x128xf32, #tpu.memory_space<vmem_shared>>
      tpu.enqueue_dma source(%arg5 : memref<640x128xf32, #tpu.memory_space<hbm>>) target(%dma_start3A_13 : memref<640x128xf32, #tpu.memory_space<vmem_shared>>) target_semaphore(%run_scoped3A : memref<!tpu.dma_semaphore, #tpu.memory_space<semaphore_mem>>)
      %dma_wait3A = arith.constant 0 : i32
      %dma_wait3A_14 = tpu.memref_slice %arg10[%mul3A_2, %dma_wait3A] : memref<10240x128xf32, #tpu.memory_space<vmem_shared>> -> memref<640x128xf32, #tpu.memory_space<vmem_shared>>
      tpu.wait_dma2 semaphore(%run_scoped3A : memref<!tpu.dma_semaphore, #tpu.memory_space<semaphore_mem>>) src(%arg5 : memref<640x128xf32, #tpu.memory_space<hbm>>) dst(%dma_wait3A_14 : memref<640x128xf32, #tpu.memory_space<vmem_shared>>)
      tpu.yield
    }) : () -> ()
    "tpu.region"() ({
      %run_scoped3A = tpu.sem_alloc : memref<!tpu.dma_semaphore, #tpu.memory_space<semaphore_mem>>
      %dma_start3A = arith.constant 0 : i32
      %dma_start3A_13 = arith.constant 0 : i32
      %dma_start3A_14 = tpu.memref_slice %arg3[%add3A, %dma_start3A, %dma_start3A_13] : memref<32x125x80xi32, #tpu.memory_space<hbm>> -> memref<1x125x80xi32, #tpu.memory_space<hbm>>
      %dma_start3A_15 = tpu.memref_squeeze %dma_start3A_14 : memref<1x125x80xi32, #tpu.memory_space<hbm>> -> memref<125x80xi32, #tpu.memory_space<hbm>>
      %dma_start3A_16 = arith.constant 0 : i32
      %dma_start3A_17 = arith.constant 0 : i32
      %dma_start3A_18 = tpu.memref_slice %arg3[%add3A, %dma_start3A_16, %dma_start3A_17] : memref<32x125x80xi32, #tpu.memory_space<hbm>> -> memref<1x125x80xi32, #tpu.memory_space<hbm>>
      %dma_start3A_19 = tpu.memref_squeeze %dma_start3A_18 : memref<1x125x80xi32, #tpu.memory_space<hbm>> -> memref<125x80xi32, #tpu.memory_space<hbm>>
      tpu.enqueue_dma source(%dma_start3A_19 : memref<125x80xi32, #tpu.memory_space<hbm>>) target(%arg7 : memref<125x80xi32, #tpu.memory_space<vmem>>) target_semaphore(%run_scoped3A : memref<!tpu.dma_semaphore, #tpu.memory_space<semaphore_mem>>)
      %dma_wait3A = arith.constant 0 : i32
      %dma_wait3A_20 = arith.constant 0 : i32
      %dma_wait3A_21 = tpu.memref_slice %arg3[%add3A, %dma_wait3A, %dma_wait3A_20] : memref<32x125x80xi32, #tpu.memory_space<hbm>> -> memref<1x125x80xi32, #tpu.memory_space<hbm>>
      %dma_wait3A_22 = tpu.memref_squeeze %dma_wait3A_21 : memref<1x125x80xi32, #tpu.memory_space<hbm>> -> memref<125x80xi32, #tpu.memory_space<hbm>>
      %dma_wait3A_23 = arith.constant 0 : i32
      %dma_wait3A_24 = arith.constant 0 : i32
      %dma_wait3A_25 = tpu.memref_slice %arg3[%add3A, %dma_wait3A_23, %dma_wait3A_24] : memref<32x125x80xi32, #tpu.memory_space<hbm>> -> memref<1x125x80xi32, #tpu.memory_space<hbm>>
      %dma_wait3A_26 = tpu.memref_squeeze %dma_wait3A_25 : memref<1x125x80xi32, #tpu.memory_space<hbm>> -> memref<125x80xi32, #tpu.memory_space<hbm>>
      tpu.wait_dma2 semaphore(%run_scoped3A : memref<!tpu.dma_semaphore, #tpu.memory_space<semaphore_mem>>) src(%dma_wait3A_26 : memref<125x80xi32, #tpu.memory_space<hbm>>) dst(%arg7 : memref<125x80xi32, #tpu.memory_space<vmem>>)
      tpu.yield
    }) : () -> ()
    "tpu.region"() ({
      %run_scoped3A = tpu.sem_alloc : memref<!tpu.dma_semaphore, #tpu.memory_space<semaphore_mem>>
      %dma_start3A = arith.constant 0 : i32
      %dma_start3A_13 = arith.constant 0 : i32
      %dma_start3A_14 = tpu.memref_slice %arg4[%add3A, %dma_start3A, %dma_start3A_13] : memref<32x125x80xi32, #tpu.memory_space<hbm>> -> memref<1x125x80xi32, #tpu.memory_space<hbm>>
      %dma_start3A_15 = tpu.memref_squeeze %dma_start3A_14 : memref<1x125x80xi32, #tpu.memory_space<hbm>> -> memref<125x80xi32, #tpu.memory_space<hbm>>
      %dma_start3A_16 = arith.constant 0 : i32
      %dma_start3A_17 = arith.constant 0 : i32
      %dma_start3A_18 = tpu.memref_slice %arg4[%add3A, %dma_start3A_16, %dma_start3A_17] : memref<32x125x80xi32, #tpu.memory_space<hbm>> -> memref<1x125x80xi32, #tpu.memory_space<hbm>>
      %dma_start3A_19 = tpu.memref_squeeze %dma_start3A_18 : memref<1x125x80xi32, #tpu.memory_space<hbm>> -> memref<125x80xi32, #tpu.memory_space<hbm>>
      tpu.enqueue_dma source(%dma_start3A_19 : memref<125x80xi32, #tpu.memory_space<hbm>>) target(%arg8 : memref<125x80xi32, #tpu.memory_space<vmem>>) target_semaphore(%run_scoped3A : memref<!tpu.dma_semaphore, #tpu.memory_space<semaphore_mem>>)
      %dma_wait3A = arith.constant 0 : i32
      %dma_wait3A_20 = arith.constant 0 : i32
      %dma_wait3A_21 = tpu.memref_slice %arg4[%add3A, %dma_wait3A, %dma_wait3A_20] : memref<32x125x80xi32, #tpu.memory_space<hbm>> -> memref<1x125x80xi32, #tpu.memory_space<hbm>>
      %dma_wait3A_22 = tpu.memref_squeeze %dma_wait3A_21 : memref<1x125x80xi32, #tpu.memory_space<hbm>> -> memref<125x80xi32, #tpu.memory_space<hbm>>
      %dma_wait3A_23 = arith.constant 0 : i32
      %dma_wait3A_24 = arith.constant 0 : i32
      %dma_wait3A_25 = tpu.memref_slice %arg4[%add3A, %dma_wait3A_23, %dma_wait3A_24] : memref<32x125x80xi32, #tpu.memory_space<hbm>> -> memref<1x125x80xi32, #tpu.memory_space<hbm>>
      %dma_wait3A_26 = tpu.memref_squeeze %dma_wait3A_25 : memref<1x125x80xi32, #tpu.memory_space<hbm>> -> memref<125x80xi32, #tpu.memory_space<hbm>>
      tpu.wait_dma2 semaphore(%run_scoped3A : memref<!tpu.dma_semaphore, #tpu.memory_space<semaphore_mem>>) src(%dma_wait3A_26 : memref<125x80xi32, #tpu.memory_space<hbm>>) dst(%arg8 : memref<125x80xi32, #tpu.memory_space<vmem>>)
      tpu.yield
    }) : () -> ()
    %barrier3A = arith.constant 0 : index
    tpu.barrier barrier_id(%barrier3A)
    %scan3A = arith.constant 0 : i32
    %scan3A_3 = arith.constant 0 : i32
    %scan3A_4 = arith.constant 125 : i32
    %scan3A_5 = arith.addi %scan3A_3, %scan3A_4 : i32
    %scan3A_6 = arith.constant 1 : i32
    scf.for %scan3A_13 = %scan3A_3 to %scan3A_5 step %scan3A_6  : i32 {
      "tpu.region"() ({
        %run_scoped3A = tpu.sem_alloc : memref<!tpu.dma_semaphore, #tpu.memory_space<semaphore_mem>>
        %dma_start3A = arith.constant 0 : i32
        %dma_start3A_14 = tpu.memref_slice %arg7[%scan3A_13, %dma_start3A] : memref<125x80xi32, #tpu.memory_space<vmem>> -> memref<1x80xi32, #tpu.memory_space<vmem>>
        %dma_start3A_15 = tpu.memref_squeeze %dma_start3A_14 : memref<1x80xi32, #tpu.memory_space<vmem>> -> memref<80xi32, #tpu.memory_space<vmem>>
        %dma_start3A_16 = arith.constant 0 : i32
        %dma_start3A_17 = arith.constant 0 : i32
        %dma_start3A_18 = tpu.memref_slice %arg2[%dma_start3A_16, %dma_start3A_17] : memref<10000x128xf32, #tpu.memory_space<hbm>> -> memref<10000x128xf32, #tpu.memory_space<hbm>>
        tpu.enqueue_indirect_dma source(%dma_start3A_18 : memref<10000x128xf32, #tpu.memory_space<hbm>>) target(%arg9 : memref<80x128xf32, #tpu.memory_space<vmem>>) offsets(%dma_start3A_15 : memref<80xi32, #tpu.memory_space<vmem>>) semaphore(%run_scoped3A : memref<!tpu.dma_semaphore, #tpu.memory_space<semaphore_mem>>)
        %dma_wait3A = arith.constant 0 : i32
        %dma_wait3A_19 = tpu.memref_slice %arg7[%scan3A_13, %dma_wait3A] : memref<125x80xi32, #tpu.memory_space<vmem>> -> memref<1x80xi32, #tpu.memory_space<vmem>>
        %dma_wait3A_20 = tpu.memref_squeeze %dma_wait3A_19 : memref<1x80xi32, #tpu.memory_space<vmem>> -> memref<80xi32, #tpu.memory_space<vmem>>
        %dma_wait3A_21 = arith.constant 0 : i32
        %dma_wait3A_22 = arith.constant 0 : i32
        %dma_wait3A_23 = tpu.memref_slice %arg2[%dma_wait3A_21, %dma_wait3A_22] : memref<10000x128xf32, #tpu.memory_space<hbm>> -> memref<10000x128xf32, #tpu.memory_space<hbm>>
        tpu.wait_indirect_dma semaphore(%run_scoped3A : memref<!tpu.dma_semaphore, #tpu.memory_space<semaphore_mem>>) src(%dma_wait3A_23 : memref<10000x128xf32, #tpu.memory_space<hbm>>) dst(%arg9 : memref<80x128xf32, #tpu.memory_space<vmem>>)
        tpu.yield
      }) : () -> ()
      "tpu.region"() ({
        %run_scoped3A = tpu.sem_alloc : memref<!tpu.dma_semaphore, #tpu.memory_space<semaphore_mem>>
        %dma_start3A = arith.constant 0 : i32
        %dma_start3A_14 = tpu.memref_slice %arg8[%scan3A_13, %dma_start3A] : memref<125x80xi32, #tpu.memory_space<vmem>> -> memref<1x80xi32, #tpu.memory_space<vmem>>
        %dma_start3A_15 = tpu.memref_squeeze %dma_start3A_14 : memref<1x80xi32, #tpu.memory_space<vmem>> -> memref<80xi32, #tpu.memory_space<vmem>>
        %dma_start3A_16 = arith.constant 0 : i32
        %dma_start3A_17 = arith.constant 0 : i32
        %dma_start3A_18 = tpu.memref_slice %arg10[%dma_start3A_16, %dma_start3A_17] : memref<10240x128xf32, #tpu.memory_space<vmem_shared>> -> memref<10240x128xf32, #tpu.memory_space<vmem_shared>>
        tpu.enqueue_indirect_dma source(%arg9 : memref<80x128xf32, #tpu.memory_space<vmem>>) target(%dma_start3A_18 : memref<10240x128xf32, #tpu.memory_space<vmem_shared>>) offsets(%dma_start3A_15 : memref<80xi32, #tpu.memory_space<vmem>>) semaphore(%run_scoped3A : memref<!tpu.dma_semaphore, #tpu.memory_space<semaphore_mem>>) {add = true}
        %dma_wait3A = arith.constant 0 : i32
        %dma_wait3A_19 = tpu.memref_slice %arg8[%scan3A_13, %dma_wait3A] : memref<125x80xi32, #tpu.memory_space<vmem>> -> memref<1x80xi32, #tpu.memory_space<vmem>>
        %dma_wait3A_20 = tpu.memref_squeeze %dma_wait3A_19 : memref<1x80xi32, #tpu.memory_space<vmem>> -> memref<80xi32, #tpu.memory_space<vmem>>
        %dma_wait3A_21 = arith.constant 0 : i32
        %dma_wait3A_22 = arith.constant 0 : i32
        %dma_wait3A_23 = tpu.memref_slice %arg10[%dma_wait3A_21, %dma_wait3A_22] : memref<10240x128xf32, #tpu.memory_space<vmem_shared>> -> memref<10240x128xf32, #tpu.memory_space<vmem_shared>>
        tpu.wait_indirect_dma semaphore(%run_scoped3A : memref<!tpu.dma_semaphore, #tpu.memory_space<semaphore_mem>>) src(%arg9 : memref<80x128xf32, #tpu.memory_space<vmem>>) dst(%dma_wait3A_23 : memref<10240x128xf32, #tpu.memory_space<vmem_shared>>)
        tpu.yield
      }) : () -> ()
    }
    %scan3A_7 = arith.constant 125 : i32
    %barrier3A_8 = arith.constant 0 : index
    tpu.barrier barrier_id(%barrier3A_8)
    %mul3A_9 = arith.constant 640 : i32
    %mul3A_10 = arith.muli %arg1, %mul3A_9 : i32
    %mul3A_11 = arith.constant 640 : i32
    %mul3A_12 = arith.muli %arg1, %mul3A_11 : i32
    "tpu.region"() ({
      %run_scoped3A = tpu.sem_alloc : memref<!tpu.dma_semaphore, #tpu.memory_space<semaphore_mem>>
      %dma_start3A = arith.constant 0 : i32
      %dma_start3A_13 = tpu.memref_slice %arg6[%arg0, %mul3A_12, %dma_start3A] : memref<2x10240x128xf32, #tpu.memory_space<hbm>> -> memref<1x640x128xf32, #tpu.memory_space<hbm>>
      %dma_start3A_14 = tpu.memref_squeeze %dma_start3A_13 : memref<1x640x128xf32, #tpu.memory_space<hbm>> -> memref<640x128xf32, #tpu.memory_space<hbm>>
      %dma_start3A_15 = arith.constant 0 : i32
      %dma_start3A_16 = tpu.memref_slice %arg10[%mul3A_10, %dma_start3A_15] : memref<10240x128xf32, #tpu.memory_space<vmem_shared>> -> memref<640x128xf32, #tpu.memory_space<vmem_shared>>
      tpu.enqueue_dma source(%dma_start3A_16 : memref<640x128xf32, #tpu.memory_space<vmem_shared>>) target(%dma_start3A_14 : memref<640x128xf32, #tpu.memory_space<hbm>>) target_semaphore(%run_scoped3A : memref<!tpu.dma_semaphore, #tpu.memory_space<semaphore_mem>>)
      %dma_wait3A = arith.constant 0 : i32
      %dma_wait3A_17 = tpu.memref_slice %arg6[%arg0, %mul3A_12, %dma_wait3A] : memref<2x10240x128xf32, #tpu.memory_space<hbm>> -> memref<1x640x128xf32, #tpu.memory_space<hbm>>
      %dma_wait3A_18 = tpu.memref_squeeze %dma_wait3A_17 : memref<1x640x128xf32, #tpu.memory_space<hbm>> -> memref<640x128xf32, #tpu.memory_space<hbm>>
      %dma_wait3A_19 = arith.constant 0 : i32
      %dma_wait3A_20 = tpu.memref_slice %arg10[%mul3A_10, %dma_wait3A_19] : memref<10240x128xf32, #tpu.memory_space<vmem_shared>> -> memref<640x128xf32, #tpu.memory_space<vmem_shared>>
      tpu.wait_dma2 semaphore(%run_scoped3A : memref<!tpu.dma_semaphore, #tpu.memory_space<semaphore_mem>>) src(%dma_wait3A_20 : memref<640x128xf32, #tpu.memory_space<vmem_shared>>) dst(%dma_wait3A_18 : memref<640x128xf32, #tpu.memory_space<hbm>>)
      tpu.yield
    }) : () -> ()
    return
  }
}

#map = affine_map<(d0, d1) -> (0, 0)>
#map1 = affine_map<(d0, d1) -> (0, 0, 0)>
module attributes {stable_mosaic.version = 14 : i64} {
  func.func @k(%arg0: i32, %arg1: i32, %arg2: memref<10000x128xf32, #tpu.memory_space<hbm>>, %arg3: memref<32x62x80xi32, #tpu.memory_space<hbm>>, %arg4: memref<32x62x80xi32, #tpu.memory_space<hbm>>, %arg5: memref<158720x128xf32, #tpu.memory_space<hbm>>, %arg6: memref<158720x128xf32, #tpu.memory_space<hbm>>, %arg7: memref<62x80xi32, #tpu.memory_space<vmem>>, %arg8: memref<62x80xi32, #tpu.memory_space<vmem>>, %arg9: memref<80x128xf32, #tpu.memory_space<vmem>>, %arg10: memref<80x128xf32, #tpu.memory_space<vmem>>, %arg11: memref<80x128xf32, #tpu.memory_space<vmem>>, %arg12: memref<80x128xf32, #tpu.memory_space<vmem>>, %arg13: memref<!tpu.dma_semaphore, #tpu.memory_space<semaphore_mem>>, %arg14: memref<!tpu.dma_semaphore, #tpu.memory_space<semaphore_mem>>) attributes {dimension_semantics = [#tpu.dimension_semantics<core_parallel>, #tpu.dimension_semantics<subcore_parallel>], iteration_bounds = array<i64: 2, 16>, scalar_prefetch = 0 : i64, scratch_operands = 8 : i64, tpu.core_type = #tpu.core_type<sc_vector_subcore>, window_params = [{transform_indices = #map}, {transform_indices = #map1}, {transform_indices = #map1}, {transform_indices = #map}, {transform_indices = #map}]} {
    %mul3A = arith.constant 2 : i32
    %mul3A_0 = arith.muli %arg1, %mul3A : i32
    %add3A = arith.addi %mul3A_0, %arg0 : i32
    %mul3A_1 = arith.constant 80 : i32
    %mul3A_2 = arith.muli %add3A, %mul3A_1 : i32
    "tpu.region"() ({
      %run_scoped3A = tpu.sem_alloc : memref<!tpu.dma_semaphore, #tpu.memory_space<semaphore_mem>>
      %dma_start3A = arith.constant 0 : i32
      %dma_start3A_8 = arith.constant 0 : i32
      %dma_start3A_9 = tpu.memref_slice %arg3[%add3A, %dma_start3A, %dma_start3A_8] : memref<32x62x80xi32, #tpu.memory_space<hbm>> -> memref<1x62x80xi32, #tpu.memory_space<hbm>>
      %dma_start3A_10 = tpu.memref_squeeze %dma_start3A_9 : memref<1x62x80xi32, #tpu.memory_space<hbm>> -> memref<62x80xi32, #tpu.memory_space<hbm>>
      %dma_start3A_11 = arith.constant 0 : i32
      %dma_start3A_12 = arith.constant 0 : i32
      %dma_start3A_13 = tpu.memref_slice %arg3[%add3A, %dma_start3A_11, %dma_start3A_12] : memref<32x62x80xi32, #tpu.memory_space<hbm>> -> memref<1x62x80xi32, #tpu.memory_space<hbm>>
      %dma_start3A_14 = tpu.memref_squeeze %dma_start3A_13 : memref<1x62x80xi32, #tpu.memory_space<hbm>> -> memref<62x80xi32, #tpu.memory_space<hbm>>
      tpu.enqueue_dma source(%dma_start3A_14 : memref<62x80xi32, #tpu.memory_space<hbm>>) target(%arg7 : memref<62x80xi32, #tpu.memory_space<vmem>>) target_semaphore(%run_scoped3A : memref<!tpu.dma_semaphore, #tpu.memory_space<semaphore_mem>>)
      %dma_wait3A = arith.constant 0 : i32
      %dma_wait3A_15 = arith.constant 0 : i32
      %dma_wait3A_16 = tpu.memref_slice %arg3[%add3A, %dma_wait3A, %dma_wait3A_15] : memref<32x62x80xi32, #tpu.memory_space<hbm>> -> memref<1x62x80xi32, #tpu.memory_space<hbm>>
      %dma_wait3A_17 = tpu.memref_squeeze %dma_wait3A_16 : memref<1x62x80xi32, #tpu.memory_space<hbm>> -> memref<62x80xi32, #tpu.memory_space<hbm>>
      %dma_wait3A_18 = arith.constant 0 : i32
      %dma_wait3A_19 = arith.constant 0 : i32
      %dma_wait3A_20 = tpu.memref_slice %arg3[%add3A, %dma_wait3A_18, %dma_wait3A_19] : memref<32x62x80xi32, #tpu.memory_space<hbm>> -> memref<1x62x80xi32, #tpu.memory_space<hbm>>
      %dma_wait3A_21 = tpu.memref_squeeze %dma_wait3A_20 : memref<1x62x80xi32, #tpu.memory_space<hbm>> -> memref<62x80xi32, #tpu.memory_space<hbm>>
      tpu.wait_dma2 semaphore(%run_scoped3A : memref<!tpu.dma_semaphore, #tpu.memory_space<semaphore_mem>>) src(%dma_wait3A_21 : memref<62x80xi32, #tpu.memory_space<hbm>>) dst(%arg7 : memref<62x80xi32, #tpu.memory_space<vmem>>)
      tpu.yield
    }) : () -> ()
    "tpu.region"() ({
      %run_scoped3A = tpu.sem_alloc : memref<!tpu.dma_semaphore, #tpu.memory_space<semaphore_mem>>
      %dma_start3A = arith.constant 0 : i32
      %dma_start3A_8 = arith.constant 0 : i32
      %dma_start3A_9 = tpu.memref_slice %arg4[%add3A, %dma_start3A, %dma_start3A_8] : memref<32x62x80xi32, #tpu.memory_space<hbm>> -> memref<1x62x80xi32, #tpu.memory_space<hbm>>
      %dma_start3A_10 = tpu.memref_squeeze %dma_start3A_9 : memref<1x62x80xi32, #tpu.memory_space<hbm>> -> memref<62x80xi32, #tpu.memory_space<hbm>>
      %dma_start3A_11 = arith.constant 0 : i32
      %dma_start3A_12 = arith.constant 0 : i32
      %dma_start3A_13 = tpu.memref_slice %arg4[%add3A, %dma_start3A_11, %dma_start3A_12] : memref<32x62x80xi32, #tpu.memory_space<hbm>> -> memref<1x62x80xi32, #tpu.memory_space<hbm>>
      %dma_start3A_14 = tpu.memref_squeeze %dma_start3A_13 : memref<1x62x80xi32, #tpu.memory_space<hbm>> -> memref<62x80xi32, #tpu.memory_space<hbm>>
      tpu.enqueue_dma source(%dma_start3A_14 : memref<62x80xi32, #tpu.memory_space<hbm>>) target(%arg8 : memref<62x80xi32, #tpu.memory_space<vmem>>) target_semaphore(%run_scoped3A : memref<!tpu.dma_semaphore, #tpu.memory_space<semaphore_mem>>)
      %dma_wait3A = arith.constant 0 : i32
      %dma_wait3A_15 = arith.constant 0 : i32
      %dma_wait3A_16 = tpu.memref_slice %arg4[%add3A, %dma_wait3A, %dma_wait3A_15] : memref<32x62x80xi32, #tpu.memory_space<hbm>> -> memref<1x62x80xi32, #tpu.memory_space<hbm>>
      %dma_wait3A_17 = tpu.memref_squeeze %dma_wait3A_16 : memref<1x62x80xi32, #tpu.memory_space<hbm>> -> memref<62x80xi32, #tpu.memory_space<hbm>>
      %dma_wait3A_18 = arith.constant 0 : i32
      %dma_wait3A_19 = arith.constant 0 : i32
      %dma_wait3A_20 = tpu.memref_slice %arg4[%add3A, %dma_wait3A_18, %dma_wait3A_19] : memref<32x62x80xi32, #tpu.memory_space<hbm>> -> memref<1x62x80xi32, #tpu.memory_space<hbm>>
      %dma_wait3A_21 = tpu.memref_squeeze %dma_wait3A_20 : memref<1x62x80xi32, #tpu.memory_space<hbm>> -> memref<62x80xi32, #tpu.memory_space<hbm>>
      tpu.wait_dma2 semaphore(%run_scoped3A : memref<!tpu.dma_semaphore, #tpu.memory_space<semaphore_mem>>) src(%dma_wait3A_21 : memref<62x80xi32, #tpu.memory_space<hbm>>) dst(%arg8 : memref<62x80xi32, #tpu.memory_space<vmem>>)
      tpu.yield
    }) : () -> ()
    %scan3A = arith.constant 0 : i32
    %scan3A_3 = arith.constant 0 : i32
    %scan3A_4 = arith.constant 31 : i32
    %scan3A_5 = arith.addi %scan3A_3, %scan3A_4 : i32
    %scan3A_6 = arith.constant 1 : i32
    scf.for %scan3A_8 = %scan3A_3 to %scan3A_5 step %scan3A_6  : i32 {
      %mul3A_9 = arith.constant 2 : i32
      %mul3A_10 = arith.muli %mul3A_9, %scan3A_8 : i32
      %dma_start3A = arith.constant 0 : i32
      %dma_start3A_11 = tpu.memref_slice %arg7[%mul3A_10, %dma_start3A] : memref<62x80xi32, #tpu.memory_space<vmem>> -> memref<1x80xi32, #tpu.memory_space<vmem>>
      %dma_start3A_12 = tpu.memref_squeeze %dma_start3A_11 : memref<1x80xi32, #tpu.memory_space<vmem>> -> memref<80xi32, #tpu.memory_space<vmem>>
      %dma_start3A_13 = arith.constant 0 : i32
      %dma_start3A_14 = arith.constant 0 : i32
      %dma_start3A_15 = tpu.memref_slice %arg2[%dma_start3A_13, %dma_start3A_14] : memref<10000x128xf32, #tpu.memory_space<hbm>> -> memref<10000x128xf32, #tpu.memory_space<hbm>>
      tpu.enqueue_indirect_dma source(%dma_start3A_15 : memref<10000x128xf32, #tpu.memory_space<hbm>>) target(%arg9 : memref<80x128xf32, #tpu.memory_space<vmem>>) offsets(%dma_start3A_12 : memref<80xi32, #tpu.memory_space<vmem>>) semaphore(%arg13 : memref<!tpu.dma_semaphore, #tpu.memory_space<semaphore_mem>>)
      %dma_start3A_16 = arith.constant 0 : i32
      %dma_start3A_17 = tpu.memref_slice %arg8[%mul3A_10, %dma_start3A_16] : memref<62x80xi32, #tpu.memory_space<vmem>> -> memref<1x80xi32, #tpu.memory_space<vmem>>
      %dma_start3A_18 = tpu.memref_squeeze %dma_start3A_17 : memref<1x80xi32, #tpu.memory_space<vmem>> -> memref<80xi32, #tpu.memory_space<vmem>>
      %dma_start3A_19 = arith.constant 0 : i32
      %dma_start3A_20 = arith.constant 0 : i32
      %dma_start3A_21 = tpu.memref_slice %arg2[%dma_start3A_19, %dma_start3A_20] : memref<10000x128xf32, #tpu.memory_space<hbm>> -> memref<10000x128xf32, #tpu.memory_space<hbm>>
      tpu.enqueue_indirect_dma source(%dma_start3A_21 : memref<10000x128xf32, #tpu.memory_space<hbm>>) target(%arg10 : memref<80x128xf32, #tpu.memory_space<vmem>>) offsets(%dma_start3A_18 : memref<80xi32, #tpu.memory_space<vmem>>) semaphore(%arg13 : memref<!tpu.dma_semaphore, #tpu.memory_space<semaphore_mem>>)
      %add3A_22 = arith.constant 1 : i32
      %add3A_23 = arith.addi %mul3A_10, %add3A_22 : i32
      %dma_start3A_24 = arith.constant 0 : i32
      %dma_start3A_25 = tpu.memref_slice %arg7[%add3A_23, %dma_start3A_24] : memref<62x80xi32, #tpu.memory_space<vmem>> -> memref<1x80xi32, #tpu.memory_space<vmem>>
      %dma_start3A_26 = tpu.memref_squeeze %dma_start3A_25 : memref<1x80xi32, #tpu.memory_space<vmem>> -> memref<80xi32, #tpu.memory_space<vmem>>
      %dma_start3A_27 = arith.constant 0 : i32
      %dma_start3A_28 = arith.constant 0 : i32
      %dma_start3A_29 = tpu.memref_slice %arg2[%dma_start3A_27, %dma_start3A_28] : memref<10000x128xf32, #tpu.memory_space<hbm>> -> memref<10000x128xf32, #tpu.memory_space<hbm>>
      tpu.enqueue_indirect_dma source(%dma_start3A_29 : memref<10000x128xf32, #tpu.memory_space<hbm>>) target(%arg11 : memref<80x128xf32, #tpu.memory_space<vmem>>) offsets(%dma_start3A_26 : memref<80xi32, #tpu.memory_space<vmem>>) semaphore(%arg14 : memref<!tpu.dma_semaphore, #tpu.memory_space<semaphore_mem>>)
      %add3A_30 = arith.constant 1 : i32
      %add3A_31 = arith.addi %mul3A_10, %add3A_30 : i32
      %dma_start3A_32 = arith.constant 0 : i32
      %dma_start3A_33 = tpu.memref_slice %arg8[%add3A_31, %dma_start3A_32] : memref<62x80xi32, #tpu.memory_space<vmem>> -> memref<1x80xi32, #tpu.memory_space<vmem>>
      %dma_start3A_34 = tpu.memref_squeeze %dma_start3A_33 : memref<1x80xi32, #tpu.memory_space<vmem>> -> memref<80xi32, #tpu.memory_space<vmem>>
      %dma_start3A_35 = arith.constant 0 : i32
      %dma_start3A_36 = arith.constant 0 : i32
      %dma_start3A_37 = tpu.memref_slice %arg2[%dma_start3A_35, %dma_start3A_36] : memref<10000x128xf32, #tpu.memory_space<hbm>> -> memref<10000x128xf32, #tpu.memory_space<hbm>>
      tpu.enqueue_indirect_dma source(%dma_start3A_37 : memref<10000x128xf32, #tpu.memory_space<hbm>>) target(%arg12 : memref<80x128xf32, #tpu.memory_space<vmem>>) offsets(%dma_start3A_34 : memref<80xi32, #tpu.memory_space<vmem>>) semaphore(%arg14 : memref<!tpu.dma_semaphore, #tpu.memory_space<semaphore_mem>>)
      %mul3A_38 = arith.constant 32 : i32
      %mul3A_39 = arith.muli %mul3A_10, %mul3A_38 : i32
      %mul3A_40 = arith.constant 80 : i32
      %mul3A_41 = arith.muli %mul3A_39, %mul3A_40 : i32
      %add3A_42 = arith.addi %mul3A_2, %mul3A_41 : i32
      %multiple_of3A = tpu.assume_multiple %add3A_42, 8 : i32
      %add3A_43 = arith.constant 1 : i32
      %add3A_44 = arith.addi %mul3A_10, %add3A_43 : i32
      %mul3A_45 = arith.constant 32 : i32
      %mul3A_46 = arith.muli %add3A_44, %mul3A_45 : i32
      %mul3A_47 = arith.constant 80 : i32
      %mul3A_48 = arith.muli %mul3A_46, %mul3A_47 : i32
      %add3A_49 = arith.addi %mul3A_2, %mul3A_48 : i32
      %multiple_of3A_50 = tpu.assume_multiple %add3A_49, 8 : i32
      %dma_wait3A = arith.constant 0 : i32
      %dma_wait3A_51 = tpu.memref_slice %arg7[%mul3A_10, %dma_wait3A] : memref<62x80xi32, #tpu.memory_space<vmem>> -> memref<1x80xi32, #tpu.memory_space<vmem>>
      %dma_wait3A_52 = tpu.memref_squeeze %dma_wait3A_51 : memref<1x80xi32, #tpu.memory_space<vmem>> -> memref<80xi32, #tpu.memory_space<vmem>>
      %dma_wait3A_53 = arith.constant 0 : i32
      %dma_wait3A_54 = arith.constant 0 : i32
      %dma_wait3A_55 = tpu.memref_slice %arg2[%dma_wait3A_53, %dma_wait3A_54] : memref<10000x128xf32, #tpu.memory_space<hbm>> -> memref<10000x128xf32, #tpu.memory_space<hbm>>
      tpu.wait_indirect_dma semaphore(%arg13 : memref<!tpu.dma_semaphore, #tpu.memory_space<semaphore_mem>>) src(%dma_wait3A_55 : memref<10000x128xf32, #tpu.memory_space<hbm>>) dst(%arg9 : memref<80x128xf32, #tpu.memory_space<vmem>>)
      %dma_wait3A_56 = arith.constant 0 : i32
      %dma_wait3A_57 = tpu.memref_slice %arg8[%mul3A_10, %dma_wait3A_56] : memref<62x80xi32, #tpu.memory_space<vmem>> -> memref<1x80xi32, #tpu.memory_space<vmem>>
      %dma_wait3A_58 = tpu.memref_squeeze %dma_wait3A_57 : memref<1x80xi32, #tpu.memory_space<vmem>> -> memref<80xi32, #tpu.memory_space<vmem>>
      %dma_wait3A_59 = arith.constant 0 : i32
      %dma_wait3A_60 = arith.constant 0 : i32
      %dma_wait3A_61 = tpu.memref_slice %arg2[%dma_wait3A_59, %dma_wait3A_60] : memref<10000x128xf32, #tpu.memory_space<hbm>> -> memref<10000x128xf32, #tpu.memory_space<hbm>>
      tpu.wait_indirect_dma semaphore(%arg13 : memref<!tpu.dma_semaphore, #tpu.memory_space<semaphore_mem>>) src(%dma_wait3A_61 : memref<10000x128xf32, #tpu.memory_space<hbm>>) dst(%arg10 : memref<80x128xf32, #tpu.memory_space<vmem>>)
      "tpu.region"() ({
        %run_scoped3A = tpu.sem_alloc : memref<!tpu.dma_semaphore, #tpu.memory_space<semaphore_mem>>
        %dma_start3A_74 = arith.constant 0 : i32
        %dma_start3A_75 = tpu.memref_slice %arg5[%multiple_of3A, %dma_start3A_74] : memref<158720x128xf32, #tpu.memory_space<hbm>> -> memref<80x128xf32, #tpu.memory_space<hbm>>
        %dma_start3A_76 = arith.constant 0 : i32
        %dma_start3A_77 = tpu.memref_slice %arg5[%multiple_of3A, %dma_start3A_76] : memref<158720x128xf32, #tpu.memory_space<hbm>> -> memref<80x128xf32, #tpu.memory_space<hbm>>
        tpu.enqueue_dma source(%arg9 : memref<80x128xf32, #tpu.memory_space<vmem>>) target(%dma_start3A_77 : memref<80x128xf32, #tpu.memory_space<hbm>>) target_semaphore(%run_scoped3A : memref<!tpu.dma_semaphore, #tpu.memory_space<semaphore_mem>>)
        %dma_wait3A_78 = arith.constant 0 : i32
        %dma_wait3A_79 = tpu.memref_slice %arg5[%multiple_of3A, %dma_wait3A_78] : memref<158720x128xf32, #tpu.memory_space<hbm>> -> memref<80x128xf32, #tpu.memory_space<hbm>>
        %dma_wait3A_80 = arith.constant 0 : i32
        %dma_wait3A_81 = tpu.memref_slice %arg5[%multiple_of3A, %dma_wait3A_80] : memref<158720x128xf32, #tpu.memory_space<hbm>> -> memref<80x128xf32, #tpu.memory_space<hbm>>
        tpu.wait_dma2 semaphore(%run_scoped3A : memref<!tpu.dma_semaphore, #tpu.memory_space<semaphore_mem>>) src(%arg9 : memref<80x128xf32, #tpu.memory_space<vmem>>) dst(%dma_wait3A_81 : memref<80x128xf32, #tpu.memory_space<hbm>>)
        tpu.yield
      }) : () -> ()
      "tpu.region"() ({
        %run_scoped3A = tpu.sem_alloc : memref<!tpu.dma_semaphore, #tpu.memory_space<semaphore_mem>>
        %dma_start3A_74 = arith.constant 0 : i32
        %dma_start3A_75 = tpu.memref_slice %arg6[%multiple_of3A, %dma_start3A_74] : memref<158720x128xf32, #tpu.memory_space<hbm>> -> memref<80x128xf32, #tpu.memory_space<hbm>>
        %dma_start3A_76 = arith.constant 0 : i32
        %dma_start3A_77 = tpu.memref_slice %arg6[%multiple_of3A, %dma_start3A_76] : memref<158720x128xf32, #tpu.memory_space<hbm>> -> memref<80x128xf32, #tpu.memory_space<hbm>>
        tpu.enqueue_dma source(%arg10 : memref<80x128xf32, #tpu.memory_space<vmem>>) target(%dma_start3A_77 : memref<80x128xf32, #tpu.memory_space<hbm>>) target_semaphore(%run_scoped3A : memref<!tpu.dma_semaphore, #tpu.memory_space<semaphore_mem>>)
        %dma_wait3A_78 = arith.constant 0 : i32
        %dma_wait3A_79 = tpu.memref_slice %arg6[%multiple_of3A, %dma_wait3A_78] : memref<158720x128xf32, #tpu.memory_space<hbm>> -> memref<80x128xf32, #tpu.memory_space<hbm>>
        %dma_wait3A_80 = arith.constant 0 : i32
        %dma_wait3A_81 = tpu.memref_slice %arg6[%multiple_of3A, %dma_wait3A_80] : memref<158720x128xf32, #tpu.memory_space<hbm>> -> memref<80x128xf32, #tpu.memory_space<hbm>>
        tpu.wait_dma2 semaphore(%run_scoped3A : memref<!tpu.dma_semaphore, #tpu.memory_space<semaphore_mem>>) src(%arg10 : memref<80x128xf32, #tpu.memory_space<vmem>>) dst(%dma_wait3A_81 : memref<80x128xf32, #tpu.memory_space<hbm>>)
        tpu.yield
      }) : () -> ()
      %dma_wait3A_62 = arith.constant 0 : i32
      %dma_wait3A_63 = tpu.memref_slice %arg7[%add3A_23, %dma_wait3A_62] : memref<62x80xi32, #tpu.memory_space<vmem>> -> memref<1x80xi32, #tpu.memory_space<vmem>>
      %dma_wait3A_64 = tpu.memref_squeeze %dma_wait3A_63 : memref<1x80xi32, #tpu.memory_space<vmem>> -> memref<80xi32, #tpu.memory_space<vmem>>
      %dma_wait3A_65 = arith.constant 0 : i32
      %dma_wait3A_66 = arith.constant 0 : i32
      %dma_wait3A_67 = tpu.memref_slice %arg2[%dma_wait3A_65, %dma_wait3A_66] : memref<10000x128xf32, #tpu.memory_space<hbm>> -> memref<10000x128xf32, #tpu.memory_space<hbm>>
      tpu.wait_indirect_dma semaphore(%arg14 : memref<!tpu.dma_semaphore, #tpu.memory_space<semaphore_mem>>) src(%dma_wait3A_67 : memref<10000x128xf32, #tpu.memory_space<hbm>>) dst(%arg11 : memref<80x128xf32, #tpu.memory_space<vmem>>)
      %dma_wait3A_68 = arith.constant 0 : i32
      %dma_wait3A_69 = tpu.memref_slice %arg8[%add3A_31, %dma_wait3A_68] : memref<62x80xi32, #tpu.memory_space<vmem>> -> memref<1x80xi32, #tpu.memory_space<vmem>>
      %dma_wait3A_70 = tpu.memref_squeeze %dma_wait3A_69 : memref<1x80xi32, #tpu.memory_space<vmem>> -> memref<80xi32, #tpu.memory_space<vmem>>
      %dma_wait3A_71 = arith.constant 0 : i32
      %dma_wait3A_72 = arith.constant 0 : i32
      %dma_wait3A_73 = tpu.memref_slice %arg2[%dma_wait3A_71, %dma_wait3A_72] : memref<10000x128xf32, #tpu.memory_space<hbm>> -> memref<10000x128xf32, #tpu.memory_space<hbm>>
      tpu.wait_indirect_dma semaphore(%arg14 : memref<!tpu.dma_semaphore, #tpu.memory_space<semaphore_mem>>) src(%dma_wait3A_73 : memref<10000x128xf32, #tpu.memory_space<hbm>>) dst(%arg12 : memref<80x128xf32, #tpu.memory_space<vmem>>)
      "tpu.region"() ({
        %run_scoped3A = tpu.sem_alloc : memref<!tpu.dma_semaphore, #tpu.memory_space<semaphore_mem>>
        %dma_start3A_74 = arith.constant 0 : i32
        %dma_start3A_75 = tpu.memref_slice %arg5[%multiple_of3A_50, %dma_start3A_74] : memref<158720x128xf32, #tpu.memory_space<hbm>> -> memref<80x128xf32, #tpu.memory_space<hbm>>
        %dma_start3A_76 = arith.constant 0 : i32
        %dma_start3A_77 = tpu.memref_slice %arg5[%multiple_of3A_50, %dma_start3A_76] : memref<158720x128xf32, #tpu.memory_space<hbm>> -> memref<80x128xf32, #tpu.memory_space<hbm>>
        tpu.enqueue_dma source(%arg11 : memref<80x128xf32, #tpu.memory_space<vmem>>) target(%dma_start3A_77 : memref<80x128xf32, #tpu.memory_space<hbm>>) target_semaphore(%run_scoped3A : memref<!tpu.dma_semaphore, #tpu.memory_space<semaphore_mem>>)
        %dma_wait3A_78 = arith.constant 0 : i32
        %dma_wait3A_79 = tpu.memref_slice %arg5[%multiple_of3A_50, %dma_wait3A_78] : memref<158720x128xf32, #tpu.memory_space<hbm>> -> memref<80x128xf32, #tpu.memory_space<hbm>>
        %dma_wait3A_80 = arith.constant 0 : i32
        %dma_wait3A_81 = tpu.memref_slice %arg5[%multiple_of3A_50, %dma_wait3A_80] : memref<158720x128xf32, #tpu.memory_space<hbm>> -> memref<80x128xf32, #tpu.memory_space<hbm>>
        tpu.wait_dma2 semaphore(%run_scoped3A : memref<!tpu.dma_semaphore, #tpu.memory_space<semaphore_mem>>) src(%arg11 : memref<80x128xf32, #tpu.memory_space<vmem>>) dst(%dma_wait3A_81 : memref<80x128xf32, #tpu.memory_space<hbm>>)
        tpu.yield
      }) : () -> ()
      "tpu.region"() ({
        %run_scoped3A = tpu.sem_alloc : memref<!tpu.dma_semaphore, #tpu.memory_space<semaphore_mem>>
        %dma_start3A_74 = arith.constant 0 : i32
        %dma_start3A_75 = tpu.memref_slice %arg6[%multiple_of3A_50, %dma_start3A_74] : memref<158720x128xf32, #tpu.memory_space<hbm>> -> memref<80x128xf32, #tpu.memory_space<hbm>>
        %dma_start3A_76 = arith.constant 0 : i32
        %dma_start3A_77 = tpu.memref_slice %arg6[%multiple_of3A_50, %dma_start3A_76] : memref<158720x128xf32, #tpu.memory_space<hbm>> -> memref<80x128xf32, #tpu.memory_space<hbm>>
        tpu.enqueue_dma source(%arg12 : memref<80x128xf32, #tpu.memory_space<vmem>>) target(%dma_start3A_77 : memref<80x128xf32, #tpu.memory_space<hbm>>) target_semaphore(%run_scoped3A : memref<!tpu.dma_semaphore, #tpu.memory_space<semaphore_mem>>)
        %dma_wait3A_78 = arith.constant 0 : i32
        %dma_wait3A_79 = tpu.memref_slice %arg6[%multiple_of3A_50, %dma_wait3A_78] : memref<158720x128xf32, #tpu.memory_space<hbm>> -> memref<80x128xf32, #tpu.memory_space<hbm>>
        %dma_wait3A_80 = arith.constant 0 : i32
        %dma_wait3A_81 = tpu.memref_slice %arg6[%multiple_of3A_50, %dma_wait3A_80] : memref<158720x128xf32, #tpu.memory_space<hbm>> -> memref<80x128xf32, #tpu.memory_space<hbm>>
        tpu.wait_dma2 semaphore(%run_scoped3A : memref<!tpu.dma_semaphore, #tpu.memory_space<semaphore_mem>>) src(%arg12 : memref<80x128xf32, #tpu.memory_space<vmem>>) dst(%dma_wait3A_81 : memref<80x128xf32, #tpu.memory_space<hbm>>)
        tpu.yield
      }) : () -> ()
    }
    %scan3A_7 = arith.constant 31 : i32
    return
  }
}

module attributes {stable_mosaic.version = 14 : i64} {
  func.func @body(%arg0: i32, %arg1: memref<1000x128xf32, #tpu.memory_space<vmem>>, %arg2: memref<128x128xf32, #tpu.memory_space<vmem>>, %arg3: memref<1000x128xf32, #tpu.memory_space<vmem>>) attributes {dimension_semantics = [#tpu.dimension_semantics<arbitrary>], iteration_bounds = array<i64: 10>, scalar_prefetch = 0 : i64, scratch_operands = 0 : i64, tpu.core_type = #tpu.core_type<tc>, window_params = [{transform_indices = @transform_0, window_bounds = array<i64: 1000, 128>}, {pipeline_mode = #tpu.pipeline_mode<synchronous>, transform_indices = @transform_1, window_bounds = array<i64: 128, 128>}, {transform_indices = @transform_2, window_bounds = array<i64: 1000, 128>}]} {
    %get3A = arith.constant 0 : index
    %get3A_0 = arith.constant 0 : index
    %get3A_1 = vector.load %arg1[%get3A, %get3A_0] : memref<1000x128xf32, #tpu.memory_space<vmem>>, vector<1000x128xf32>
    %get3A_2 = arith.constant 0 : index
    %get3A_3 = arith.constant 0 : index
    %get3A_4 = vector.load %arg2[%get3A_2, %get3A_3] : memref<128x128xf32, #tpu.memory_space<vmem>>, vector<128x128xf32>
    %dot_general3A = arith.constant dense<0.000000e+00> : vector<1000x128xf32>
    %dot_general3A_5 = tpu.matmul %get3A_1, %get3A_4, %dot_general3A {dimension_numbers = #tpu.dot_dimension_numbers<[1], [0], [0], [1], [0, 0, 1, 1], [], []>, transpose_lhs_hint = false} : vector<1000x128xf32>, vector<128x128xf32>, vector<1000x128xf32> -> vector<1000x128xf32>
    %swap3A = arith.constant 0 : index
    %swap3A_6 = arith.constant 0 : index
    %swap3A_7 = vector.load %arg3[%swap3A, %swap3A_6] : memref<1000x128xf32, #tpu.memory_space<vmem>>, vector<1000x128xf32>
    tpu.vector_store %arg3[%swap3A, %swap3A_6], %dot_general3A_5 {strides = array<i32>} : memref<1000x128xf32, #tpu.memory_space<vmem>>, vector<1000x128xf32>,
    return
  }
  func.func @transform_0(%arg0: i32) -> (i32, i32) {
    %c0_i32 = arith.constant 0 : i32
    %c0_i32_0 = arith.constant 0 : i32
    return %arg0, %c0_i32 : i32, i32
  }
  func.func @transform_1(%arg0: i32) -> (i32, i32) {
    %c0_i32 = arith.constant 0 : i32
    %c0_i32_0 = arith.constant 0 : i32
    %c0_i32_1 = arith.constant 0 : i32
    return %c0_i32, %c0_i32_0 : i32, i32
  }
  func.func @transform_2(%arg0: i32) -> (i32, i32) {
    %c0_i32 = arith.constant 0 : i32
    %c0_i32_0 = arith.constant 0 : i32
    return %arg0, %c0_i32 : i32, i32
  }
}

module attributes {stable_mosaic.version = 14 : i64} {
  func.func @body(%arg0: i32, %arg1: memref<2000x128xf32, #tpu.memory_space<vmem>>, %arg2: memref<2x2000x128xf32, #tpu.memory_space<vmem>>, %arg3: memref<2000x128xf32, #tpu.memory_space<vmem>>) attributes {dimension_semantics = [#tpu.dimension_semantics<arbitrary>], iteration_bounds = array<i64: 5>, scalar_prefetch = 0 : i64, scratch_operands = 0 : i64, tpu.core_type = #tpu.core_type<tc>, window_params = [{transform_indices = @transform_0, window_bounds = array<i64: 2000, 128>}, {transform_indices = @transform_1, window_bounds = array<i64: 2, 2000, 128>}, {transform_indices = @transform_2, window_bounds = array<i64: 2000, 128>}]} {
    %get3A = arith.constant 0 : index
    %get3A_0 = arith.constant 0 : index
    %get3A_1 = vector.load %arg1[%get3A, %get3A_0] : memref<2000x128xf32, #tpu.memory_space<vmem>>, vector<2000x128xf32>
    %get3A_2 = arith.constant 0 : index
    %get3A_3 = arith.constant 0 : index
    %get3A_4 = arith.constant 0 : index
    %get3A_5 = vector.load %arg2[%get3A_2, %get3A_3, %get3A_4] : memref<2x2000x128xf32, #tpu.memory_space<vmem>>, vector<1x2000x1xf32>
    %get3A_6 = vector.shape_cast %get3A_5 : vector<1x2000x1xf32> to vector<2000x1xf32>
    %get3A_7 = arith.constant 1 : index
    %get3A_8 = arith.constant 0 : index
    %get3A_9 = arith.constant 0 : index
    %get3A_10 = vector.load %arg2[%get3A_7, %get3A_8, %get3A_9] : memref<2x2000x128xf32, #tpu.memory_space<vmem>>, vector<1x2000x1xf32>
    %get3A_11 = vector.shape_cast %get3A_10 : vector<1x2000x1xf32> to vector<2000x1xf32>
    %add3A = arith.addf %get3A_6, %get3A_11 : vector<2000x1xf32>
    %add3A_12 = arith.constant 1.000000e+00 : f32
    %add3A_13 = vector.broadcast %add3A_12 : f32 to vector<2000x1xf32>
    %add3A_14 = arith.addf %add3A, %add3A_13 : vector<2000x1xf32>
    %rsqrt3A = math.rsqrt %add3A_14 : vector<2000x1xf32>
    %mul3A = vector.broadcast %rsqrt3A : vector<2000x1xf32> to vector<2000x128xf32>
    %mul3A_15 = arith.mulf %get3A_1, %mul3A : vector<2000x128xf32>
    %swap3A = arith.constant 0 : index
    %swap3A_16 = arith.constant 0 : index
    %swap3A_17 = vector.load %arg3[%swap3A, %swap3A_16] : memref<2000x128xf32, #tpu.memory_space<vmem>>, vector<2000x128xf32>
    tpu.vector_store %arg3[%swap3A, %swap3A_16], %mul3A_15 {strides = array<i32>} : memref<2000x128xf32, #tpu.memory_space<vmem>>, vector<2000x128xf32>,
    return
  }
  func.func @transform_0(%arg0: i32) -> (i32, i32) {
    %c0_i32 = arith.constant 0 : i32
    %c0_i32_0 = arith.constant 0 : i32
    return %arg0, %c0_i32 : i32, i32
  }
  func.func @transform_1(%arg0: i32) -> (i32, i32, i32) {
    %c0_i32 = arith.constant 0 : i32
    %c0_i32_0 = arith.constant 0 : i32
    %c0_i32_1 = arith.constant 0 : i32
    return %c0_i32, %arg0, %c0_i32_0 : i32, i32, i32
  }
  func.func @transform_2(%arg0: i32) -> (i32, i32) {
    %c0_i32 = arith.constant 0 : i32
    %c0_i32_0 = arith.constant 0 : i32
    return %arg0, %c0_i32 : i32, i32
  }
}

module attributes {stable_mosaic.version = 14 : i64} {
  func.func @body(%arg0: i32, %arg1: memref<2x1000x128xf32, #tpu.memory_space<vmem>>, %arg2: memref<1000x128xf32, #tpu.memory_space<vmem>>, %arg3: memref<2x1000x128xf32, #tpu.memory_space<vmem>>, %arg4: memref<128x128xf32, #tpu.memory_space<vmem>>, %arg5: memref<1x128xf32, #tpu.memory_space<vmem>>, %arg6: memref<1000x128xf32, #tpu.memory_space<vmem>>) attributes {dimension_semantics = [#tpu.dimension_semantics<arbitrary>], iteration_bounds = array<i64: 10>, scalar_prefetch = 0 : i64, scratch_operands = 0 : i64, tpu.core_type = #tpu.core_type<tc>, window_params = [{transform_indices = @transform_0, window_bounds = array<i64: 2, 1000, 128>}, {transform_indices = @transform_1, window_bounds = array<i64: 1000, 128>}, {transform_indices = @transform_2, window_bounds = array<i64: 2, 1000, 128>}, {pipeline_mode = #tpu.pipeline_mode<synchronous>, transform_indices = @transform_3, window_bounds = array<i64: 128, 128>}, {pipeline_mode = #tpu.pipeline_mode<synchronous>, transform_indices = @transform_4, window_bounds = array<i64: 1, 128>}, {transform_indices = @transform_5, window_bounds = array<i64: 1000, 128>}]} {
    %get3A = arith.constant 0 : index
    %get3A_0 = arith.constant 0 : index
    %get3A_1 = arith.constant 0 : index
    %get3A_2 = vector.load %arg3[%get3A, %get3A_0, %get3A_1] : memref<2x1000x128xf32, #tpu.memory_space<vmem>>, vector<1x1000x1xf32>
    %get3A_3 = vector.shape_cast %get3A_2 : vector<1x1000x1xf32> to vector<1000x1xf32>
    %get3A_4 = arith.constant 1 : index
    %get3A_5 = arith.constant 0 : index
    %get3A_6 = arith.constant 0 : index
    %get3A_7 = vector.load %arg3[%get3A_4, %get3A_5, %get3A_6] : memref<2x1000x128xf32, #tpu.memory_space<vmem>>, vector<1x1000x1xf32>
    %get3A_8 = vector.shape_cast %get3A_7 : vector<1x1000x1xf32> to vector<1000x1xf32>
    %add3A = arith.addf %get3A_3, %get3A_8 : vector<1000x1xf32>
    %add3A_9 = arith.constant 1.000000e+00 : f32
    %add3A_10 = vector.broadcast %add3A_9 : f32 to vector<1000x1xf32>
    %add3A_11 = arith.addf %add3A, %add3A_10 : vector<1000x1xf32>
    %rsqrt3A = math.rsqrt %add3A_11 : vector<1000x1xf32>
    %get3A_12 = arith.constant 0 : index
    %get3A_13 = arith.constant 0 : index
    %get3A_14 = arith.constant 0 : index
    %get3A_15 = vector.load %arg1[%get3A_12, %get3A_13, %get3A_14] : memref<2x1000x128xf32, #tpu.memory_space<vmem>>, vector<1x1000x128xf32>
    %get3A_16 = vector.shape_cast %get3A_15 : vector<1x1000x128xf32> to vector<1000x128xf32>
    %get3A_17 = arith.constant 1 : index
    %get3A_18 = arith.constant 0 : index
    %get3A_19 = arith.constant 0 : index
    %get3A_20 = vector.load %arg1[%get3A_17, %get3A_18, %get3A_19] : memref<2x1000x128xf32, #tpu.memory_space<vmem>>, vector<1x1000x128xf32>
    %get3A_21 = vector.shape_cast %get3A_20 : vector<1x1000x128xf32> to vector<1000x128xf32>
    %add3A_22 = arith.addf %get3A_16, %get3A_21 : vector<1000x128xf32>
    %get3A_23 = arith.constant 0 : index
    %get3A_24 = arith.constant 0 : index
    %get3A_25 = vector.load %arg2[%get3A_23, %get3A_24] : memref<1000x128xf32, #tpu.memory_space<vmem>>, vector<1000x128xf32>
    %add3A_26 = arith.addf %add3A_22, %get3A_25 : vector<1000x128xf32>
    %mul3A = vector.broadcast %rsqrt3A : vector<1000x1xf32> to vector<1000x128xf32>
    %mul3A_27 = arith.mulf %add3A_26, %mul3A : vector<1000x128xf32>
    %get3A_28 = arith.constant 0 : index
    %get3A_29 = arith.constant 0 : index
    %get3A_30 = vector.load %arg5[%get3A_28, %get3A_29] : memref<1x128xf32, #tpu.memory_space<vmem>>, vector<1x128xf32>
    %add3A_31 = vector.broadcast %get3A_30 : vector<1x128xf32> to vector<1000x128xf32>
    %add3A_32 = arith.addf %mul3A_27, %add3A_31 : vector<1000x128xf32>
    %max3A = arith.constant 0.000000e+00 : f32
    %max3A_33 = vector.broadcast %max3A : f32 to vector<1000x128xf32>
    %max3A_34 = arith.maximumf %add3A_32, %max3A_33 : vector<1000x128xf32>
    %get3A_35 = arith.constant 0 : index
    %get3A_36 = arith.constant 0 : index
    %get3A_37 = vector.load %arg4[%get3A_35, %get3A_36] : memref<128x128xf32, #tpu.memory_space<vmem>>, vector<128x128xf32>
    %dot_general3A = arith.constant dense<0.000000e+00> : vector<1000x128xf32>
    %dot_general3A_38 = tpu.matmul %max3A_34, %get3A_37, %dot_general3A {dimension_numbers = #tpu.dot_dimension_numbers<[1], [0], [0], [1], [0, 0, 1, 1], [], []>, transpose_lhs_hint = false} : vector<1000x128xf32>, vector<128x128xf32>, vector<1000x128xf32> -> vector<1000x128xf32>
    %mul3A_39 = vector.broadcast %rsqrt3A : vector<1000x1xf32> to vector<1000x128xf32>
    %mul3A_40 = arith.mulf %dot_general3A_38, %mul3A_39 : vector<1000x128xf32>
    %swap3A = arith.constant 0 : index
    %swap3A_41 = arith.constant 0 : index
    %swap3A_42 = vector.load %arg6[%swap3A, %swap3A_41] : memref<1000x128xf32, #tpu.memory_space<vmem>>, vector<1000x128xf32>
    tpu.vector_store %arg6[%swap3A, %swap3A_41], %mul3A_40 {strides = array<i32>} : memref<1000x128xf32, #tpu.memory_space<vmem>>, vector<1000x128xf32>,
    return
  }
  func.func @transform_0(%arg0: i32) -> (i32, i32, i32) {
    %c0_i32 = arith.constant 0 : i32
    %c0_i32_0 = arith.constant 0 : i32
    %c0_i32_1 = arith.constant 0 : i32
    return %c0_i32, %arg0, %c0_i32_0 : i32, i32, i32
  }
  func.func @transform_1(%arg0: i32) -> (i32, i32) {
    %c0_i32 = arith.constant 0 : i32
    %c0_i32_0 = arith.constant 0 : i32
    return %arg0, %c0_i32 : i32, i32
  }
  func.func @transform_2(%arg0: i32) -> (i32, i32, i32) {
    %c0_i32 = arith.constant 0 : i32
    %c0_i32_0 = arith.constant 0 : i32
    %c0_i32_1 = arith.constant 0 : i32
    return %c0_i32, %arg0, %c0_i32_0 : i32, i32, i32
  }
  func.func @transform_3(%arg0: i32) -> (i32, i32) {
    %c0_i32 = arith.constant 0 : i32
    %c0_i32_0 = arith.constant 0 : i32
    %c0_i32_1 = arith.constant 0 : i32
    return %c0_i32, %c0_i32_0 : i32, i32
  }
  func.func @transform_4(%arg0: i32) -> (i32, i32) {
    %c0_i32 = arith.constant 0 : i32
    %c0_i32_0 = arith.constant 0 : i32
    %c0_i32_1 = arith.constant 0 : i32
    return %c0_i32, %c0_i32_0 : i32, i32
  }
  func.func @transform_5(%arg0: i32) -> (i32, i32) {
    %c0_i32 = arith.constant 0 : i32
    %c0_i32_0 = arith.constant 0 : i32
    return %arg0, %c0_i32 : i32, i32
  }
}

module attributes {stable_mosaic.version = 14 : i64} {
  func.func @body(%arg0: i32, %arg1: memref<2x1000x128xf32, #tpu.memory_space<vmem>>, %arg2: memref<1000x128xf32, #tpu.memory_space<vmem>>, %arg3: memref<2x1000x128xf32, #tpu.memory_space<vmem>>, %arg4: memref<1x128xf32, #tpu.memory_space<vmem>>, %arg5: memref<128x40xf32, #tpu.memory_space<vmem>>, %arg6: memref<1x40xf32, #tpu.memory_space<vmem>>, %arg7: memref<1000x128xf32, #tpu.memory_space<vmem>>, %arg8: memref<1000x40xf32, #tpu.memory_space<vmem>>) attributes {dimension_semantics = [#tpu.dimension_semantics<arbitrary>], iteration_bounds = array<i64: 10>, scalar_prefetch = 0 : i64, scratch_operands = 0 : i64, tpu.core_type = #tpu.core_type<tc>, window_params = [{transform_indices = @transform_0, window_bounds = array<i64: 2, 1000, 128>}, {transform_indices = @transform_1, window_bounds = array<i64: 1000, 128>}, {transform_indices = @transform_2, window_bounds = array<i64: 2, 1000, 128>}, {pipeline_mode = #tpu.pipeline_mode<synchronous>, transform_indices = @transform_3, window_bounds = array<i64: 1, 128>}, {pipeline_mode = #tpu.pipeline_mode<synchronous>, transform_indices = @transform_4, window_bounds = array<i64: 128, 40>}, {pipeline_mode = #tpu.pipeline_mode<synchronous>, transform_indices = @transform_5, window_bounds = array<i64: 1, 40>}, {transform_indices = @transform_6, window_bounds = array<i64: 1000, 128>}, {transform_indices = @transform_7, window_bounds = array<i64: 1000, 40>}]} {
    %get3A = arith.constant 0 : index
    %get3A_0 = arith.constant 0 : index
    %get3A_1 = arith.constant 0 : index
    %get3A_2 = vector.load %arg3[%get3A, %get3A_0, %get3A_1] : memref<2x1000x128xf32, #tpu.memory_space<vmem>>, vector<1x1000x1xf32>
    %get3A_3 = vector.shape_cast %get3A_2 : vector<1x1000x1xf32> to vector<1000x1xf32>
    %get3A_4 = arith.constant 1 : index
    %get3A_5 = arith.constant 0 : index
    %get3A_6 = arith.constant 0 : index
    %get3A_7 = vector.load %arg3[%get3A_4, %get3A_5, %get3A_6] : memref<2x1000x128xf32, #tpu.memory_space<vmem>>, vector<1x1000x1xf32>
    %get3A_8 = vector.shape_cast %get3A_7 : vector<1x1000x1xf32> to vector<1000x1xf32>
    %add3A = arith.addf %get3A_3, %get3A_8 : vector<1000x1xf32>
    %add3A_9 = arith.constant 1.000000e+00 : f32
    %add3A_10 = vector.broadcast %add3A_9 : f32 to vector<1000x1xf32>
    %add3A_11 = arith.addf %add3A, %add3A_10 : vector<1000x1xf32>
    %rsqrt3A = math.rsqrt %add3A_11 : vector<1000x1xf32>
    %get3A_12 = arith.constant 0 : index
    %get3A_13 = arith.constant 0 : index
    %get3A_14 = arith.constant 0 : index
    %get3A_15 = vector.load %arg1[%get3A_12, %get3A_13, %get3A_14] : memref<2x1000x128xf32, #tpu.memory_space<vmem>>, vector<1x1000x128xf32>
    %get3A_16 = vector.shape_cast %get3A_15 : vector<1x1000x128xf32> to vector<1000x128xf32>
    %get3A_17 = arith.constant 1 : index
    %get3A_18 = arith.constant 0 : index
    %get3A_19 = arith.constant 0 : index
    %get3A_20 = vector.load %arg1[%get3A_17, %get3A_18, %get3A_19] : memref<2x1000x128xf32, #tpu.memory_space<vmem>>, vector<1x1000x128xf32>
    %get3A_21 = vector.shape_cast %get3A_20 : vector<1x1000x128xf32> to vector<1000x128xf32>
    %add3A_22 = arith.addf %get3A_16, %get3A_21 : vector<1000x128xf32>
    %get3A_23 = arith.constant 0 : index
    %get3A_24 = arith.constant 0 : index
    %get3A_25 = vector.load %arg2[%get3A_23, %get3A_24] : memref<1000x128xf32, #tpu.memory_space<vmem>>, vector<1000x128xf32>
    %add3A_26 = arith.addf %add3A_22, %get3A_25 : vector<1000x128xf32>
    %mul3A = vector.broadcast %rsqrt3A : vector<1000x1xf32> to vector<1000x128xf32>
    %mul3A_27 = arith.mulf %add3A_26, %mul3A : vector<1000x128xf32>
    %get3A_28 = arith.constant 0 : index
    %get3A_29 = arith.constant 0 : index
    %get3A_30 = vector.load %arg4[%get3A_28, %get3A_29] : memref<1x128xf32, #tpu.memory_space<vmem>>, vector<1x128xf32>
    %add3A_31 = vector.broadcast %get3A_30 : vector<1x128xf32> to vector<1000x128xf32>
    %add3A_32 = arith.addf %mul3A_27, %add3A_31 : vector<1000x128xf32>
    %swap3A = arith.constant 0 : index
    %swap3A_33 = arith.constant 0 : index
    %swap3A_34 = vector.load %arg7[%swap3A, %swap3A_33] : memref<1000x128xf32, #tpu.memory_space<vmem>>, vector<1000x128xf32>
    tpu.vector_store %arg7[%swap3A, %swap3A_33], %add3A_32 {strides = array<i32>} : memref<1000x128xf32, #tpu.memory_space<vmem>>, vector<1000x128xf32>,
    %get3A_35 = arith.constant 0 : index
    %get3A_36 = arith.constant 0 : index
    %get3A_37 = vector.load %arg5[%get3A_35, %get3A_36] : memref<128x40xf32, #tpu.memory_space<vmem>>, vector<128x40xf32>
    %dot_general3A = arith.constant dense<0.000000e+00> : vector<1000x40xf32>
    %dot_general3A_38 = tpu.matmul %add3A_32, %get3A_37, %dot_general3A {dimension_numbers = #tpu.dot_dimension_numbers<[1], [0], [0], [1], [0, 0, 1, 1], [], []>, transpose_lhs_hint = false} : vector<1000x128xf32>, vector<128x40xf32>, vector<1000x40xf32> -> vector<1000x40xf32>
    %get3A_39 = arith.constant 0 : index
    %get3A_40 = arith.constant 0 : index
    %get3A_41 = vector.load %arg6[%get3A_39, %get3A_40] : memref<1x40xf32, #tpu.memory_space<vmem>>, vector<1x40xf32>
    %add3A_42 = vector.broadcast %get3A_41 : vector<1x40xf32> to vector<1000x40xf32>
    %add3A_43 = arith.addf %dot_general3A_38, %add3A_42 : vector<1000x40xf32>
    %swap3A_44 = arith.constant 0 : index
    %swap3A_45 = arith.constant 0 : index
    %swap3A_46 = vector.load %arg8[%swap3A_44, %swap3A_45] : memref<1000x40xf32, #tpu.memory_space<vmem>>, vector<1000x40xf32>
    tpu.vector_store %arg8[%swap3A_44, %swap3A_45], %add3A_43 {strides = array<i32>} : memref<1000x40xf32, #tpu.memory_space<vmem>>, vector<1000x40xf32>,
    return
  }
  func.func @transform_0(%arg0: i32) -> (i32, i32, i32) {
    %c0_i32 = arith.constant 0 : i32
    %c0_i32_0 = arith.constant 0 : i32
    %c0_i32_1 = arith.constant 0 : i32
    return %c0_i32, %arg0, %c0_i32_0 : i32, i32, i32
  }
  func.func @transform_1(%arg0: i32) -> (i32, i32) {
    %c0_i32 = arith.constant 0 : i32
    %c0_i32_0 = arith.constant 0 : i32
    return %arg0, %c0_i32 : i32, i32
  }
  func.func @transform_2(%arg0: i32) -> (i32, i32, i32) {
    %c0_i32 = arith.constant 0 : i32
    %c0_i32_0 = arith.constant 0 : i32
    %c0_i32_1 = arith.constant 0 : i32
    return %c0_i32, %arg0, %c0_i32_0 : i32, i32, i32
  }
  func.func @transform_3(%arg0: i32) -> (i32, i32) {
    %c0_i32 = arith.constant 0 : i32
    %c0_i32_0 = arith.constant 0 : i32
    %c0_i32_1 = arith.constant 0 : i32
    return %c0_i32, %c0_i32_0 : i32, i32
  }
  func.func @transform_4(%arg0: i32) -> (i32, i32) {
    %c0_i32 = arith.constant 0 : i32
    %c0_i32_0 = arith.constant 0 : i32
    %c0_i32_1 = arith.constant 0 : i32
    return %c0_i32, %c0_i32_0 : i32, i32
  }
  func.func @transform_5(%arg0: i32) -> (i32, i32) {
    %c0_i32 = arith.constant 0 : i32
    %c0_i32_0 = arith.constant 0 : i32
    %c0_i32_1 = arith.constant 0 : i32
    return %c0_i32, %c0_i32_0 : i32, i32
  }
  func.func @transform_6(%arg0: i32) -> (i32, i32) {
    %c0_i32 = arith.constant 0 : i32
    %c0_i32_0 = arith.constant 0 : i32
    return %arg0, %c0_i32 : i32, i32
  }
  func.func @transform_7(%arg0: i32) -> (i32, i32) {
    %c0_i32 = arith.constant 0 : i32
    %c0_i32_0 = arith.constant 0 : i32
    return %arg0, %c0_i32 : i32, i32
  }
}

module attributes {stable_mosaic.version = 14 : i64} {
  func.func @_edge_mlp_body(%arg0: i32, %arg1: memref<2016x128xf32, #tpu.memory_space<vmem>>, %arg2: memref<2016x128xf32, #tpu.memory_space<vmem>>, %arg3: memref<128x512xbf16, #tpu.memory_space<vmem>>, %arg4: memref<128x512xbf16, #tpu.memory_space<vmem>>, %arg5: memref<1x512xf32, #tpu.memory_space<vmem>>, %arg6: memref<512x128xbf16, #tpu.memory_space<vmem>>, %arg7: memref<1x128xf32, #tpu.memory_space<vmem>>, %arg8: memref<2016x128xf32, #tpu.memory_space<vmem>>) attributes {dimension_semantics = [#tpu.dimension_semantics<arbitrary>], iteration_bounds = array<i64: 80>, scalar_prefetch = 0 : i64, scratch_operands = 0 : i64, tpu.core_type = #tpu.core_type<tc>, window_params = [{transform_indices = @transform_0, window_bounds = array<i64: 2016, 128>}, {transform_indices = @transform_1, window_bounds = array<i64: 2016, 128>}, {pipeline_mode = #tpu.pipeline_mode<synchronous>, transform_indices = @transform_2, window_bounds = array<i64: 128, 512>}, {pipeline_mode = #tpu.pipeline_mode<synchronous>, transform_indices = @transform_3, window_bounds = array<i64: 128, 512>}, {pipeline_mode = #tpu.pipeline_mode<synchronous>, transform_indices = @transform_4, window_bounds = array<i64: 1, 512>}, {pipeline_mode = #tpu.pipeline_mode<synchronous>, transform_indices = @transform_5, window_bounds = array<i64: 512, 128>}, {pipeline_mode = #tpu.pipeline_mode<synchronous>, transform_indices = @transform_6, window_bounds = array<i64: 1, 128>}, {transform_indices = @transform_7, window_bounds = array<i64: 2016, 128>}]} {
    %get3A = arith.constant 0 : index
    %get3A_0 = arith.constant 0 : index
    %get3A_1 = vector.load %arg1[%get3A, %get3A_0] : memref<2016x128xf32, #tpu.memory_space<vmem>>, vector<2016x128xf32>
    %convert_element_type3A = arith.truncf %get3A_1 : vector<2016x128xf32> to vector<2016x128xbf16>
    %get3A_2 = arith.constant 0 : index
    %get3A_3 = arith.constant 0 : index
    %get3A_4 = vector.load %arg3[%get3A_2, %get3A_3] : memref<128x512xbf16, #tpu.memory_space<vmem>>, vector<128x512xbf16>
    %dot_general3A = arith.constant dense<0.000000e+00> : vector<2016x512xf32>
    %dot_general3A_5 = tpu.matmul %convert_element_type3A, %get3A_4, %dot_general3A {dimension_numbers = #tpu.dot_dimension_numbers<[1], [0], [0], [1], [0, 0, 1, 1], [], []>, transpose_lhs_hint = false} : vector<2016x128xbf16>, vector<128x512xbf16>, vector<2016x512xf32> -> vector<2016x512xf32>
    %get3A_6 = arith.constant 0 : index
    %get3A_7 = arith.constant 0 : index
    %get3A_8 = vector.load %arg2[%get3A_6, %get3A_7] : memref<2016x128xf32, #tpu.memory_space<vmem>>, vector<2016x128xf32>
    %convert_element_type3A_9 = arith.truncf %get3A_8 : vector<2016x128xf32> to vector<2016x128xbf16>
    %get3A_10 = arith.constant 0 : index
    %get3A_11 = arith.constant 0 : index
    %get3A_12 = vector.load %arg4[%get3A_10, %get3A_11] : memref<128x512xbf16, #tpu.memory_space<vmem>>, vector<128x512xbf16>
    %dot_general3A_13 = arith.constant dense<0.000000e+00> : vector<2016x512xf32>
    %dot_general3A_14 = tpu.matmul %convert_element_type3A_9, %get3A_12, %dot_general3A_13 {dimension_numbers = #tpu.dot_dimension_numbers<[1], [0], [0], [1], [0, 0, 1, 1], [], []>, transpose_lhs_hint = false} : vector<2016x128xbf16>, vector<128x512xbf16>, vector<2016x512xf32> -> vector<2016x512xf32>
    %add3A = arith.addf %dot_general3A_5, %dot_general3A_14 : vector<2016x512xf32>
    %get3A_15 = arith.constant 0 : index
    %get3A_16 = arith.constant 0 : index
    %get3A_17 = vector.load %arg5[%get3A_15, %get3A_16] : memref<1x512xf32, #tpu.memory_space<vmem>>, vector<1x512xf32>
    %add3A_18 = vector.broadcast %get3A_17 : vector<1x512xf32> to vector<2016x512xf32>
    %add3A_19 = arith.addf %add3A, %add3A_18 : vector<2016x512xf32>
    %max3A = arith.constant 0.000000e+00 : f32
    %max3A_20 = vector.broadcast %max3A : f32 to vector<2016x512xf32>
    %max3A_21 = arith.maximumf %add3A_19, %max3A_20 : vector<2016x512xf32>
    %convert_element_type3A_22 = arith.truncf %max3A_21 : vector<2016x512xf32> to vector<2016x512xbf16>
    %get3A_23 = arith.constant 0 : index
    %get3A_24 = arith.constant 0 : index
    %get3A_25 = vector.load %arg6[%get3A_23, %get3A_24] : memref<512x128xbf16, #tpu.memory_space<vmem>>, vector<512x128xbf16>
    %dot_general3A_26 = arith.constant dense<0.000000e+00> : vector<2016x128xf32>
    %dot_general3A_27 = tpu.matmul %convert_element_type3A_22, %get3A_25, %dot_general3A_26 {dimension_numbers = #tpu.dot_dimension_numbers<[1], [0], [0], [1], [0, 0, 1, 1], [], []>, transpose_lhs_hint = false} : vector<2016x512xbf16>, vector<512x128xbf16>, vector<2016x128xf32> -> vector<2016x128xf32>
    %get3A_28 = arith.constant 0 : index
    %get3A_29 = arith.constant 0 : index
    %get3A_30 = vector.load %arg7[%get3A_28, %get3A_29] : memref<1x128xf32, #tpu.memory_space<vmem>>, vector<1x128xf32>
    %add3A_31 = vector.broadcast %get3A_30 : vector<1x128xf32> to vector<2016x128xf32>
    %add3A_32 = arith.addf %dot_general3A_27, %add3A_31 : vector<2016x128xf32>
    %swap3A = arith.constant 0 : index
    %swap3A_33 = arith.constant 0 : index
    %swap3A_34 = vector.load %arg8[%swap3A, %swap3A_33] : memref<2016x128xf32, #tpu.memory_space<vmem>>, vector<2016x128xf32>
    tpu.vector_store %arg8[%swap3A, %swap3A_33], %add3A_32 {strides = array<i32>} : memref<2016x128xf32, #tpu.memory_space<vmem>>, vector<2016x128xf32>,
    return
  }
  func.func @transform_0(%arg0: i32) -> (i32, i32) {
    %c0_i32 = arith.constant 0 : i32
    %c0_i32_0 = arith.constant 0 : i32
    return %arg0, %c0_i32 : i32, i32
  }
  func.func @transform_1(%arg0: i32) -> (i32, i32) {
    %c0_i32 = arith.constant 0 : i32
    %c0_i32_0 = arith.constant 0 : i32
    return %arg0, %c0_i32 : i32, i32
  }
  func.func @transform_2(%arg0: i32) -> (i32, i32) {
    %c0_i32 = arith.constant 0 : i32
    %c0_i32_0 = arith.constant 0 : i32
    %c0_i32_1 = arith.constant 0 : i32
    return %c0_i32, %c0_i32_0 : i32, i32
  }
  func.func @transform_3(%arg0: i32) -> (i32, i32) {
    %c0_i32 = arith.constant 0 : i32
    %c0_i32_0 = arith.constant 0 : i32
    %c0_i32_1 = arith.constant 0 : i32
    return %c0_i32, %c0_i32_0 : i32, i32
  }
  func.func @transform_4(%arg0: i32) -> (i32, i32) {
    %c0_i32 = arith.constant 0 : i32
    %c0_i32_0 = arith.constant 0 : i32
    %c0_i32_1 = arith.constant 0 : i32
    return %c0_i32, %c0_i32_0 : i32, i32
  }
  func.func @transform_5(%arg0: i32) -> (i32, i32) {
    %c0_i32 = arith.constant 0 : i32
    %c0_i32_0 = arith.constant 0 : i32
    %c0_i32_1 = arith.constant 0 : i32
    return %c0_i32, %c0_i32_0 : i32, i32
  }
  func.func @transform_6(%arg0: i32) -> (i32, i32) {
    %c0_i32 = arith.constant 0 : i32
    %c0_i32_0 = arith.constant 0 : i32
    %c0_i32_1 = arith.constant 0 : i32
    return %c0_i32, %c0_i32_0 : i32, i32
  }
  func.func @transform_7(%arg0: i32) -> (i32, i32) {
    %c0_i32 = arith.constant 0 : i32
    %c0_i32_0 = arith.constant 0 : i32
    return %arg0, %c0_i32 : i32, i32
  }
}

module attributes {stable_mosaic.version = 14 : i64} {
  func.func @body(%arg0: i32, %arg1: memref<320000x128xf32, #tpu.memory_space<any>>, %arg2: memref<1280x128xf32, #tpu.memory_space<vmem>>, %arg3: memref<1280x128xf32, #tpu.memory_space<vmem>>, %arg4: memref<128x512xbf16, #tpu.memory_space<vmem>>, %arg5: memref<128x512xbf16, #tpu.memory_space<vmem>>, %arg6: memref<1x512xf32, #tpu.memory_space<vmem>>, %arg7: memref<512x128xbf16, #tpu.memory_space<vmem>>, %arg8: memref<1x128xf32, #tpu.memory_space<vmem>>, %arg9: memref<1280x128xf32, #tpu.memory_space<vmem>>) attributes {dimension_semantics = [#tpu.dimension_semantics<arbitrary>], iteration_bounds = array<i64: 124>, scalar_prefetch = 0 : i64, scratch_operands = 0 : i64, tpu.core_type = #tpu.core_type<tc>, window_params = [{}, {transform_indices = @transform_1, window_bounds = array<i64: 1280, 128>}, {transform_indices = @transform_2, window_bounds = array<i64: 1280, 128>}, {pipeline_mode = #tpu.pipeline_mode<synchronous>, transform_indices = @transform_3, window_bounds = array<i64: 128, 512>}, {pipeline_mode = #tpu.pipeline_mode<synchronous>, transform_indices = @transform_4, window_bounds = array<i64: 128, 512>}, {pipeline_mode = #tpu.pipeline_mode<synchronous>, transform_indices = @transform_5, window_bounds = array<i64: 1, 512>}, {pipeline_mode = #tpu.pipeline_mode<synchronous>, transform_indices = @transform_6, window_bounds = array<i64: 512, 128>}, {pipeline_mode = #tpu.pipeline_mode<synchronous>, transform_indices = @transform_7, window_bounds = array<i64: 1, 128>}, {transform_indices = @transform_8, window_bounds = array<i64: 1280, 128>}]} {
    %get3A = arith.constant 0 : index
    %get3A_0 = arith.constant 0 : index
    %get3A_1 = vector.load %arg2[%get3A, %get3A_0] : memref<1280x128xf32, #tpu.memory_space<vmem>>, vector<1280x128xf32>
    %convert_element_type3A = arith.truncf %get3A_1 : vector<1280x128xf32> to vector<1280x128xbf16>
    %get3A_2 = arith.constant 0 : index
    %get3A_3 = arith.constant 0 : index
    %get3A_4 = vector.load %arg4[%get3A_2, %get3A_3] : memref<128x512xbf16, #tpu.memory_space<vmem>>, vector<128x512xbf16>
    %dot_general3A = arith.constant dense<0.000000e+00> : vector<1280x512xf32>
    %dot_general3A_5 = tpu.matmul %convert_element_type3A, %get3A_4, %dot_general3A {dimension_numbers = #tpu.dot_dimension_numbers<[1], [0], [0], [1], [0, 0, 1, 1], [], []>, transpose_lhs_hint = false} : vector<1280x128xbf16>, vector<128x512xbf16>, vector<1280x512xf32> -> vector<1280x512xf32>
    %get3A_6 = arith.constant 0 : index
    %get3A_7 = arith.constant 0 : index
    %get3A_8 = vector.load %arg3[%get3A_6, %get3A_7] : memref<1280x128xf32, #tpu.memory_space<vmem>>, vector<1280x128xf32>
    %convert_element_type3A_9 = arith.truncf %get3A_8 : vector<1280x128xf32> to vector<1280x128xbf16>
    %get3A_10 = arith.constant 0 : index
    %get3A_11 = arith.constant 0 : index
    %get3A_12 = vector.load %arg5[%get3A_10, %get3A_11] : memref<128x512xbf16, #tpu.memory_space<vmem>>, vector<128x512xbf16>
    %dot_general3A_13 = arith.constant dense<0.000000e+00> : vector<1280x512xf32>
    %dot_general3A_14 = tpu.matmul %convert_element_type3A_9, %get3A_12, %dot_general3A_13 {dimension_numbers = #tpu.dot_dimension_numbers<[1], [0], [0], [1], [0, 0, 1, 1], [], []>, transpose_lhs_hint = false} : vector<1280x128xbf16>, vector<128x512xbf16>, vector<1280x512xf32> -> vector<1280x512xf32>
    %add3A = arith.addf %dot_general3A_5, %dot_general3A_14 : vector<1280x512xf32>
    %get3A_15 = arith.constant 0 : index
    %get3A_16 = arith.constant 0 : index
    %get3A_17 = vector.load %arg6[%get3A_15, %get3A_16] : memref<1x512xf32, #tpu.memory_space<vmem>>, vector<1x512xf32>
    %add3A_18 = vector.broadcast %get3A_17 : vector<1x512xf32> to vector<1280x512xf32>
    %add3A_19 = arith.addf %add3A, %add3A_18 : vector<1280x512xf32>
    %max3A = arith.constant 0.000000e+00 : f32
    %max3A_20 = vector.broadcast %max3A : f32 to vector<1280x512xf32>
    %max3A_21 = arith.maximumf %add3A_19, %max3A_20 : vector<1280x512xf32>
    %convert_element_type3A_22 = arith.truncf %max3A_21 : vector<1280x512xf32> to vector<1280x512xbf16>
    %get3A_23 = arith.constant 0 : index
    %get3A_24 = arith.constant 0 : index
    %get3A_25 = vector.load %arg7[%get3A_23, %get3A_24] : memref<512x128xbf16, #tpu.memory_space<vmem>>, vector<512x128xbf16>
    %dot_general3A_26 = arith.constant dense<0.000000e+00> : vector<1280x128xf32>
    %dot_general3A_27 = tpu.matmul %convert_element_type3A_22, %get3A_25, %dot_general3A_26 {dimension_numbers = #tpu.dot_dimension_numbers<[1], [0], [0], [1], [0, 0, 1, 1], [], []>, transpose_lhs_hint = false} : vector<1280x512xbf16>, vector<512x128xbf16>, vector<1280x128xf32> -> vector<1280x128xf32>
    %get3A_28 = arith.constant 0 : index
    %get3A_29 = arith.constant 0 : index
    %get3A_30 = vector.load %arg8[%get3A_28, %get3A_29] : memref<1x128xf32, #tpu.memory_space<vmem>>, vector<1x128xf32>
    %add3A_31 = vector.broadcast %get3A_30 : vector<1x128xf32> to vector<1280x128xf32>
    %add3A_32 = arith.addf %dot_general3A_27, %add3A_31 : vector<1280x128xf32>
    %swap3A = arith.constant 0 : index
    %swap3A_33 = arith.constant 0 : index
    %swap3A_34 = vector.load %arg9[%swap3A, %swap3A_33] : memref<1280x128xf32, #tpu.memory_space<vmem>>, vector<1280x128xf32>
    tpu.vector_store %arg9[%swap3A, %swap3A_33], %add3A_32 {strides = array<i32>} : memref<1280x128xf32, #tpu.memory_space<vmem>>, vector<1280x128xf32>,
    return
  }
  func.func @transform_1(%arg0: i32) -> (i32, i32) {
    %c0_i32 = arith.constant 0 : i32
    %c0_i32_0 = arith.constant 0 : i32
    return %arg0, %c0_i32 : i32, i32
  }
  func.func @transform_2(%arg0: i32) -> (i32, i32) {
    %c0_i32 = arith.constant 0 : i32
    %c0_i32_0 = arith.constant 0 : i32
    return %arg0, %c0_i32 : i32, i32
  }
  func.func @transform_3(%arg0: i32) -> (i32, i32) {
    %c0_i32 = arith.constant 0 : i32
    %c0_i32_0 = arith.constant 0 : i32
    %c0_i32_1 = arith.constant 0 : i32
    return %c0_i32, %c0_i32_0 : i32, i32
  }
  func.func @transform_4(%arg0: i32) -> (i32, i32) {
    %c0_i32 = arith.constant 0 : i32
    %c0_i32_0 = arith.constant 0 : i32
    %c0_i32_1 = arith.constant 0 : i32
    return %c0_i32, %c0_i32_0 : i32, i32
  }
  func.func @transform_5(%arg0: i32) -> (i32, i32) {
    %c0_i32 = arith.constant 0 : i32
    %c0_i32_0 = arith.constant 0 : i32
    %c0_i32_1 = arith.constant 0 : i32
    return %c0_i32, %c0_i32_0 : i32, i32
  }
  func.func @transform_6(%arg0: i32) -> (i32, i32) {
    %c0_i32 = arith.constant 0 : i32
    %c0_i32_0 = arith.constant 0 : i32
    %c0_i32_1 = arith.constant 0 : i32
    return %c0_i32, %c0_i32_0 : i32, i32
  }
  func.func @transform_7(%arg0: i32) -> (i32, i32) {
    %c0_i32 = arith.constant 0 : i32
    %c0_i32_0 = arith.constant 0 : i32
    %c0_i32_1 = arith.constant 0 : i32
    return %c0_i32, %c0_i32_0 : i32, i32
  }
  func.func @transform_8(%arg0: i32) -> (i32, i32) {
    %add3A = arith.constant 126 : i32
    %add3A_0 = arith.addi %arg0, %add3A : i32
    %c0_i32 = arith.constant 0 : i32
    %c0_i32_1 = arith.constant 0 : i32
    return %add3A_0, %c0_i32 : i32, i32
  }
}

</mosaic_0001>

<sc_bundles>
// kernel: kernel.13.cloned.1.call-start
scs
__scs_entry_jumppad:
0x0: {  	(pc) =	sbr.rel $0x88, $3  }
0x1: {  	(tag) =	ssettag $0x0;
	lr =	simm.s32 $0x1  }
0x2: {  	[smem:$0x3F95] =	sst lr;
	_ =	strace $0xD0000000  }
0x3: {  	_ = 	snop  }
0x4: {  	_ = 	snop  }
0x5: {  	_ = 	snop  }
0x6: {  	_ = 	snop  }
0x7: {  	_ = 	snop  }
__scs_overlays_trampoline_lowered:
0x8: {  	[smem:$0x3FA4] =	sst s0  }
0x9: {  	[smem:$0x3FA5] =	sst s1  }
0xa: {  	[smem:$0x3FA6] =	sst s2  }
0xb: {  	[smem:$0x3FA7] =	sst s3  }
0xc: {  	[smem:$0x3FA8] =	sst s4  }
0xd: {  	[smem:$0x3FA9] =	sst s5  }
0xe: {  	[smem:$0x3FAA] =	sst s6  }
0xf: {  	[smem:$0x3FAB] =	sst s7  }
0x10: {  	[smem:$0x3FAC] =	sst s8  }
0x11: {  	[smem:$0x3FAD] =	sst s9;
	s0 =	simm.s32 @!p0 $0x0  }
0x12: {  	s1 =	sld [smem:$0x3F93];
	s0 =	simm.s32 @p0 $0x1  }
0x13: {  	[smem:$0x3FAE] =	sst s0;
	s0 =	simm.s32 @!p1 $0x0  }
0x14: {  	s2 =	sld [smem:$0x3F92];
	s0 =	simm.s32 @p1 $0x1  }
0x15: {  	[smem:$0x3FAF] =	sst s0;
	s0 =	simm.s32 @!p2 $0x0  }
0x16: {  	s3 =	sld [smem:$0x3FDB];
	s0 =	simm.s32 @p2 $0x1  }
0x17: {  	s4 =	simm.s32 $0x1BF5;
	[smem:$0x3FB1] =	sst s0  }
0x18: {  	s0 =	sld [smem:$0x3F94];
	_ =	swait.ge [sflag:s4], $0x0  }
0x19: {  	s7 =	sld [smem:$0x3F95]  }
0x1a: {  	s8 =	sadd.s32 $0xFFFFE003, lr  }
0x1b: {  	s9 =	sadd.s32 $0xFFFFFEF7, lr;
	s5 =	simm.s32 $0xFFFFFFFF;
	p2 =	slt.u32 s8, $0xFFFFF086  }
0x1c: {  	p1 =	slt.u32 s9, $0xF7A;
	s5 =	simm.s32 @!p2 $0x0  }
0x1d: {  	s5 =	simm.s32 @p1 $0x1;
	p0 =	seq.s32 s7, s2  }
0x1e: {  	s7 =	smul.u32 @!p0 $0xF7A, s2;
	p2 =	seq.s32 @!p0 s5, $0x0  }
0x1f: {  	s9 =	smul.u32 $0xF7A, s1;
	s8 =	simm.s32 @!p0 $0x1BF5;
	p2 =	por !p2, p0  }
0x20: {  	[sflag:s8] =	ssyncset.s32 @!p0 $0xFFFFF086;
	s6 =	sadd.s32 @!p0 s3, s7;
	s7 =	simm.s32 @!p0 $0x108  }
0x21: {  	s3 =	sadd.s32 s3, s9;
	s6 =	sadd.s32 @!p0 $0x88, s6;
	s7 =	simm.s32 @p2 $0x1082  }
0x22: {  	[simem:s7], [sflag:s8] =	dma.local @!p0 [hbm:s6], $0xF7A  }
0x23: {  	s9 =	sor.u32 $0xD0000000, s2;
	s6 =	simm.s32 $0x108;
	_ =	swait.ge @!p0 [sflag:s8], $0x0  }
0x24: {  	s3 =	sadd.s32 $0x88, s3;
	s6 =	simm.s32 @!p1 $0x1082;
	[sflag:s4] =	ssyncset.s32 $0xFFFFF086  }
0x25: {  	[simem:s6], [sflag:s4] =	dma.local [hbm:s3], $0xF7A  }
0x26: {  	[smem:$0x3F95] =	sst s1;
	(tag) =	ssettag s2;
	_ =	strace s9  }
0x27: {  	s1 =	sld [smem:$0x3FA5]  }
0x28: {  	s2 =	sld [smem:$0x3FA6]  }
0x29: {  	s4 =	sld [smem:$0x3FA8]  }
0x2a: {  	p0 =	seq.s32 s5, $0x0;
	s5 =	sld [smem:$0x3FA9]  }
0x2b: {  	s6 =	sld [smem:$0x3FAA]  }
0x2c: {  	s7 =	sld [smem:$0x3FAB]  }
0x2d: {  	s3 =	simm.s32 $0x108;
	s8 =	sld [smem:$0x3FAC]  }
0x2e: {  	s3 =	simm.s32 @!p0 $0x1082;
	s9 =	sld [smem:$0x3FAD]  }
0x2f: {  	lr =	sadd.s32 s0, s3;
	s0 =	sld [smem:$0x3FA4]  }
0x30: {  	s3 =	sld [smem:$0x3FA7]  }
0x31: {  	[smem:$0x3FB0] =	sst s10  }
0x32: {  	s10 =	sld [smem:$0x3FAE];
	_ =	sdelay $0x3  }
0x33: {  	p0 =	seq.s32 s10, $0x1;
	s10 =	sld [smem:$0x3FB0];
	_ =	sdelay $0x3  }
0x34: {  	[smem:$0x3FB0] =	sst s10  }
0x35: {  	s10 =	sld [smem:$0x3FAF];
	_ =	sdelay $0x3  }
0x36: {  	p1 =	seq.s32 s10, $0x1;
	s10 =	sld [smem:$0x3FB0];
	_ =	sdelay $0x3  }
0x37: {  	[smem:$0x3FB0] =	sst s10  }
0x38: {  	s10 =	sld [smem:$0x3FB1]  }
0x39: {  	_ = 	snop;
	(pc) =	sbr.ind lr, $3  }
0x3a: {  	_ = 	snop  }
0x3b: {  	_ = 	snop  }
0x3c: {  	p2 =	seq.s32 s10, $0x1;
	s10 =	sld [smem:$0x3FB0]  }
0x3d: {  	_ =	shalt  }
0x3e: {  	_ =	shalt  }
0x3f: {  	_ =	shalt  }
0x40: {  	_ =	shalt  }
0x41: {  	_ =	shalt  }
0x42: {  	_ =	shalt  }
0x43: {  	_ =	shalt  }
0x44: {  	_ =	shalt  }
0x45: {  	_ =	shalt  }
0x46: {  	_ =	shalt  }
0x47: {  	_ =	shalt  }
0x48: {  	_ =	shalt  }
0x49: {  	_ =	shalt  }
0x4a: {  	_ =	shalt  }
0x4b: {  	_ =	shalt  }
0x4c: {  	_ =	shalt  }
0x4d: {  	_ =	shalt  }
0x4e: {  	_ =	shalt  }
0x4f: {  	_ =	shalt  }
0x50: {  	_ =	shalt  }
0x51: {  	_ =	shalt  }
0x52: {  	_ =	shalt  }
0x53: {  	_ =	shalt  }
0x54: {  	_ =	shalt  }
0x55: {  	_ =	shalt  }
0x56: {  	_ =	shalt  }
0x57: {  	_ =	shalt  }
0x58: {  	_ =	shalt  }
0x59: {  	_ =	shalt  }
0x5a: {  	_ =	shalt  }
0x5b: {  	_ =	shalt  }
0x5c: {  	_ =	shalt  }
0x5d: {  	_ =	shalt  }
0x5e: {  	_ =	shalt  }
0x5f: {  	_ =	shalt  }
0x60: {  	_ =	shalt  }
0x61: {  	_ =	shalt  }
0x62: {  	_ =	shalt  }
0x63: {  	_ =	shalt  }
0x64: {  	_ =	shalt  }
0x65: {  	_ =	shalt  }
0x66: {  	_ =	shalt  }
0x67: {  	_ =	shalt  }
0x68: {  	_ =	shalt  }
0x69: {  	_ =	shalt  }
0x6a: {  	_ =	shalt  }
0x6b: {  	_ =	shalt  }
0x6c: {  	_ =	shalt  }
0x6d: {  	_ =	shalt  }
0x6e: {  	_ =	shalt  }
0x6f: {  	_ =	shalt  }
0x70: {  	_ =	shalt  }
0x71: {  	_ =	shalt  }
0x72: {  	_ =	shalt  }
0x73: {  	_ =	shalt  }
0x74: {  	_ =	shalt  }
0x75: {  	_ =	shalt  }
0x76: {  	_ =	shalt  }
0x77: {  	_ =	shalt  }
0x78: {  	_ =	shalt  }
0x79: {  	_ =	shalt  }
0x7a: {  	_ =	shalt  }
0x7b: {  	_ =	shalt  }
0x7c: {  	_ =	shalt  }
0x7d: {  	_ =	shalt  }
0x7e: {  	_ =	shalt  }
0x7f: {  	_ =	shalt  }
0x80: {  	_ =	shalt  }
0x81: {  	_ =	shalt  }
0x82: {  	_ =	shalt  }
0x83: {  	_ =	shalt  }
0x84: {  	_ =	shalt  }
0x85: {  	_ =	shalt  }
0x86: {  	_ =	shalt  }
0x87: {  	_ =	shalt  }
.Lfunc_end0:
.L_simem_size_0:
called_computation_lowered:
.L_overlay_start_0:
0x88: {  	s2 =	sld [smem:$0x3FD9]  }
0x89: {  	s3 =	sld [smem:$0x3FFE];
	_ =	sdelay $0x1  }
0x8a: {  	s1 =	srdreg.scid  }
0x8b: {  	s0 =	sand.u32 $0x1, s1  }
0x8c: {  	s14 =	sshll.u32 s0, $0xA;
	s2 =	sadd.s32 s3, s2  }
0x8d: {  	s2 =	sadd.s32 s2, s14  }
0x8e: {  	[smem:$0x3FBC] =	sst s2  }
0x8f: {  	_ = 	snop  }
0x90: {  	s2 =	sld [smem:$0x3FD0];
	_ =	sdelay $0x2  }
0x91: {  	s15 =	simm.s32 $0xB;
	s4 =	simm.s32 $0x10  }
0x92: {  	[smem:s4], [sflag:s15] =	dma.local [hbm:s2], $0x1  }
0x93: {  	_ =	swait.eq [sflag:s15], $0x1  }
0x94: {  	s16 =	sld [smem:$0x10];
	[sflag:s15] =	ssyncset.done $0x0  }
0x95: {  	s17 =	sld [smem:$0x12];
	[sflag:s15] =	ssyncadd.s32 $0xFFFFFFFF  }
0x96: {  	s18 =	sld [smem:$0x13];
	(tm) =	ssettm $0x1  }
0x97: {  	s5 =	sld [smem:$0x3FFB];
	_ =	sdelay $0x3  }
0x98: {  	_ =	strace s5  }
0x99: {  	s5 =	sld [smem:$0x3FFC];
	_ =	sdelay $0x3  }
0x9a: {  	_ =	strace s5  }
0x9b: {  	s5 =	sld [smem:$0x3FFD];
	_ =	sdelay $0x3  }
0x9c: {  	_ =	strace s5  }
0x9d: {  	_ =	strace $0x8FFFFFFF  }
0x9e: {  	s19 =	sld [smem:$0x3FDB];
	_ =	sdelay $0x1  }
0x9f: {  	s6 =	simm.s32 $_scs_section_size  }
0xa0: {  	s7 =	simm.s32 $_size__tile_overlayer_lowered;
	s8 =	simm.s32 $_tile_overlayer_lowered  }
0xa1: {  	s22 =	simm.s32 $0x1BFF;
	s21 =	sshll.u32 s8, $0x1;
	s5 =	sadd.s32 s6, s19  }
0xa2: {  	s9 =	simm.s32 $0x0;
	s20 =	sshll.u32 s7, $0x1;
	s7 =	sadd.s32 s21, s5  }
0xa3: {  	[timem:s9], [sflag:s22] =	dma.local [hbm:s7], s20  }
0xa4: {  	_ =	swait.ge [sflag:s22], s20  }
0xa5: {  	s6 =	ssub.s32 $0x0, s20;
	[sflag:s22] =	ssyncset.done $0x0  }
0xa6: {  	[sflag:s22] =	ssyncadd.s32 s6;
	_ =	sdelay $0x1  }
0xa7: {  	s23 =	simm.s32 $0x1B8B  }
0xa8: {  	_ =	swait.ge [sflag:s23], $0x1  }
0xa9: {  	[sflag:s23] =	ssyncset.done $0x0  }
0xaa: {  	s25 =	simm.s32 $0x1B8E;
	s24 =	sld [smem:$0x3FFE];
	[sflag:s23] =	ssyncadd.s32 $0xFFFFFFFF  }
0xab: {  	s26 =	simm.s32 $execute0_lowered;
	[smem:$0x3FD2] =	sst s25  }
0xac: {  	s7 =	sshll.u32 s26, $0x1;
	_ =	strace $0x80000046;
	[dreg:$0x1] =	wrdreg $0xFFFFFFFF  }
0xad: {  	s28 =	simm.s32 $_size_execute0_lowered;
	s5 =	sadd.s32 s5, s7;
	[dreg:$0x0] =	wrdreg $0x0  }
0xae: {  	s7 =	sshll.u32 s28, $0x1;
	[dreg:$0x2] =	wrdreg s5  }
0xaf: {  	[dreg:$0x3] =	wrdreg s7  }
0xb0: {  	[dreg:$0x4] =	wrdreg $0xC0  }
0xb1: {  	_ =	task [dreg:s9], $0x5FFFF  }
0xb2: {  	[dreg:$0x1] =	wrdreg $0xFFFFFFFF  }
0xb3: {  	[dreg:$0x0] =	wrdreg $0x60  }
0xb4: {  	[dreg:$0x2] =	wrdreg s18  }
0xb5: {  	[dreg:$0x3] =	wrdreg s16  }
0xb6: {  	[dreg:$0x4] =	wrdreg s17  }
0xb7: {  	[dreg:$0x5] =	wrdreg s24  }
0xb8: {  	[dreg:$0x6] =	wrdreg $0x68000  }
0xb9: {  	[dreg:$0x7] =	wrdreg $0x9  }
0xba: {  	_ =	task.clear_ibuf [dreg:s9], $0x8FFFF;
	_ =	strace $0x90000046  }
0xbb: {  	s29 =	simm.s32 $0x9;
	_ =	strace $0x80000048  }
0xbc: {  	_ =	swait.ge [sflag:s29], $0x1  }
0xbd: {  	[sflag:s29] =	ssyncadd.s32 $0xFFFFFFFF  }
0xbe: {  	_ =	strace $0x90000048  }
0xbf: {  	_ =	sfence  }
0xc0: {  	s30 =	sld [smem:$0x0];
	_ =	sdelay $0x2  }
0xc1: {  	s31 =	sshll.u32 s1, $0xD;
	s1 =	sshrl.u32 s1, $0x2  }
0xc2: {  	s3 =	sand.u32 $0x4000, s31;
	s1 =	sadd.s32 s1, s30  }
0xc3: {  	s0 =	sor.u32 s3, s0;
	s1 =	sshll.u32 s1, $0x11  }
0xc4: {  	s0 =	sor.u32 s1, s0  }
0xc5: {  	s0 =	sadd.s32 $0x8F2B, s0  }
0xc6: {  	[sflag:s0] =	ssyncadd.remote.s32 $0x1  }
0xc7: {  	_ =	sfence.sel $0xFFFF  }
0xc8: {  	[dreg:$0x0] =	wrdreg $0xFFFFFFFF;
	(pc) =	sbr.abs _section_cstart, $3  }
0xc9: {  	[dreg:$0x1] =	wrdreg $0xFFFFFFFF  }
0xca: {  	_ =	task.clear_ibuf [dreg:s9], $0x2FFFF;
	_ =	strace $0x9FFFFFFF  }
0xcb: {  	(tm) =	ssettm $0x7FFFFFFF  }
tec
execute0_lowered:
.L_overlay_start_1:
0x0: {  	(tag) =	ssettag $0x1  }
0x1: {  	s6 =	rddreg [dreg:$0x0]  }
0x2: {  	s0 =	rddreg [dreg:$0x1]  }
0x3: {  	s2 =	rddreg [dreg:$0x2]  }
0x4: {  	s7 =	rddreg [dreg:$0x3]  }
0x5: {  	s1 =	srdreg.scid;
	s4 =	rddreg [dreg:$0x4]  }
0x6: {  	s3 =	rddreg [dreg:$0x5];
	s5 =	simm.s32 $0x0;
	s8 =	sand.u32 $0x1, s1  }
0x7: {  	s13 =	simm.s32 $0x50;
	s1 =	stileid.u32;
	s9 =	smul.u32 $0x140000, s8  }
0x8: {  	s14 =	simm.s32 $0x0;
	[smem:$0x7FF] =	sst s5;
	s10 =	smul.u32 $0x14000, s1  }
0x9: {  	s28 =	smul.u32 $0x50000, s1;
	_ =	strace $0x80000047;
	s11 =	ssub.s32 $0x2, s8  }
0xa: {  	s30 =	sshll.u32 s8, $0xB;
	s31 =	sshll.u32 s1, $0x6;
	s12 =	sshll.u32 s1, $0xC  }
0xb: {  	s29 =	sshrl.u32 s11, $0x1;
	s9 =	sadd.s32 s10, s9;
	s10 =	sshrl.u32 s28, $0x2  }
0xc: {  	s11 =	ssub.s32 s11, s29;
	s9 =	sshrl.u32 s9, $0x3;
	s10 =	sadd.s32 s10, s4  }
0xd: {  	s9 =	sadd.s32 s9, s7;
	s7 =	sadd.s32 s6, s30;
	s6 =	sor.u32 $0x1C01, s31  }
0xe: {  	s10 =	sshrl.u32 s10, $0x3;
	s7 =	sadd.s32 s12, s7;
	s8 =	sadd.s32 $0x4000, s9  }
0xf: {  	s9 =	smax.u32 s11, $0x1;
	s11 =	simm.s32 $0x1;
	s12 =	simm.s32 $0x4000  }
.LBB2_1:
0x10: {  	[spmem:s10], [sflag:s6] =	dma.local [hbm:s2], $0x2800  }
0x11: {  	_ =	swait.ge [sflag:s11], $0x2800  }
0x12: {  	[sflag:s11] =	ssyncset.done $0x0  }
0x13: {  	[sflag:s11] =	ssyncadd.s32 $0xFFFFD800  }
0x14: {  	[tilespmem:s5], [sflag:$0x1] =	stream.linear.gather [hbm4b:s7+s5], $0x3E80, $0x38;
	[tilespmem:$0x1A800] =	vst v63  }
0x15: {  	_ =	swait.ge [sflag:s11], $0x3E80  }
0x16: {  	[sflag:s11] =	ssyncset.done $0x0  }
0x17: {  	[sflag:s11] =	ssyncadd.s32 $0xFFFFC180  }
0x18: {  	[tilespmem:s12], [sflag:$0x1] =	stream.linear.gather [hbm4b:s0+s5], $0x2800, $0x38;
	[tilespmem:$0x1A800] =	vst v63  }
0x19: {  	_ =	swait.ge [sflag:s11], $0x2800  }
0x1a: {  	[sflag:s11] =	ssyncset.done $0x0  }
0x1b: {  	[sflag:s11] =	ssyncadd.s32 $0xFFFFD800  }
0x1c: {  	s15 =	simm.s32 $0x0;
	[bflag:$0x0] =	sbarrier.arrive $0xFFFF  }
0x1d: {  	[spmem:s4] =	stream.indirect.scatter.add.f32 [tilespmem:s12], [sflag:$0x1], $0x80, s15, s13, $0xb8;
	[tilespmem:$0x1A800] =	vst v63  }
0x1e: {  	_ =	swait.ge [sflag:s11], $0x2800  }
0x1f: {  	s15 =	simm.s32 $0x200;
	[sflag:s11] =	ssyncset.done $0x0  }
.LBB2_2:
0x20: {  	s16 =	sshra.s32 s15, $0x2;
	[sflag:s11] =	ssyncadd.s32 $0xFFFFD800;
	p0 =	sne.s32 s15, $0xF800  }
0x21: {  	[spmem:s4] =	stream.indirect.scatter.add.f32 [tilespmem:s12], [sflag:$0x1], $0x80, s16, s13, $0xb8;
	[tilespmem:$0x1A800] =	vst v63  }
.Ltmp0:
0x22: {  	_ = 	snop;
	(pc) =	sbr.rel @p0 .LBB2_2-.Ltmp0, $4  }
0x23: {  	_ = 	snop  }
0x24: {  	s15 =	sadd.s32 $0x200, s15  }
0x25: {  	_ =	swait.ge [sflag:s11], $0x2800  }
0x26: {  	[sflag:s11] =	ssyncset.done $0x0  }
0x27: {  	s14 =	sadd.s32 $0x1, s14  }
0x28: {  	[sflag:s11] =	ssyncadd.s32 $0xFFFFD800;
	p0 =	sne.s32 s14, s9  }
.Ltmp1:
0x29: {  	[bflag:$0x0] =	sbarrier.arrive $0xFFFF;
	(pc) =	sbr.rel @p0 .LBB2_1-.Ltmp1, $4  }
0x2a: {  	[hbm:s8], [sflag:s6] =	dma.local [spmem:s10], $0x2800  }
0x2b: {  	_ =	swait.ge [sflag:s11], $0x2800  }
0x2c: {  	[sflag:s11] =	ssyncset.done $0x0  }
0x2d: {  	[sflag:s11] =	ssyncadd.s32 $0xFFFFD800  }
0x2e: {  	_ =	sfence.sel $0x180000  }
0x2f: {  	[bflag:$0x0] =	sbarrier.arrive $0xFFFF  }
0x30: {  	p0 =	sne.s32 s1, $0x0;
	_ =	strace $0x90000047  }
0x31: {  	s0 =	sadd.s32 @!p0 $0x100000, s3;
	[bflag:$0x2] =	sbarrier.arrive $0xFFFF  }
0x32: {  	[sflag:s0] =	ssyncadd.tile.s32 @!p0 $0x1;
	_ =	shalt  }
.Lfunc_end2:
_tile_overlayer_lowered:
.L_overlay_start_2:
0x33: {  	(tag) =	ssettag $0x2  }
0x34: {  	s0 =	rddreg [dreg:$0x0];
	s2 =	stileid.u32  }
0x35: {  	s1 =	rddreg [dreg:$0x1];
	p0 =	sne.s32 s2, $0x0  }
0x36: {  	s3 =	rddreg [dreg:$0x2];
	[bflag:$0x3] =	sbarrier.arrive $0xFFFF;
	s2 =	simm.s32 @!p0 $0x1C01  }
0x37: {  	[timem:s3], [sflag:s2] =	dma.local @!p0 [hbm:s0], s1  }
0x38: {  	s0 =	simm.s32 @!p0 $0x1  }
0x39: {  	_ =	swait.ge @!p0 [sflag:s0], s1  }
0x3a: {  	s1 =	ssub.s32 @!p0 $0x0, s1;
	[sflag:s0] =	ssyncset.done @!p0 $0x0  }
0x3b: {  	[sflag:s0] =	ssyncadd.s32 @!p0 s1  }
0x3c: {  	[bflag:$0x3] =	sbarrier.arrive $0xFFFF  }
0x3d: {  	_ =	shalt  }

// kernel: kernel.16.cloned.1.call-start
scs
__scs_entry_jumppad:
0x0: {  	(pc) =	sbr.rel $0x88, $3  }
0x1: {  	(tag) =	ssettag $0x0;
	lr =	simm.s32 $0x1  }
0x2: {  	[smem:$0x3F95] =	sst lr;
	_ =	strace $0xD0000000  }
0x3: {  	_ = 	snop  }
0x4: {  	_ = 	snop  }
0x5: {  	_ = 	snop  }
0x6: {  	_ = 	snop  }
0x7: {  	_ = 	snop  }
__scs_overlays_trampoline_lowered:
0x8: {  	[smem:$0x3FA4] =	sst s0  }
0x9: {  	[smem:$0x3FA5] =	sst s1  }
0xa: {  	[smem:$0x3FA6] =	sst s2  }
0xb: {  	[smem:$0x3FA7] =	sst s3  }
0xc: {  	[smem:$0x3FA8] =	sst s4  }
0xd: {  	[smem:$0x3FA9] =	sst s5  }
0xe: {  	[smem:$0x3FAA] =	sst s6  }
0xf: {  	[smem:$0x3FAB] =	sst s7  }
0x10: {  	[smem:$0x3FAC] =	sst s8  }
0x11: {  	[smem:$0x3FAD] =	sst s9;
	s0 =	simm.s32 @!p0 $0x0  }
0x12: {  	s1 =	sld [smem:$0x3F93];
	s0 =	simm.s32 @p0 $0x1  }
0x13: {  	[smem:$0x3FAE] =	sst s0;
	s0 =	simm.s32 @!p1 $0x0  }
0x14: {  	s2 =	sld [smem:$0x3F92];
	s0 =	simm.s32 @p1 $0x1  }
0x15: {  	[smem:$0x3FAF] =	sst s0;
	s0 =	simm.s32 @!p2 $0x0  }
0x16: {  	s3 =	sld [smem:$0x3FDB];
	s0 =	simm.s32 @p2 $0x1  }
0x17: {  	s4 =	simm.s32 $0x1BF5;
	[smem:$0x3FB1] =	sst s0  }
0x18: {  	s0 =	sld [smem:$0x3F94];
	_ =	swait.ge [sflag:s4], $0x0  }
0x19: {  	s7 =	sld [smem:$0x3F95]  }
0x1a: {  	s8 =	sadd.s32 $0xFFFFE003, lr  }
0x1b: {  	s9 =	sadd.s32 $0xFFFFFEF7, lr;
	s5 =	simm.s32 $0xFFFFFFFF;
	p2 =	slt.u32 s8, $0xFFFFF086  }
0x1c: {  	p1 =	slt.u32 s9, $0xF7A;
	s5 =	simm.s32 @!p2 $0x0  }
0x1d: {  	s5 =	simm.s32 @p1 $0x1;
	p0 =	seq.s32 s7, s2  }
0x1e: {  	s7 =	smul.u32 @!p0 $0xF7A, s2;
	p2 =	seq.s32 @!p0 s5, $0x0  }
0x1f: {  	s9 =	smul.u32 $0xF7A, s1;
	s8 =	simm.s32 @!p0 $0x1BF5;
	p2 =	por !p2, p0  }
0x20: {  	[sflag:s8] =	ssyncset.s32 @!p0 $0xFFFFF086;
	s6 =	sadd.s32 @!p0 s3, s7;
	s7 =	simm.s32 @!p0 $0x108  }
0x21: {  	s3 =	sadd.s32 s3, s9;
	s6 =	sadd.s32 @!p0 $0x88, s6;
	s7 =	simm.s32 @p2 $0x1082  }
0x22: {  	[simem:s7], [sflag:s8] =	dma.local @!p0 [hbm:s6], $0xF7A  }
0x23: {  	s9 =	sor.u32 $0xD0000000, s2;
	s6 =	simm.s32 $0x108;
	_ =	swait.ge @!p0 [sflag:s8], $0x0  }
0x24: {  	s3 =	sadd.s32 $0x88, s3;
	s6 =	simm.s32 @!p1 $0x1082;
	[sflag:s4] =	ssyncset.s32 $0xFFFFF086  }
0x25: {  	[simem:s6], [sflag:s4] =	dma.local [hbm:s3], $0xF7A  }
0x26: {  	[smem:$0x3F95] =	sst s1;
	(tag) =	ssettag s2;
	_ =	strace s9  }
0x27: {  	s1 =	sld [smem:$0x3FA5]  }
0x28: {  	s2 =	sld [smem:$0x3FA6]  }
0x29: {  	s4 =	sld [smem:$0x3FA8]  }
0x2a: {  	p0 =	seq.s32 s5, $0x0;
	s5 =	sld [smem:$0x3FA9]  }
0x2b: {  	s6 =	sld [smem:$0x3FAA]  }
0x2c: {  	s7 =	sld [smem:$0x3FAB]  }
0x2d: {  	s3 =	simm.s32 $0x108;
	s8 =	sld [smem:$0x3FAC]  }
0x2e: {  	s3 =	simm.s32 @!p0 $0x1082;
	s9 =	sld [smem:$0x3FAD]  }
0x2f: {  	lr =	sadd.s32 s0, s3;
	s0 =	sld [smem:$0x3FA4]  }
0x30: {  	s3 =	sld [smem:$0x3FA7]  }
0x31: {  	[smem:$0x3FB0] =	sst s10  }
0x32: {  	s10 =	sld [smem:$0x3FAE];
	_ =	sdelay $0x3  }
0x33: {  	p0 =	seq.s32 s10, $0x1;
	s10 =	sld [smem:$0x3FB0];
	_ =	sdelay $0x3  }
0x34: {  	[smem:$0x3FB0] =	sst s10  }
0x35: {  	s10 =	sld [smem:$0x3FAF];
	_ =	sdelay $0x3  }
0x36: {  	p1 =	seq.s32 s10, $0x1;
	s10 =	sld [smem:$0x3FB0];
	_ =	sdelay $0x3  }
0x37: {  	[smem:$0x3FB0] =	sst s10  }
0x38: {  	s10 =	sld [smem:$0x3FB1]  }
0x39: {  	_ = 	snop;
	(pc) =	sbr.ind lr, $3  }
0x3a: {  	_ = 	snop  }
0x3b: {  	_ = 	snop  }
0x3c: {  	p2 =	seq.s32 s10, $0x1;
	s10 =	sld [smem:$0x3FB0]  }
0x3d: {  	_ =	shalt  }
0x3e: {  	_ =	shalt  }
0x3f: {  	_ =	shalt  }
0x40: {  	_ =	shalt  }
0x41: {  	_ =	shalt  }
0x42: {  	_ =	shalt  }
0x43: {  	_ =	shalt  }
0x44: {  	_ =	shalt  }
0x45: {  	_ =	shalt  }
0x46: {  	_ =	shalt  }
0x47: {  	_ =	shalt  }
0x48: {  	_ =	shalt  }
0x49: {  	_ =	shalt  }
0x4a: {  	_ =	shalt  }
0x4b: {  	_ =	shalt  }
0x4c: {  	_ =	shalt  }
0x4d: {  	_ =	shalt  }
0x4e: {  	_ =	shalt  }
0x4f: {  	_ =	shalt  }
0x50: {  	_ =	shalt  }
0x51: {  	_ =	shalt  }
0x52: {  	_ =	shalt  }
0x53: {  	_ =	shalt  }
0x54: {  	_ =	shalt  }
0x55: {  	_ =	shalt  }
0x56: {  	_ =	shalt  }
0x57: {  	_ =	shalt  }
0x58: {  	_ =	shalt  }
0x59: {  	_ =	shalt  }
0x5a: {  	_ =	shalt  }
0x5b: {  	_ =	shalt  }
0x5c: {  	_ =	shalt  }
0x5d: {  	_ =	shalt  }
0x5e: {  	_ =	shalt  }
0x5f: {  	_ =	shalt  }
0x60: {  	_ =	shalt  }
0x61: {  	_ =	shalt  }
0x62: {  	_ =	shalt  }
0x63: {  	_ =	shalt  }
0x64: {  	_ =	shalt  }
0x65: {  	_ =	shalt  }
0x66: {  	_ =	shalt  }
0x67: {  	_ =	shalt  }
0x68: {  	_ =	shalt  }
0x69: {  	_ =	shalt  }
0x6a: {  	_ =	shalt  }
0x6b: {  	_ =	shalt  }
0x6c: {  	_ =	shalt  }
0x6d: {  	_ =	shalt  }
0x6e: {  	_ =	shalt  }
0x6f: {  	_ =	shalt  }
0x70: {  	_ =	shalt  }
0x71: {  	_ =	shalt  }
0x72: {  	_ =	shalt  }
0x73: {  	_ =	shalt  }
0x74: {  	_ =	shalt  }
0x75: {  	_ =	shalt  }
0x76: {  	_ =	shalt  }
0x77: {  	_ =	shalt  }
0x78: {  	_ =	shalt  }
0x79: {  	_ =	shalt  }
0x7a: {  	_ =	shalt  }
0x7b: {  	_ =	shalt  }
0x7c: {  	_ =	shalt  }
0x7d: {  	_ =	shalt  }
0x7e: {  	_ =	shalt  }
0x7f: {  	_ =	shalt  }
0x80: {  	_ =	shalt  }
0x81: {  	_ =	shalt  }
0x82: {  	_ =	shalt  }
0x83: {  	_ =	shalt  }
0x84: {  	_ =	shalt  }
0x85: {  	_ =	shalt  }
0x86: {  	_ =	shalt  }
0x87: {  	_ =	shalt  }
.Lfunc_end0:
.L_simem_size_0:
called_computation.1_lowered:
.L_overlay_start_0:
0x88: {  	s2 =	sld [smem:$0x3FD9]  }
0x89: {  	s3 =	sld [smem:$0x3FFE];
	_ =	sdelay $0x1  }
0x8a: {  	s1 =	srdreg.scid  }
0x8b: {  	s0 =	sand.u32 $0x1, s1  }
0x8c: {  	s14 =	sshll.u32 s0, $0xA;
	s2 =	sadd.s32 s3, s2  }
0x8d: {  	s2 =	sadd.s32 s2, s14  }
0x8e: {  	[smem:$0x3FBC] =	sst s2  }
0x8f: {  	_ = 	snop  }
0x90: {  	s2 =	sld [smem:$0x3FD0];
	_ =	sdelay $0x2  }
0x91: {  	s15 =	simm.s32 $0xB;
	s4 =	simm.s32 $0x10  }
0x92: {  	[smem:s4], [sflag:s15] =	dma.local [hbm:s2], $0x1  }
0x93: {  	_ =	swait.eq [sflag:s15], $0x1  }
0x94: {  	s16 =	sld [smem:$0x10]  }
0x95: {  	s17 =	sld [smem:$0x11];
	[sflag:s15] =	ssyncset.done $0x0  }
0x96: {  	s5 =	sld [smem:$0x12];
	[sflag:s15] =	ssyncadd.s32 $0xFFFFFFFF  }
0x97: {  	s18 =	sld [smem:$0x13];
	(tm) =	ssettm $0x1  }
0x98: {  	s6 =	sld [smem:$0x3FFB];
	_ =	sdelay $0x3  }
0x99: {  	_ =	strace s6  }
0x9a: {  	s6 =	sld [smem:$0x3FFC];
	_ =	sdelay $0x3  }
0x9b: {  	_ =	strace s6  }
0x9c: {  	s6 =	sld [smem:$0x3FFD];
	_ =	sdelay $0x3  }
0x9d: {  	_ =	strace s6  }
0x9e: {  	_ =	strace $0x8FFFFFFF  }
0x9f: {  	s19 =	sld [smem:$0x3FDB];
	_ =	sdelay $0x1  }
0xa0: {  	s7 =	simm.s32 $_scs_section_size  }
0xa1: {  	s8 =	simm.s32 $_size__tile_overlayer_lowered;
	s9 =	simm.s32 $_tile_overlayer_lowered  }
0xa2: {  	s22 =	simm.s32 $0x1BFF;
	s21 =	sshll.u32 s9, $0x1;
	s6 =	sadd.s32 s7, s19  }
0xa3: {  	s10 =	simm.s32 $0x0;
	s20 =	sshll.u32 s8, $0x1;
	s8 =	sadd.s32 s21, s6  }
0xa4: {  	[timem:s10], [sflag:s22] =	dma.local [hbm:s8], s20  }
0xa5: {  	_ =	swait.ge [sflag:s22], s20  }
0xa6: {  	s7 =	ssub.s32 $0x0, s20;
	[sflag:s22] =	ssyncset.done $0x0  }
0xa7: {  	[sflag:s22] =	ssyncadd.s32 s7;
	_ =	sdelay $0x1  }
0xa8: {  	s23 =	simm.s32 $0x1B8B  }
0xa9: {  	_ =	swait.ge [sflag:s23], $0x1  }
0xaa: {  	[sflag:s23] =	ssyncset.done $0x0  }
0xab: {  	s25 =	simm.s32 $0x1B8E;
	s24 =	sld [smem:$0x3FFE];
	[sflag:s23] =	ssyncadd.s32 $0xFFFFFFFF  }
0xac: {  	s26 =	simm.s32 $execute0_lowered;
	[smem:$0x3FD2] =	sst s25  }
0xad: {  	s8 =	sshll.u32 s26, $0x1;
	_ =	strace $0x80000049;
	[dreg:$0x1] =	wrdreg $0xFFFFFFFF  }
0xae: {  	s28 =	simm.s32 $_size_execute0_lowered;
	s6 =	sadd.s32 s6, s8;
	[dreg:$0x0] =	wrdreg $0x0  }
0xaf: {  	s8 =	sshll.u32 s28, $0x1;
	[dreg:$0x2] =	wrdreg s6  }
0xb0: {  	[dreg:$0x3] =	wrdreg s8  }
0xb1: {  	[dreg:$0x4] =	wrdreg $0xC0  }
0xb2: {  	_ =	task [dreg:s10], $0x5FFFF  }
0xb3: {  	[dreg:$0x1] =	wrdreg $0xFFFFFFFF  }
0xb4: {  	[dreg:$0x0] =	wrdreg $0x60  }
0xb5: {  	[dreg:$0x2] =	wrdreg s16  }
0xb6: {  	[dreg:$0x3] =	wrdreg s24  }
0xb7: {  	[dreg:$0x4] =	wrdreg s18  }
0xb8: {  	[dreg:$0x5] =	wrdreg s5  }
0xb9: {  	[dreg:$0x6] =	wrdreg s17  }
0xba: {  	[dreg:$0x7] =	wrdreg $0xA8000  }
0xbb: {  	[dreg:$0x8] =	wrdreg $0x9  }
0xbc: {  	_ =	task.clear_ibuf [dreg:s10], $0x9FFFF;
	_ =	strace $0x90000049  }
0xbd: {  	s29 =	simm.s32 $0x9;
	_ =	strace $0x8000004B  }
0xbe: {  	_ =	swait.ge [sflag:s29], $0x1  }
0xbf: {  	[sflag:s29] =	ssyncadd.s32 $0xFFFFFFFF  }
0xc0: {  	_ =	strace $0x9000004B  }
0xc1: {  	_ =	sfence  }
0xc2: {  	s30 =	sld [smem:$0x0];
	_ =	sdelay $0x2  }
0xc3: {  	s31 =	sshll.u32 s1, $0xD;
	s1 =	sshrl.u32 s1, $0x2  }
0xc4: {  	s3 =	sand.u32 $0x4000, s31;
	s1 =	sadd.s32 s1, s30  }
0xc5: {  	s0 =	sor.u32 s3, s0;
	s1 =	sshll.u32 s1, $0x11  }
0xc6: {  	s0 =	sor.u32 s1, s0  }
0xc7: {  	s0 =	sadd.s32 $0x8F2B, s0  }
0xc8: {  	[sflag:s0] =	ssyncadd.remote.s32 $0x1  }
0xc9: {  	_ =	sfence.sel $0xFFFF  }
0xca: {  	[dreg:$0x0] =	wrdreg $0xFFFFFFFF;
	(pc) =	sbr.abs _section_cstart, $3  }
0xcb: {  	[dreg:$0x1] =	wrdreg $0xFFFFFFFF  }
0xcc: {  	_ =	task.clear_ibuf [dreg:s10], $0x2FFFF;
	_ =	strace $0x9FFFFFFF  }
0xcd: {  	(tm) =	ssettm $0x7FFFFFFF  }
tec
execute0_lowered:
.L_overlay_start_1:
0x0: {  	(tag) =	ssettag $0x1  }
0x1: {  	s1 =	rddreg [dreg:$0x0]  }
0x2: {  	s6 =	rddreg [dreg:$0x1]  }
0x3: {  	s8 =	rddreg [dreg:$0x2]  }
0x4: {  	s2 =	rddreg [dreg:$0x3]  }
0x5: {  	s9 =	rddreg [dreg:$0x4]  }
0x6: {  	s3 =	rddreg [dreg:$0x5]  }
0x7: {  	s0 =	rddreg [dreg:$0x6];
	s5 =	simm.s32 $0x0;
	s7 =	srdreg.scid  }
0x8: {  	s4 =	stileid.u32;
	s16 =	simm.s32 $0x0;
	[smem:$0x7FF] =	sst s5  }
0x9: {  	s7 =	sand.u32 $0x1, s7;
	s10 =	sshll.u32 s4, $0xC;
	s11 =	smul.u32 $0x50000, s4  }
0xa: {  	s14 =	smul.u32 $0x14000, s4;
	s30 =	sshll.u32 s4, $0x6;
	_ =	strace $0x8000004A  }
0xb: {  	s12 =	sshll.u32 s7, $0xB;
	s13 =	ssub.s32 $0x2, s7;
	s7 =	smul.u32 $0x140000, s7  }
0xc: {  	s10 =	sor.u32 s12, s10;
	s28 =	sshrl.u32 s13, $0x1;
	s29 =	sshrl.u32 s11, $0x2  }
0xd: {  	s15 =	sadd.s32 s10, s6;
	s12 =	ssub.s32 s13, s28;
	s11 =	sadd.s32 s29, s3  }
0xe: {  	s31 =	sadd.s32 s14, s7;
	s6 =	sor.u32 $0x1C01, s30;
	s8 =	sadd.s32 s8, s10  }
0xf: {  	s14 =	simm.s32 $0x50;
	s7 =	sadd.s32 $0x54000, s15;
	s13 =	sshrl.u32 s31, $0x3  }
0x10: {  	s10 =	smax.u32 s12, $0x1;
	s11 =	sshrl.u32 s11, $0x3;
	s12 =	simm.s32 $0x1  }
0x11: {  	s15 =	simm.s32 $0x8000;
	s9 =	sadd.s32 s9, s13;
	s13 =	simm.s32 $0x4000  }
.LBB2_1:
0x12: {  	[spmem:s11], [sflag:s6] =	dma.local [hbm:s2], $0x2800  }
0x13: {  	_ =	swait.ge [sflag:s12], $0x2800  }
0x14: {  	[sflag:s12] =	ssyncset.done $0x0  }
0x15: {  	[sflag:s12] =	ssyncadd.s32 $0xFFFFD800  }
0x16: {  	[tilespmem:s5], [sflag:$0x1] =	stream.linear.gather [hbm4b:s7+s5], $0x3E80, $0x38;
	[tilespmem:$0x1E800] =	vst v63  }
0x17: {  	_ =	swait.ge [sflag:s12], $0x3E80  }
0x18: {  	[sflag:s12] =	ssyncset.done $0x0  }
0x19: {  	[sflag:s12] =	ssyncadd.s32 $0xFFFFC180  }
0x1a: {  	[tilespmem:s13], [sflag:$0x1] =	stream.linear.gather [hbm4b:s8+s5], $0x3E80, $0x38;
	[tilespmem:$0x1E800] =	vst v63  }
0x1b: {  	_ =	swait.ge [sflag:s12], $0x3E80  }
0x1c: {  	[sflag:s12] =	ssyncset.done $0x0  }
0x1d: {  	[sflag:s12] =	ssyncadd.s32 $0xFFFFC180  }
0x1e: {  	s17 =	simm.s32 $0x0;
	[bflag:$0x0] =	sbarrier.arrive $0xFFFF  }
0x1f: {  	[tilespmem:s15], [sflag:$0x1] =	stream.indirect.gather [hbm4b:s1+s14], $0x80, s17, s14, $0xb8;
	[tilespmem:$0x1E800] =	vst v63  }
0x20: {  	_ =	swait.ge [sflag:s12], $0x2800  }
0x21: {  	[sflag:s12] =	ssyncset.done $0x0  }
0x22: {  	s31 =	simm.s32 $0x4000;
	[sflag:s12] =	ssyncadd.s32 $0xFFFFD800  }
0x23: {  	[spmem:s3] =	stream.indirect.scatter.add.f32 [tilespmem:s15], [sflag:$0x1], $0x80, s31, s14, $0xb8;
	[tilespmem:$0x1E800] =	vst v63  }
0x24: {  	_ =	swait.ge [sflag:s12], $0x2800  }
0x25: {  	s18 =	simm.s32 $0x400;
	s17 =	simm.s32 $0x200;
	[sflag:s12] =	ssyncset.done $0x0  }
.LBB2_2:
0x26: {  	s19 =	sshra.s32 s17, $0x2  }
0x27: {  	[sflag:s12] =	ssyncadd.s32 $0xFFFFD800;
	s17 =	smov.u32 s18;
	s20 =	sadd.s32 $0x200, s18  }
0x28: {  	[tilespmem:s15], [sflag:$0x1] =	stream.indirect.gather [hbm4b:s1+s14], $0x80, s19, s14, $0xb8;
	[tilespmem:$0x1E800] =	vst v63  }
0x29: {  	p0 =	sne.s32 s18, $0xF800;
	_ =	swait.ge [sflag:s12], $0x2800  }
.Ltmp0:
0x2a: {  	[sflag:s12] =	ssyncset.done $0x0;
	(pc) =	sbr.rel @p0 .LBB2_2-.Ltmp0, $4  }
0x2b: {  	s18 =	sadd.s32 $0x4000, s19;
	[sflag:s12] =	ssyncadd.s32 $0xFFFFD800  }
0x2c: {  	[spmem:s3] =	stream.indirect.scatter.add.f32 [tilespmem:s15], [sflag:$0x1], $0x80, s18, s14, $0xb8;
	[tilespmem:$0x1E800] =	vst v63  }
0x2d: {  	_ =	swait.ge [sflag:s12], $0x2800  }
0x2e: {  	s18 =	smov.u32 s20;
	[sflag:s12] =	ssyncset.done $0x0  }
0x2f: {  	s17 =	sshra.s32 s17, $0x2;
	[sflag:s12] =	ssyncadd.s32 $0xFFFFD800  }
0x30: {  	[tilespmem:s15], [sflag:$0x1] =	stream.indirect.gather [hbm4b:s1+s14], $0x80, s17, s14, $0xb8;
	[tilespmem:$0x1E800] =	vst v63  }
0x31: {  	_ =	swait.ge [sflag:s12], $0x2800  }
0x32: {  	[sflag:s12] =	ssyncset.done $0x0  }
0x33: {  	s17 =	sadd.s32 $0x4000, s17;
	[sflag:s12] =	ssyncadd.s32 $0xFFFFD800  }
0x34: {  	[spmem:s3] =	stream.indirect.scatter.add.f32 [tilespmem:s15], [sflag:$0x1], $0x80, s17, s14, $0xb8;
	[tilespmem:$0x1E800] =	vst v63  }
0x35: {  	_ =	swait.ge [sflag:s12], $0x2800  }
0x36: {  	s16 =	sadd.s32 $0x1, s16;
	[sflag:s12] =	ssyncset.done $0x0  }
0x37: {  	p0 =	sne.s32 s16, s10;
	[sflag:s12] =	ssyncadd.s32 $0xFFFFD800  }
.Ltmp1:
0x38: {  	[bflag:$0x0] =	sbarrier.arrive $0xFFFF;
	(pc) =	sbr.rel @p0 .LBB2_1-.Ltmp1, $4  }
0x39: {  	[hbm:s9], [sflag:s6] =	dma.local [spmem:s11], $0x2800  }
0x3a: {  	_ =	swait.ge [sflag:s12], $0x2800  }
0x3b: {  	[sflag:s12] =	ssyncset.done $0x0  }
0x3c: {  	[sflag:s12] =	ssyncadd.s32 $0xFFFFD800  }
0x3d: {  	_ =	sfence.sel $0x180000  }
0x3e: {  	[bflag:$0x0] =	sbarrier.arrive $0xFFFF  }
0x3f: {  	p0 =	sne.s32 s4, $0x0;
	_ =	strace $0x9000004A  }
0x40: {  	s0 =	sadd.s32 @!p0 $0x100000, s0;
	[bflag:$0x2] =	sbarrier.arrive $0xFFFF  }
0x41: {  	[sflag:s0] =	ssyncadd.tile.s32 @!p0 $0x1;
	_ =	shalt  }
.Lfunc_end2:
_tile_overlayer_lowered:
.L_overlay_start_2:
0x42: {  	(tag) =	ssettag $0x2  }
0x43: {  	s0 =	rddreg [dreg:$0x0];
	s2 =	stileid.u32  }
0x44: {  	s1 =	rddreg [dreg:$0x1];
	p0 =	sne.s32 s2, $0x0  }
0x45: {  	s3 =	rddreg [dreg:$0x2];
	[bflag:$0x3] =	sbarrier.arrive $0xFFFF;
	s2 =	simm.s32 @!p0 $0x1C01  }
0x46: {  	[timem:s3], [sflag:s2] =	dma.local @!p0 [hbm:s0], s1  }
0x47: {  	s0 =	simm.s32 @!p0 $0x1  }
0x48: {  	_ =	swait.ge @!p0 [sflag:s0], s1  }
0x49: {  	s1 =	ssub.s32 @!p0 $0x0, s1;
	[sflag:s0] =	ssyncset.done @!p0 $0x0  }
0x4a: {  	[sflag:s0] =	ssyncadd.s32 @!p0 s1  }
0x4b: {  	[bflag:$0x3] =	sbarrier.arrive $0xFFFF  }
0x4c: {  	_ =	shalt  }

// kernel: kernel.19.cloned.1.call-start
scs
__scs_entry_jumppad:
0x0: {  	(pc) =	sbr.rel $0x88, $3  }
0x1: {  	(tag) =	ssettag $0x0;
	lr =	simm.s32 $0x1  }
0x2: {  	[smem:$0x3F95] =	sst lr;
	_ =	strace $0xD0000000  }
0x3: {  	_ = 	snop  }
0x4: {  	_ = 	snop  }
0x5: {  	_ = 	snop  }
0x6: {  	_ = 	snop  }
0x7: {  	_ = 	snop  }
__scs_overlays_trampoline_lowered:
0x8: {  	[smem:$0x3FA4] =	sst s0  }
0x9: {  	[smem:$0x3FA5] =	sst s1  }
0xa: {  	[smem:$0x3FA6] =	sst s2  }
0xb: {  	[smem:$0x3FA7] =	sst s3  }
0xc: {  	[smem:$0x3FA8] =	sst s4  }
0xd: {  	[smem:$0x3FA9] =	sst s5  }
0xe: {  	[smem:$0x3FAA] =	sst s6  }
0xf: {  	[smem:$0x3FAB] =	sst s7  }
0x10: {  	[smem:$0x3FAC] =	sst s8  }
0x11: {  	[smem:$0x3FAD] =	sst s9;
	s0 =	simm.s32 @!p0 $0x0  }
0x12: {  	s1 =	sld [smem:$0x3F93];
	s0 =	simm.s32 @p0 $0x1  }
0x13: {  	[smem:$0x3FAE] =	sst s0;
	s0 =	simm.s32 @!p1 $0x0  }
0x14: {  	s2 =	sld [smem:$0x3F92];
	s0 =	simm.s32 @p1 $0x1  }
0x15: {  	[smem:$0x3FAF] =	sst s0;
	s0 =	simm.s32 @!p2 $0x0  }
0x16: {  	s3 =	sld [smem:$0x3FDB];
	s0 =	simm.s32 @p2 $0x1  }
0x17: {  	s4 =	simm.s32 $0x1BF5;
	[smem:$0x3FB1] =	sst s0  }
0x18: {  	s0 =	sld [smem:$0x3F94];
	_ =	swait.ge [sflag:s4], $0x0  }
0x19: {  	s7 =	sld [smem:$0x3F95]  }
0x1a: {  	s8 =	sadd.s32 $0xFFFFE003, lr  }
0x1b: {  	s9 =	sadd.s32 $0xFFFFFEF7, lr;
	s5 =	simm.s32 $0xFFFFFFFF;
	p2 =	slt.u32 s8, $0xFFFFF086  }
0x1c: {  	p1 =	slt.u32 s9, $0xF7A;
	s5 =	simm.s32 @!p2 $0x0  }
0x1d: {  	s5 =	simm.s32 @p1 $0x1;
	p0 =	seq.s32 s7, s2  }
0x1e: {  	s7 =	smul.u32 @!p0 $0xF7A, s2;
	p2 =	seq.s32 @!p0 s5, $0x0  }
0x1f: {  	s9 =	smul.u32 $0xF7A, s1;
	s8 =	simm.s32 @!p0 $0x1BF5;
	p2 =	por !p2, p0  }
0x20: {  	[sflag:s8] =	ssyncset.s32 @!p0 $0xFFFFF086;
	s6 =	sadd.s32 @!p0 s3, s7;
	s7 =	simm.s32 @!p0 $0x108  }
0x21: {  	s3 =	sadd.s32 s3, s9;
	s6 =	sadd.s32 @!p0 $0x88, s6;
	s7 =	simm.s32 @p2 $0x1082  }
0x22: {  	[simem:s7], [sflag:s8] =	dma.local @!p0 [hbm:s6], $0xF7A  }
0x23: {  	s9 =	sor.u32 $0xD0000000, s2;
	s6 =	simm.s32 $0x108;
	_ =	swait.ge @!p0 [sflag:s8], $0x0  }
0x24: {  	s3 =	sadd.s32 $0x88, s3;
	s6 =	simm.s32 @!p1 $0x1082;
	[sflag:s4] =	ssyncset.s32 $0xFFFFF086  }
0x25: {  	[simem:s6], [sflag:s4] =	dma.local [hbm:s3], $0xF7A  }
0x26: {  	[smem:$0x3F95] =	sst s1;
	(tag) =	ssettag s2;
	_ =	strace s9  }
0x27: {  	s1 =	sld [smem:$0x3FA5]  }
0x28: {  	s2 =	sld [smem:$0x3FA6]  }
0x29: {  	s4 =	sld [smem:$0x3FA8]  }
0x2a: {  	p0 =	seq.s32 s5, $0x0;
	s5 =	sld [smem:$0x3FA9]  }
0x2b: {  	s6 =	sld [smem:$0x3FAA]  }
0x2c: {  	s7 =	sld [smem:$0x3FAB]  }
0x2d: {  	s3 =	simm.s32 $0x108;
	s8 =	sld [smem:$0x3FAC]  }
0x2e: {  	s3 =	simm.s32 @!p0 $0x1082;
	s9 =	sld [smem:$0x3FAD]  }
0x2f: {  	lr =	sadd.s32 s0, s3;
	s0 =	sld [smem:$0x3FA4]  }
0x30: {  	s3 =	sld [smem:$0x3FA7]  }
0x31: {  	[smem:$0x3FB0] =	sst s10  }
0x32: {  	s10 =	sld [smem:$0x3FAE];
	_ =	sdelay $0x3  }
0x33: {  	p0 =	seq.s32 s10, $0x1;
	s10 =	sld [smem:$0x3FB0];
	_ =	sdelay $0x3  }
0x34: {  	[smem:$0x3FB0] =	sst s10  }
0x35: {  	s10 =	sld [smem:$0x3FAF];
	_ =	sdelay $0x3  }
0x36: {  	p1 =	seq.s32 s10, $0x1;
	s10 =	sld [smem:$0x3FB0];
	_ =	sdelay $0x3  }
0x37: {  	[smem:$0x3FB0] =	sst s10  }
0x38: {  	s10 =	sld [smem:$0x3FB1]  }
0x39: {  	_ = 	snop;
	(pc) =	sbr.ind lr, $3  }
0x3a: {  	_ = 	snop  }
0x3b: {  	_ = 	snop  }
0x3c: {  	p2 =	seq.s32 s10, $0x1;
	s10 =	sld [smem:$0x3FB0]  }
0x3d: {  	_ =	shalt  }
0x3e: {  	_ =	shalt  }
0x3f: {  	_ =	shalt  }
0x40: {  	_ =	shalt  }
0x41: {  	_ =	shalt  }
0x42: {  	_ =	shalt  }
0x43: {  	_ =	shalt  }
0x44: {  	_ =	shalt  }
0x45: {  	_ =	shalt  }
0x46: {  	_ =	shalt  }
0x47: {  	_ =	shalt  }
0x48: {  	_ =	shalt  }
0x49: {  	_ =	shalt  }
0x4a: {  	_ =	shalt  }
0x4b: {  	_ =	shalt  }
0x4c: {  	_ =	shalt  }
0x4d: {  	_ =	shalt  }
0x4e: {  	_ =	shalt  }
0x4f: {  	_ =	shalt  }
0x50: {  	_ =	shalt  }
0x51: {  	_ =	shalt  }
0x52: {  	_ =	shalt  }
0x53: {  	_ =	shalt  }
0x54: {  	_ =	shalt  }
0x55: {  	_ =	shalt  }
0x56: {  	_ =	shalt  }
0x57: {  	_ =	shalt  }
0x58: {  	_ =	shalt  }
0x59: {  	_ =	shalt  }
0x5a: {  	_ =	shalt  }
0x5b: {  	_ =	shalt  }
0x5c: {  	_ =	shalt  }
0x5d: {  	_ =	shalt  }
0x5e: {  	_ =	shalt  }
0x5f: {  	_ =	shalt  }
0x60: {  	_ =	shalt  }
0x61: {  	_ =	shalt  }
0x62: {  	_ =	shalt  }
0x63: {  	_ =	shalt  }
0x64: {  	_ =	shalt  }
0x65: {  	_ =	shalt  }
0x66: {  	_ =	shalt  }
0x67: {  	_ =	shalt  }
0x68: {  	_ =	shalt  }
0x69: {  	_ =	shalt  }
0x6a: {  	_ =	shalt  }
0x6b: {  	_ =	shalt  }
0x6c: {  	_ =	shalt  }
0x6d: {  	_ =	shalt  }
0x6e: {  	_ =	shalt  }
0x6f: {  	_ =	shalt  }
0x70: {  	_ =	shalt  }
0x71: {  	_ =	shalt  }
0x72: {  	_ =	shalt  }
0x73: {  	_ =	shalt  }
0x74: {  	_ =	shalt  }
0x75: {  	_ =	shalt  }
0x76: {  	_ =	shalt  }
0x77: {  	_ =	shalt  }
0x78: {  	_ =	shalt  }
0x79: {  	_ =	shalt  }
0x7a: {  	_ =	shalt  }
0x7b: {  	_ =	shalt  }
0x7c: {  	_ =	shalt  }
0x7d: {  	_ =	shalt  }
0x7e: {  	_ =	shalt  }
0x7f: {  	_ =	shalt  }
0x80: {  	_ =	shalt  }
0x81: {  	_ =	shalt  }
0x82: {  	_ =	shalt  }
0x83: {  	_ =	shalt  }
0x84: {  	_ =	shalt  }
0x85: {  	_ =	shalt  }
0x86: {  	_ =	shalt  }
0x87: {  	_ =	shalt  }
.Lfunc_end0:
.L_simem_size_0:
called_computation.2_lowered:
.L_overlay_start_0:
0x88: {  	s2 =	sld [smem:$0x3FD9]  }
0x89: {  	s3 =	sld [smem:$0x3FFE];
	_ =	sdelay $0x1  }
0x8a: {  	s1 =	srdreg.scid  }
0x8b: {  	s0 =	sand.u32 $0x1, s1  }
0x8c: {  	s14 =	sshll.u32 s0, $0xA;
	s2 =	sadd.s32 s3, s2  }
0x8d: {  	s2 =	sadd.s32 s2, s14  }
0x8e: {  	[smem:$0x3FBC] =	sst s2  }
0x8f: {  	_ = 	snop  }
0x90: {  	s2 =	sld [smem:$0x3FD0];
	_ =	sdelay $0x2  }
0x91: {  	s15 =	simm.s32 $0xB;
	s4 =	simm.s32 $0x10  }
0x92: {  	[smem:s4], [sflag:s15] =	dma.local [hbm:s2], $0x1  }
0x93: {  	_ =	swait.eq [sflag:s15], $0x1  }
0x94: {  	s16 =	sld [smem:$0x10]  }
0x95: {  	s17 =	sld [smem:$0x11];
	[sflag:s15] =	ssyncset.done $0x0  }
0x96: {  	s5 =	sld [smem:$0x12];
	[sflag:s15] =	ssyncadd.s32 $0xFFFFFFFF  }
0x97: {  	s18 =	sld [smem:$0x13];
	(tm) =	ssettm $0x1  }
0x98: {  	s6 =	sld [smem:$0x3FFB];
	_ =	sdelay $0x3  }
0x99: {  	_ =	strace s6  }
0x9a: {  	s6 =	sld [smem:$0x3FFC];
	_ =	sdelay $0x3  }
0x9b: {  	_ =	strace s6  }
0x9c: {  	s6 =	sld [smem:$0x3FFD];
	_ =	sdelay $0x3  }
0x9d: {  	_ =	strace s6  }
0x9e: {  	_ =	strace $0x8FFFFFFF  }
0x9f: {  	s19 =	sld [smem:$0x3FDB];
	_ =	sdelay $0x1  }
0xa0: {  	s7 =	simm.s32 $_scs_section_size  }
0xa1: {  	s8 =	simm.s32 $_size__tile_overlayer_lowered;
	s9 =	simm.s32 $_tile_overlayer_lowered  }
0xa2: {  	s22 =	simm.s32 $0x1BFF;
	s21 =	sshll.u32 s9, $0x1;
	s6 =	sadd.s32 s7, s19  }
0xa3: {  	s10 =	simm.s32 $0x0;
	s20 =	sshll.u32 s8, $0x1;
	s8 =	sadd.s32 s21, s6  }
0xa4: {  	[timem:s10], [sflag:s22] =	dma.local [hbm:s8], s20  }
0xa5: {  	_ =	swait.ge [sflag:s22], s20  }
0xa6: {  	s7 =	ssub.s32 $0x0, s20;
	[sflag:s22] =	ssyncset.done $0x0  }
0xa7: {  	[sflag:s22] =	ssyncadd.s32 s7;
	_ =	sdelay $0x1  }
0xa8: {  	s23 =	simm.s32 $0x1B8B  }
0xa9: {  	_ =	swait.ge [sflag:s23], $0x1  }
0xaa: {  	[sflag:s23] =	ssyncset.done $0x0  }
0xab: {  	s25 =	simm.s32 $0x1B8E;
	s24 =	sld [smem:$0x3FFE];
	[sflag:s23] =	ssyncadd.s32 $0xFFFFFFFF  }
0xac: {  	s26 =	simm.s32 $execute0_lowered;
	[smem:$0x3FD2] =	sst s25  }
0xad: {  	s8 =	sshll.u32 s26, $0x1;
	_ =	strace $0x8000004C;
	[dreg:$0x1] =	wrdreg $0xFFFFFFFF  }
0xae: {  	s28 =	simm.s32 $_size_execute0_lowered;
	s6 =	sadd.s32 s6, s8;
	[dreg:$0x0] =	wrdreg $0x0  }
0xaf: {  	s8 =	sshll.u32 s28, $0x1;
	[dreg:$0x2] =	wrdreg s6  }
0xb0: {  	[dreg:$0x3] =	wrdreg s8  }
0xb1: {  	[dreg:$0x4] =	wrdreg $0xC0  }
0xb2: {  	_ =	task [dreg:s10], $0x5FFFF  }
0xb3: {  	[dreg:$0x1] =	wrdreg $0xFFFFFFFF  }
0xb4: {  	[dreg:$0x0] =	wrdreg $0x60  }
0xb5: {  	[dreg:$0x2] =	wrdreg s16  }
0xb6: {  	[dreg:$0x3] =	wrdreg s24  }
0xb7: {  	[dreg:$0x4] =	wrdreg s18  }
0xb8: {  	[dreg:$0x5] =	wrdreg s5  }
0xb9: {  	[dreg:$0x6] =	wrdreg s17  }
0xba: {  	[dreg:$0x7] =	wrdreg $0xA8000  }
0xbb: {  	[dreg:$0x8] =	wrdreg $0x9  }
0xbc: {  	_ =	task.clear_ibuf [dreg:s10], $0x9FFFF;
	_ =	strace $0x9000004C  }
0xbd: {  	s29 =	simm.s32 $0x9;
	_ =	strace $0x8000004E  }
0xbe: {  	_ =	swait.ge [sflag:s29], $0x1  }
0xbf: {  	[sflag:s29] =	ssyncadd.s32 $0xFFFFFFFF  }
0xc0: {  	_ =	strace $0x9000004E  }
0xc1: {  	_ =	sfence  }
0xc2: {  	s30 =	sld [smem:$0x0];
	_ =	sdelay $0x2  }
0xc3: {  	s31 =	sshll.u32 s1, $0xD;
	s1 =	sshrl.u32 s1, $0x2  }
0xc4: {  	s3 =	sand.u32 $0x4000, s31;
	s1 =	sadd.s32 s1, s30  }
0xc5: {  	s0 =	sor.u32 s3, s0;
	s1 =	sshll.u32 s1, $0x11  }
0xc6: {  	s0 =	sor.u32 s1, s0  }
0xc7: {  	s0 =	sadd.s32 $0x8F2B, s0  }
0xc8: {  	[sflag:s0] =	ssyncadd.remote.s32 $0x1  }
0xc9: {  	_ =	sfence.sel $0xFFFF  }
0xca: {  	[dreg:$0x0] =	wrdreg $0xFFFFFFFF;
	(pc) =	sbr.abs _section_cstart, $3  }
0xcb: {  	[dreg:$0x1] =	wrdreg $0xFFFFFFFF  }
0xcc: {  	_ =	task.clear_ibuf [dreg:s10], $0x2FFFF;
	_ =	strace $0x9FFFFFFF  }
0xcd: {  	(tm) =	ssettm $0x7FFFFFFF  }
tec
execute0_lowered:
.L_overlay_start_1:
0x0: {  	(tag) =	ssettag $0x1  }
0x1: {  	s1 =	rddreg [dreg:$0x0]  }
0x2: {  	s6 =	rddreg [dreg:$0x1]  }
0x3: {  	s8 =	rddreg [dreg:$0x2]  }
0x4: {  	s2 =	rddreg [dreg:$0x3]  }
0x5: {  	s9 =	rddreg [dreg:$0x4]  }
0x6: {  	s3 =	rddreg [dreg:$0x5]  }
0x7: {  	s0 =	rddreg [dreg:$0x6];
	s5 =	simm.s32 $0x0;
	s7 =	srdreg.scid  }
0x8: {  	s4 =	stileid.u32;
	s16 =	simm.s32 $0x0;
	[smem:$0x7FF] =	sst s5  }
0x9: {  	s7 =	sand.u32 $0x1, s7;
	s10 =	sshll.u32 s4, $0xC;
	s11 =	smul.u32 $0x50000, s4  }
0xa: {  	s14 =	smul.u32 $0x14000, s4;
	s30 =	sshll.u32 s4, $0x6;
	_ =	strace $0x8000004D  }
0xb: {  	s12 =	sshll.u32 s7, $0xB;
	s13 =	ssub.s32 $0x2, s7;
	s7 =	smul.u32 $0x140000, s7  }
0xc: {  	s10 =	sor.u32 s12, s10;
	s28 =	sshrl.u32 s13, $0x1;
	s29 =	sshrl.u32 s11, $0x2  }
0xd: {  	s15 =	sadd.s32 s10, s6;
	s12 =	ssub.s32 s13, s28;
	s11 =	sadd.s32 s29, s3  }
0xe: {  	s31 =	sadd.s32 s14, s7;
	s6 =	sor.u32 $0x1C01, s30;
	s8 =	sadd.s32 s8, s10  }
0xf: {  	s14 =	simm.s32 $0x50;
	s7 =	sadd.s32 $0x54000, s15;
	s13 =	sshrl.u32 s31, $0x3  }
0x10: {  	s10 =	smax.u32 s12, $0x1;
	s11 =	sshrl.u32 s11, $0x3;
	s12 =	simm.s32 $0x1  }
0x11: {  	s15 =	simm.s32 $0x8000;
	s9 =	sadd.s32 s9, s13;
	s13 =	simm.s32 $0x4000  }
.LBB2_1:
0x12: {  	[spmem:s11], [sflag:s6] =	dma.local [hbm:s2], $0x2800  }
0x13: {  	_ =	swait.ge [sflag:s12], $0x2800  }
0x14: {  	[sflag:s12] =	ssyncset.done $0x0  }
0x15: {  	[sflag:s12] =	ssyncadd.s32 $0xFFFFD800  }
0x16: {  	[tilespmem:s5], [sflag:$0x1] =	stream.linear.gather [hbm4b:s7+s5], $0x3E80, $0x38;
	[tilespmem:$0x1E800] =	vst v63  }
0x17: {  	_ =	swait.ge [sflag:s12], $0x3E80  }
0x18: {  	[sflag:s12] =	ssyncset.done $0x0  }
0x19: {  	[sflag:s12] =	ssyncadd.s32 $0xFFFFC180  }
0x1a: {  	[tilespmem:s13], [sflag:$0x1] =	stream.linear.gather [hbm4b:s8+s5], $0x3E80, $0x38;
	[tilespmem:$0x1E800] =	vst v63  }
0x1b: {  	_ =	swait.ge [sflag:s12], $0x3E80  }
0x1c: {  	[sflag:s12] =	ssyncset.done $0x0  }
0x1d: {  	[sflag:s12] =	ssyncadd.s32 $0xFFFFC180  }
0x1e: {  	s17 =	simm.s32 $0x0;
	[bflag:$0x0] =	sbarrier.arrive $0xFFFF  }
0x1f: {  	[tilespmem:s15], [sflag:$0x1] =	stream.indirect.gather [hbm4b:s1+s14], $0x80, s17, s14, $0xb8;
	[tilespmem:$0x1E800] =	vst v63  }
0x20: {  	_ =	swait.ge [sflag:s12], $0x2800  }
0x21: {  	[sflag:s12] =	ssyncset.done $0x0  }
0x22: {  	s31 =	simm.s32 $0x4000;
	[sflag:s12] =	ssyncadd.s32 $0xFFFFD800  }
0x23: {  	[spmem:s3] =	stream.indirect.scatter.add.f32 [tilespmem:s15], [sflag:$0x1], $0x80, s31, s14, $0xb8;
	[tilespmem:$0x1E800] =	vst v63  }
0x24: {  	_ =	swait.ge [sflag:s12], $0x2800  }
0x25: {  	s18 =	simm.s32 $0x400;
	s17 =	simm.s32 $0x200;
	[sflag:s12] =	ssyncset.done $0x0  }
.LBB2_2:
0x26: {  	s19 =	sshra.s32 s17, $0x2  }
0x27: {  	[sflag:s12] =	ssyncadd.s32 $0xFFFFD800;
	s17 =	smov.u32 s18;
	s20 =	sadd.s32 $0x200, s18  }
0x28: {  	[tilespmem:s15], [sflag:$0x1] =	stream.indirect.gather [hbm4b:s1+s14], $0x80, s19, s14, $0xb8;
	[tilespmem:$0x1E800] =	vst v63  }
0x29: {  	p0 =	sne.s32 s18, $0xF800;
	_ =	swait.ge [sflag:s12], $0x2800  }
.Ltmp0:
0x2a: {  	[sflag:s12] =	ssyncset.done $0x0;
	(pc) =	sbr.rel @p0 .LBB2_2-.Ltmp0, $4  }
0x2b: {  	s18 =	sadd.s32 $0x4000, s19;
	[sflag:s12] =	ssyncadd.s32 $0xFFFFD800  }
0x2c: {  	[spmem:s3] =	stream.indirect.scatter.add.f32 [tilespmem:s15], [sflag:$0x1], $0x80, s18, s14, $0xb8;
	[tilespmem:$0x1E800] =	vst v63  }
0x2d: {  	_ =	swait.ge [sflag:s12], $0x2800  }
0x2e: {  	s18 =	smov.u32 s20;
	[sflag:s12] =	ssyncset.done $0x0  }
0x2f: {  	s17 =	sshra.s32 s17, $0x2;
	[sflag:s12] =	ssyncadd.s32 $0xFFFFD800  }
0x30: {  	[tilespmem:s15], [sflag:$0x1] =	stream.indirect.gather [hbm4b:s1+s14], $0x80, s17, s14, $0xb8;
	[tilespmem:$0x1E800] =	vst v63  }
0x31: {  	_ =	swait.ge [sflag:s12], $0x2800  }
0x32: {  	[sflag:s12] =	ssyncset.done $0x0  }
0x33: {  	s17 =	sadd.s32 $0x4000, s17;
	[sflag:s12] =	ssyncadd.s32 $0xFFFFD800  }
0x34: {  	[spmem:s3] =	stream.indirect.scatter.add.f32 [tilespmem:s15], [sflag:$0x1], $0x80, s17, s14, $0xb8;
	[tilespmem:$0x1E800] =	vst v63  }
0x35: {  	_ =	swait.ge [sflag:s12], $0x2800  }
0x36: {  	s16 =	sadd.s32 $0x1, s16;
	[sflag:s12] =	ssyncset.done $0x0  }
0x37: {  	p0 =	sne.s32 s16, s10;
	[sflag:s12] =	ssyncadd.s32 $0xFFFFD800  }
.Ltmp1:
0x38: {  	[bflag:$0x0] =	sbarrier.arrive $0xFFFF;
	(pc) =	sbr.rel @p0 .LBB2_1-.Ltmp1, $4  }
0x39: {  	[hbm:s9], [sflag:s6] =	dma.local [spmem:s11], $0x2800  }
0x3a: {  	_ =	swait.ge [sflag:s12], $0x2800  }
0x3b: {  	[sflag:s12] =	ssyncset.done $0x0  }
0x3c: {  	[sflag:s12] =	ssyncadd.s32 $0xFFFFD800  }
0x3d: {  	_ =	sfence.sel $0x180000  }
0x3e: {  	[bflag:$0x0] =	sbarrier.arrive $0xFFFF  }
0x3f: {  	p0 =	sne.s32 s4, $0x0;
	_ =	strace $0x9000004D  }
0x40: {  	s0 =	sadd.s32 @!p0 $0x100000, s0;
	[bflag:$0x2] =	sbarrier.arrive $0xFFFF  }
0x41: {  	[sflag:s0] =	ssyncadd.tile.s32 @!p0 $0x1;
	_ =	shalt  }
.Lfunc_end2:
_tile_overlayer_lowered:
.L_overlay_start_2:
0x42: {  	(tag) =	ssettag $0x2  }
0x43: {  	s0 =	rddreg [dreg:$0x0];
	s2 =	stileid.u32  }
0x44: {  	s1 =	rddreg [dreg:$0x1];
	p0 =	sne.s32 s2, $0x0  }
0x45: {  	s3 =	rddreg [dreg:$0x2];
	[bflag:$0x3] =	sbarrier.arrive $0xFFFF;
	s2 =	simm.s32 @!p0 $0x1C01  }
0x46: {  	[timem:s3], [sflag:s2] =	dma.local @!p0 [hbm:s0], s1  }
0x47: {  	s0 =	simm.s32 @!p0 $0x1  }
0x48: {  	_ =	swait.ge @!p0 [sflag:s0], s1  }
0x49: {  	s1 =	ssub.s32 @!p0 $0x0, s1;
	[sflag:s0] =	ssyncset.done @!p0 $0x0  }
0x4a: {  	[sflag:s0] =	ssyncadd.s32 @!p0 s1  }
0x4b: {  	[bflag:$0x3] =	sbarrier.arrive $0xFFFF  }
0x4c: {  	_ =	shalt  }

// kernel: kernel.22.cloned.1.call-start
scs
__scs_entry_jumppad:
0x0: {  	(pc) =	sbr.rel $0x88, $3  }
0x1: {  	(tag) =	ssettag $0x0;
	lr =	simm.s32 $0x1  }
0x2: {  	[smem:$0x3F95] =	sst lr;
	_ =	strace $0xD0000000  }
0x3: {  	_ = 	snop  }
0x4: {  	_ = 	snop  }
0x5: {  	_ = 	snop  }
0x6: {  	_ = 	snop  }
0x7: {  	_ = 	snop  }
__scs_overlays_trampoline_lowered:
0x8: {  	[smem:$0x3FA4] =	sst s0  }
0x9: {  	[smem:$0x3FA5] =	sst s1  }
0xa: {  	[smem:$0x3FA6] =	sst s2  }
0xb: {  	[smem:$0x3FA7] =	sst s3  }
0xc: {  	[smem:$0x3FA8] =	sst s4  }
0xd: {  	[smem:$0x3FA9] =	sst s5  }
0xe: {  	[smem:$0x3FAA] =	sst s6  }
0xf: {  	[smem:$0x3FAB] =	sst s7  }
0x10: {  	[smem:$0x3FAC] =	sst s8  }
0x11: {  	[smem:$0x3FAD] =	sst s9;
	s0 =	simm.s32 @!p0 $0x0  }
0x12: {  	s1 =	sld [smem:$0x3F93];
	s0 =	simm.s32 @p0 $0x1  }
0x13: {  	[smem:$0x3FAE] =	sst s0;
	s0 =	simm.s32 @!p1 $0x0  }
0x14: {  	s2 =	sld [smem:$0x3F92];
	s0 =	simm.s32 @p1 $0x1  }
0x15: {  	[smem:$0x3FAF] =	sst s0;
	s0 =	simm.s32 @!p2 $0x0  }
0x16: {  	s3 =	sld [smem:$0x3FDB];
	s0 =	simm.s32 @p2 $0x1  }
0x17: {  	s4 =	simm.s32 $0x1BF5;
	[smem:$0x3FB1] =	sst s0  }
0x18: {  	s0 =	sld [smem:$0x3F94];
	_ =	swait.ge [sflag:s4], $0x0  }
0x19: {  	s7 =	sld [smem:$0x3F95]  }
0x1a: {  	s8 =	sadd.s32 $0xFFFFE003, lr  }
0x1b: {  	s9 =	sadd.s32 $0xFFFFFEF7, lr;
	s5 =	simm.s32 $0xFFFFFFFF;
	p2 =	slt.u32 s8, $0xFFFFF086  }
0x1c: {  	p1 =	slt.u32 s9, $0xF7A;
	s5 =	simm.s32 @!p2 $0x0  }
0x1d: {  	s5 =	simm.s32 @p1 $0x1;
	p0 =	seq.s32 s7, s2  }
0x1e: {  	s7 =	smul.u32 @!p0 $0xF7A, s2;
	p2 =	seq.s32 @!p0 s5, $0x0  }
0x1f: {  	s9 =	smul.u32 $0xF7A, s1;
	s8 =	simm.s32 @!p0 $0x1BF5;
	p2 =	por !p2, p0  }
0x20: {  	[sflag:s8] =	ssyncset.s32 @!p0 $0xFFFFF086;
	s6 =	sadd.s32 @!p0 s3, s7;
	s7 =	simm.s32 @!p0 $0x108  }
0x21: {  	s3 =	sadd.s32 s3, s9;
	s6 =	sadd.s32 @!p0 $0x88, s6;
	s7 =	simm.s32 @p2 $0x1082  }
0x22: {  	[simem:s7], [sflag:s8] =	dma.local @!p0 [hbm:s6], $0xF7A  }
0x23: {  	s9 =	sor.u32 $0xD0000000, s2;
	s6 =	simm.s32 $0x108;
	_ =	swait.ge @!p0 [sflag:s8], $0x0  }
0x24: {  	s3 =	sadd.s32 $0x88, s3;
	s6 =	simm.s32 @!p1 $0x1082;
	[sflag:s4] =	ssyncset.s32 $0xFFFFF086  }
0x25: {  	[simem:s6], [sflag:s4] =	dma.local [hbm:s3], $0xF7A  }
0x26: {  	[smem:$0x3F95] =	sst s1;
	(tag) =	ssettag s2;
	_ =	strace s9  }
0x27: {  	s1 =	sld [smem:$0x3FA5]  }
0x28: {  	s2 =	sld [smem:$0x3FA6]  }
0x29: {  	s4 =	sld [smem:$0x3FA8]  }
0x2a: {  	p0 =	seq.s32 s5, $0x0;
	s5 =	sld [smem:$0x3FA9]  }
0x2b: {  	s6 =	sld [smem:$0x3FAA]  }
0x2c: {  	s7 =	sld [smem:$0x3FAB]  }
0x2d: {  	s3 =	simm.s32 $0x108;
	s8 =	sld [smem:$0x3FAC]  }
0x2e: {  	s3 =	simm.s32 @!p0 $0x1082;
	s9 =	sld [smem:$0x3FAD]  }
0x2f: {  	lr =	sadd.s32 s0, s3;
	s0 =	sld [smem:$0x3FA4]  }
0x30: {  	s3 =	sld [smem:$0x3FA7]  }
0x31: {  	[smem:$0x3FB0] =	sst s10  }
0x32: {  	s10 =	sld [smem:$0x3FAE];
	_ =	sdelay $0x3  }
0x33: {  	p0 =	seq.s32 s10, $0x1;
	s10 =	sld [smem:$0x3FB0];
	_ =	sdelay $0x3  }
0x34: {  	[smem:$0x3FB0] =	sst s10  }
0x35: {  	s10 =	sld [smem:$0x3FAF];
	_ =	sdelay $0x3  }
0x36: {  	p1 =	seq.s32 s10, $0x1;
	s10 =	sld [smem:$0x3FB0];
	_ =	sdelay $0x3  }
0x37: {  	[smem:$0x3FB0] =	sst s10  }
0x38: {  	s10 =	sld [smem:$0x3FB1]  }
0x39: {  	_ = 	snop;
	(pc) =	sbr.ind lr, $3  }
0x3a: {  	_ = 	snop  }
0x3b: {  	_ = 	snop  }
0x3c: {  	p2 =	seq.s32 s10, $0x1;
	s10 =	sld [smem:$0x3FB0]  }
0x3d: {  	_ =	shalt  }
0x3e: {  	_ =	shalt  }
0x3f: {  	_ =	shalt  }
0x40: {  	_ =	shalt  }
0x41: {  	_ =	shalt  }
0x42: {  	_ =	shalt  }
0x43: {  	_ =	shalt  }
0x44: {  	_ =	shalt  }
0x45: {  	_ =	shalt  }
0x46: {  	_ =	shalt  }
0x47: {  	_ =	shalt  }
0x48: {  	_ =	shalt  }
0x49: {  	_ =	shalt  }
0x4a: {  	_ =	shalt  }
0x4b: {  	_ =	shalt  }
0x4c: {  	_ =	shalt  }
0x4d: {  	_ =	shalt  }
0x4e: {  	_ =	shalt  }
0x4f: {  	_ =	shalt  }
0x50: {  	_ =	shalt  }
0x51: {  	_ =	shalt  }
0x52: {  	_ =	shalt  }
0x53: {  	_ =	shalt  }
0x54: {  	_ =	shalt  }
0x55: {  	_ =	shalt  }
0x56: {  	_ =	shalt  }
0x57: {  	_ =	shalt  }
0x58: {  	_ =	shalt  }
0x59: {  	_ =	shalt  }
0x5a: {  	_ =	shalt  }
0x5b: {  	_ =	shalt  }
0x5c: {  	_ =	shalt  }
0x5d: {  	_ =	shalt  }
0x5e: {  	_ =	shalt  }
0x5f: {  	_ =	shalt  }
0x60: {  	_ =	shalt  }
0x61: {  	_ =	shalt  }
0x62: {  	_ =	shalt  }
0x63: {  	_ =	shalt  }
0x64: {  	_ =	shalt  }
0x65: {  	_ =	shalt  }
0x66: {  	_ =	shalt  }
0x67: {  	_ =	shalt  }
0x68: {  	_ =	shalt  }
0x69: {  	_ =	shalt  }
0x6a: {  	_ =	shalt  }
0x6b: {  	_ =	shalt  }
0x6c: {  	_ =	shalt  }
0x6d: {  	_ =	shalt  }
0x6e: {  	_ =	shalt  }
0x6f: {  	_ =	shalt  }
0x70: {  	_ =	shalt  }
0x71: {  	_ =	shalt  }
0x72: {  	_ =	shalt  }
0x73: {  	_ =	shalt  }
0x74: {  	_ =	shalt  }
0x75: {  	_ =	shalt  }
0x76: {  	_ =	shalt  }
0x77: {  	_ =	shalt  }
0x78: {  	_ =	shalt  }
0x79: {  	_ =	shalt  }
0x7a: {  	_ =	shalt  }
0x7b: {  	_ =	shalt  }
0x7c: {  	_ =	shalt  }
0x7d: {  	_ =	shalt  }
0x7e: {  	_ =	shalt  }
0x7f: {  	_ =	shalt  }
0x80: {  	_ =	shalt  }
0x81: {  	_ =	shalt  }
0x82: {  	_ =	shalt  }
0x83: {  	_ =	shalt  }
0x84: {  	_ =	shalt  }
0x85: {  	_ =	shalt  }
0x86: {  	_ =	shalt  }
0x87: {  	_ =	shalt  }
.Lfunc_end0:
.L_simem_size_0:
called_computation.3_lowered:
.L_overlay_start_0:
0x88: {  	s2 =	sld [smem:$0x3FD9]  }
0x89: {  	s3 =	sld [smem:$0x3FFE];
	_ =	sdelay $0x1  }
0x8a: {  	s1 =	srdreg.scid  }
0x8b: {  	s0 =	sand.u32 $0x1, s1  }
0x8c: {  	s14 =	sshll.u32 s0, $0xA;
	s2 =	sadd.s32 s3, s2  }
0x8d: {  	s2 =	sadd.s32 s2, s14  }
0x8e: {  	[smem:$0x3FBC] =	sst s2  }
0x8f: {  	_ = 	snop  }
0x90: {  	s2 =	sld [smem:$0x3FD0];
	_ =	sdelay $0x2  }
0x91: {  	s15 =	simm.s32 $0xB;
	s4 =	simm.s32 $0x10  }
0x92: {  	[smem:s4], [sflag:s15] =	dma.local [hbm:s2], $0x1  }
0x93: {  	_ =	swait.eq [sflag:s15], $0x1  }
0x94: {  	[sflag:s15] =	ssyncset.done $0x0  }
0x95: {  	[sflag:s15] =	ssyncadd.s32 $0xFFFFFFFF  }
0x96: {  	s16 =	sld [smem:$0x10];
	(tm) =	ssettm $0x1  }
0x97: {  	s17 =	sld [smem:$0x3FFB];
	_ =	sdelay $0x3  }
0x98: {  	_ =	strace s17  }
0x99: {  	s3 =	sld [smem:$0x3FFC];
	_ =	sdelay $0x3  }
0x9a: {  	_ =	strace s3  }
0x9b: {  	s3 =	sld [smem:$0x3FFD];
	_ =	sdelay $0x3  }
0x9c: {  	_ =	strace s3  }
0x9d: {  	_ =	strace $0x8FFFFFFF  }
0x9e: {  	s18 =	sld [smem:$0x3FDB];
	_ =	sdelay $0x1  }
0x9f: {  	s19 =	simm.s32 $_scs_section_size  }
0xa0: {  	s5 =	simm.s32 $_size__tile_overlayer_lowered;
	s6 =	simm.s32 $_tile_overlayer_lowered  }
0xa1: {  	s22 =	simm.s32 $0x1BFF;
	s21 =	sshll.u32 s6, $0x1;
	s3 =	sadd.s32 s19, s18  }
0xa2: {  	s7 =	simm.s32 $0x0;
	s20 =	sshll.u32 s5, $0x1;
	s5 =	sadd.s32 s21, s3  }
0xa3: {  	[timem:s7], [sflag:s22] =	dma.local [hbm:s5], s20  }
0xa4: {  	_ =	swait.ge [sflag:s22], s20  }
0xa5: {  	s4 =	ssub.s32 $0x0, s20;
	[sflag:s22] =	ssyncset.done $0x0  }
0xa6: {  	[sflag:s22] =	ssyncadd.s32 s4;
	_ =	sdelay $0x1  }
0xa7: {  	s23 =	simm.s32 $0x1B8B  }
0xa8: {  	_ =	swait.ge [sflag:s23], $0x1  }
0xa9: {  	[sflag:s23] =	ssyncset.done $0x0  }
0xaa: {  	s25 =	simm.s32 $0x1B8E;
	s24 =	sld [smem:$0x3FFE];
	[sflag:s23] =	ssyncadd.s32 $0xFFFFFFFF  }
0xab: {  	s26 =	simm.s32 $execute0_lowered;
	[smem:$0x3FD2] =	sst s25  }
0xac: {  	s5 =	sshll.u32 s26, $0x1;
	_ =	strace $0x8000004F;
	[dreg:$0x1] =	wrdreg $0xFFFFFFFF  }
0xad: {  	s28 =	simm.s32 $_size_execute0_lowered;
	s3 =	sadd.s32 s3, s5;
	[dreg:$0x0] =	wrdreg $0x0  }
0xae: {  	s5 =	sshll.u32 s28, $0x1;
	[dreg:$0x2] =	wrdreg s3  }
0xaf: {  	[dreg:$0x3] =	wrdreg s5  }
0xb0: {  	[dreg:$0x4] =	wrdreg $0xC0  }
0xb1: {  	_ =	task [dreg:s7], $0x5FFFF  }
0xb2: {  	[dreg:$0x1] =	wrdreg $0xFFFFFFFF  }
0xb3: {  	[dreg:$0x0] =	wrdreg $0x60  }
0xb4: {  	[dreg:$0x2] =	wrdreg s16  }
0xb5: {  	[dreg:$0x3] =	wrdreg s24  }
0xb6: {  	[dreg:$0x4] =	wrdreg $0x9  }
0xb7: {  	_ =	task.clear_ibuf [dreg:s7], $0x5FFFF;
	_ =	strace $0x9000004F  }
0xb8: {  	s29 =	simm.s32 $0x9;
	_ =	strace $0x80000051  }
0xb9: {  	_ =	swait.ge [sflag:s29], $0x1  }
0xba: {  	[sflag:s29] =	ssyncadd.s32 $0xFFFFFFFF  }
0xbb: {  	_ =	strace $0x90000051  }
0xbc: {  	_ =	sfence  }
0xbd: {  	s30 =	sld [smem:$0x0];
	_ =	sdelay $0x2  }
0xbe: {  	s31 =	sshll.u32 s1, $0xD;
	s1 =	sshrl.u32 s1, $0x2  }
0xbf: {  	s3 =	sand.u32 $0x4000, s31;
	s1 =	sadd.s32 s1, s30  }
0xc0: {  	s0 =	sor.u32 s3, s0;
	s1 =	sshll.u32 s1, $0x11  }
0xc1: {  	s0 =	sor.u32 s1, s0  }
0xc2: {  	s0 =	sadd.s32 $0x8F2B, s0  }
0xc3: {  	[sflag:s0] =	ssyncadd.remote.s32 $0x1  }
0xc4: {  	_ =	sfence.sel $0xFFFF  }
0xc5: {  	[dreg:$0x0] =	wrdreg $0xFFFFFFFF;
	(pc) =	sbr.abs _section_cstart, $3  }
0xc6: {  	[dreg:$0x1] =	wrdreg $0xFFFFFFFF  }
0xc7: {  	_ =	task.clear_ibuf [dreg:s7], $0x2FFFF;
	_ =	strace $0x9FFFFFFF  }
0xc8: {  	(tm) =	ssettm $0x7FFFFFFF  }
0xc9: {  	_ =	shalt  }
tec
execute0_lowered:
.L_overlay_start_1:
0x0: {  	(tag) =	ssettag $0x1  }
0x1: {  	s2 =	rddreg [dreg:$0x0]  }
0x2: {  	s4 =	rddreg [dreg:$0x1]  }
0x3: {  	s0 =	rddreg [dreg:$0x2];
	s5 =	srdreg.scid  }
0x4: {  	s1 =	stileid.u32;
	s3 =	simm.s32 $0x0;
	s14 =	simm.s32 $0x6800  }
0x5: {  	s15 =	simm.s32 $0x9000;
	s16 =	simm.s32 $0xB800;
	s17 =	simm.s32 $0x1  }
0x6: {  	s18 =	simm.s32 $0x2;
	s19 =	simm.s32 $0x1F00;
	s20 =	simm.s32 $0x3F00  }
0x7: {  	s21 =	simm.s32 $0x0;
	s6 =	sand.u32 $0x1, s5;
	s26 =	sshll.u32 s1, $0x1  }
0x8: {  	[smem:$0x7FF] =	sst s3;
	s10 =	sadd.s32 $0x74000, s4;
	s11 =	sadd.s32 $0x2EA000, s4  }
0x9: {  	s12 =	smul.u32 $0xA00, s1;
	s5 =	sor.u32 s6, s26;
	_ =	strace $0x80000050  }
0xa: {  	s8 =	ssub.s32 $0x2, s6;
	s13 =	smul.u32 $0x500, s6;
	s7 =	sshll.u32 s5, $0xA  }
0xb: {  	s9 =	sshrl.u32 s8, $0x1;
	s5 =	smul.u32 $0x2800, s5;
	s30 =	sadd.s32 s12, s10  }
0xc: {  	s31 =	sadd.s32 s12, s11;
	s12 =	simm.s32 $0x50;
	s7 =	sadd.s32 s7, s4  }
0xd: {  	s8 =	ssub.s32 s8, s9;
	s9 =	sadd.s32 s13, s30;
	s28 =	sshrl.u32 s5, $0x3  }
0xe: {  	s4 =	sadd.s32 $0x6C000, s7;
	s5 =	sadd.s32 $0x64000, s7;
	s29 =	sadd.s32 $0x26C000, s28  }
0xf: {  	s8 =	smax.u32 s8, $0x1;
	s6 =	sadd.s32 s10, s29;
	s7 =	sadd.s32 s11, s29  }
0x10: {  	s10 =	sadd.s32 s13, s31;
	s11 =	simm.s32 $0x3;
	s13 =	simm.s32 $0x4000  }
.LBB2_1:
0x11: {  	[tilespmem:s3], [sflag:$0x3] =	stream.linear.gather [hbm4b:s4+s3], $0x1F80, $0x38;
	[tilespmem:$0xE000] =	vst v63  }
0x12: {  	_ =	swait.ge [sflag:s11], $0x1F80  }
0x13: {  	[sflag:s11] =	ssyncset.done $0x0  }
0x14: {  	s22 =	simm.s32 $0x2000;
	[sflag:s11] =	ssyncadd.s32 $0xFFFFE080  }
0x15: {  	[tilespmem:s22], [sflag:$0x3] =	stream.linear.gather [hbm4b:s5+s3], $0x1F80, $0x38;
	[tilespmem:$0xE000] =	vst v63  }
0x16: {  	_ =	swait.ge [sflag:s11], $0x1F80  }
0x17: {  	[sflag:s11] =	ssyncset.done $0x0  }
0x18: {  	[sflag:s11] =	ssyncadd.s32 $0xFFFFE080  }
0x19: {  	[tilespmem:s13], [sflag:$0x1] =	stream.indirect.gather [hbm4b:s2+s12], $0x80, s3, s12, $0xb8;
	[tilespmem:$0xE000] =	vst v63  }
0x1a: {  	_ = 	snop  }
0x1b: {  	[tilespmem:s14], [sflag:$0x1] =	stream.indirect.gather [hbm4b:s2+s12], $0x80, s22, s12, $0xb8;
	[tilespmem:$0xE000] =	vst v63  }
0x1c: {  	s23 =	simm.s32 $0x80  }
0x1d: {  	[tilespmem:s15], [sflag:$0x2] =	stream.indirect.gather [hbm4b:s2+s12], $0x80, s23, s12, $0xb8;
	[tilespmem:$0xE000] =	vst v63  }
0x1e: {  	s29 =	simm.s32 $0x2080  }
0x1f: {  	[tilespmem:s16], [sflag:$0x2] =	stream.indirect.gather [hbm4b:s2+s12], $0x80, s29, s12, $0xb8;
	[tilespmem:$0xE000] =	vst v63  }
0x20: {  	_ =	swait.ge [sflag:s17], $0x2800  }
0x21: {  	[sflag:s17] =	ssyncset.done $0x0  }
0x22: {  	[sflag:s17] =	ssyncadd.s32 $0xFFFFD800  }
0x23: {  	_ =	swait.ge [sflag:s17], $0x2800  }
0x24: {  	[sflag:s17] =	ssyncset.done $0x0  }
0x25: {  	s30 =	sadd.s32 $0x0, s9;
	[sflag:s17] =	ssyncadd.s32 $0xFFFFD800  }
0x26: {  	[hbm4b:s30+s3] =	stream.linear.scatter [tilespmem:s13], [sflag:$0x3], $0x2800, $0x38;
	[tilespmem:$0xE000] =	vst v63  }
0x27: {  	_ =	swait.ge [sflag:s11], $0x2800  }
0x28: {  	[sflag:s11] =	ssyncset.done $0x0  }
0x29: {  	s24 =	sadd.s32 $0x0, s10;
	[sflag:s11] =	ssyncadd.s32 $0xFFFFD800  }
0x2a: {  	[hbm4b:s24+s3] =	stream.linear.scatter [tilespmem:s14], [sflag:$0x3], $0x2800, $0x38;
	[tilespmem:$0xE000] =	vst v63  }
0x2b: {  	_ =	swait.ge [sflag:s11], $0x2800  }
0x2c: {  	[sflag:s11] =	ssyncset.done $0x0  }
0x2d: {  	[sflag:s11] =	ssyncadd.s32 $0xFFFFD800  }
0x2e: {  	_ =	swait.ge [sflag:s18], $0x2800  }
0x2f: {  	[sflag:s18] =	ssyncset.done $0x0  }
0x30: {  	[sflag:s18] =	ssyncadd.s32 $0xFFFFD800  }
0x31: {  	_ =	swait.ge [sflag:s18], $0x2800  }
0x32: {  	[sflag:s18] =	ssyncset.done $0x0  }
0x33: {  	s23 =	sadd.s32 $0xA000, s30;
	[sflag:s18] =	ssyncadd.s32 $0xFFFFD800  }
0x34: {  	[hbm4b:s23+s3] =	stream.linear.scatter [tilespmem:s15], [sflag:$0x3], $0x2800, $0x38;
	[tilespmem:$0xE000] =	vst v63  }
0x35: {  	_ =	swait.ge [sflag:s11], $0x2800  }
0x36: {  	[sflag:s11] =	ssyncset.done $0x0  }
0x37: {  	s31 =	sadd.s32 $0xA000, s24;
	[sflag:s11] =	ssyncadd.s32 $0xFFFFD800  }
0x38: {  	[hbm4b:s31+s3] =	stream.linear.scatter [tilespmem:s16], [sflag:$0x3], $0x2800, $0x38;
	[tilespmem:$0xE000] =	vst v63  }
0x39: {  	_ =	swait.ge [sflag:s11], $0x2800  }
0x3a: {  	s24 =	simm.s32 $0x0;
	s23 =	simm.s32 $0x14000;
	[sflag:s11] =	ssyncset.done $0x0  }
.LBB2_2:
0x3b: {  	[sflag:s11] =	ssyncadd.s32 $0xFFFFD800;
	s22 =	sadd.s32 $0x100, s22;
	s24 =	sadd.s32 $0x100, s24  }
0x3c: {  	[tilespmem:s13], [sflag:$0x1] =	stream.indirect.gather [hbm4b:s2+s12], $0x80, s24, s12, $0xb8;
	[tilespmem:$0xE000] =	vst v63  }
0x3d: {  	p0 =	sne.s32 s23, $0x258000;
	s25 =	smov.u32 s23;
	s23 =	sadd.s32 $0x14000, s23  }
0x3e: {  	[tilespmem:s14], [sflag:$0x1] =	stream.indirect.gather [hbm4b:s2+s12], $0x80, s22, s12, $0xb8;
	[tilespmem:$0xE000] =	vst v63  }
0x3f: {  	s26 =	sadd.s32 $0x80, s24  }
0x40: {  	[tilespmem:s15], [sflag:$0x2] =	stream.indirect.gather [hbm4b:s2+s12], $0x80, s26, s12, $0xb8;
	[tilespmem:$0xE000] =	vst v63  }
0x41: {  	s26 =	sadd.s32 $0x80, s22  }
0x42: {  	[tilespmem:s16], [sflag:$0x2] =	stream.indirect.gather [hbm4b:s2+s12], $0x80, s26, s12, $0xb8;
	[tilespmem:$0xE000] =	vst v63  }
0x43: {  	_ =	swait.ge [sflag:s17], $0x2800  }
0x44: {  	[sflag:s17] =	ssyncset.done $0x0  }
0x45: {  	[sflag:s17] =	ssyncadd.s32 $0xFFFFD800  }
0x46: {  	_ =	swait.ge [sflag:s17], $0x2800  }
0x47: {  	[sflag:s17] =	ssyncset.done $0x0  }
0x48: {  	s26 =	sadd.s32 s25, s9;
	[sflag:s17] =	ssyncadd.s32 $0xFFFFD800  }
0x49: {  	[hbm4b:s26+s3] =	stream.linear.scatter [tilespmem:s13], [sflag:$0x3], $0x2800, $0x38;
	[tilespmem:$0xE000] =	vst v63  }
0x4a: {  	_ =	swait.ge [sflag:s11], $0x2800  }
0x4b: {  	[sflag:s11] =	ssyncset.done $0x0  }
0x4c: {  	s25 =	sadd.s32 s25, s10;
	[sflag:s11] =	ssyncadd.s32 $0xFFFFD800  }
0x4d: {  	[hbm4b:s25+s3] =	stream.linear.scatter [tilespmem:s14], [sflag:$0x3], $0x2800, $0x38;
	[tilespmem:$0xE000] =	vst v63  }
0x4e: {  	_ =	swait.ge [sflag:s11], $0x2800  }
0x4f: {  	[sflag:s11] =	ssyncset.done $0x0  }
0x50: {  	[sflag:s11] =	ssyncadd.s32 $0xFFFFD800  }
0x51: {  	_ =	swait.ge [sflag:s18], $0x2800  }
0x52: {  	[sflag:s18] =	ssyncset.done $0x0  }
0x53: {  	[sflag:s18] =	ssyncadd.s32 $0xFFFFD800  }
0x54: {  	_ =	swait.ge [sflag:s18], $0x2800  }
0x55: {  	[sflag:s18] =	ssyncset.done $0x0  }
0x56: {  	s26 =	sadd.s32 $0xA000, s26;
	[sflag:s18] =	ssyncadd.s32 $0xFFFFD800  }
0x57: {  	[hbm4b:s26+s3] =	stream.linear.scatter [tilespmem:s15], [sflag:$0x3], $0x2800, $0x38;
	[tilespmem:$0xE000] =	vst v63  }
0x58: {  	_ =	swait.ge [sflag:s11], $0x2800  }
.Ltmp0:
0x59: {  	[sflag:s11] =	ssyncset.done $0x0;
	(pc) =	sbr.rel @p0 .LBB2_2-.Ltmp0, $4  }
0x5a: {  	s25 =	sadd.s32 $0xA000, s25;
	[sflag:s11] =	ssyncadd.s32 $0xFFFFD800  }
0x5b: {  	[hbm4b:s25+s3] =	stream.linear.scatter [tilespmem:s16], [sflag:$0x3], $0x2800, $0x38;
	[tilespmem:$0xE000] =	vst v63  }
0x5c: {  	_ =	swait.ge [sflag:s11], $0x2800  }
0x5d: {  	[sflag:s11] =	ssyncset.done $0x0  }
0x5e: {  	[sflag:s11] =	ssyncadd.s32 $0xFFFFD800  }
0x5f: {  	[tilespmem:s13], [sflag:$0x1] =	stream.indirect.gather [hbm4b:s2+s12], $0x80, s19, s12, $0xb8;
	[tilespmem:$0xE000] =	vst v63  }
0x60: {  	_ = 	snop  }
0x61: {  	[tilespmem:s14], [sflag:$0x1] =	stream.indirect.gather [hbm4b:s2+s12], $0x80, s20, s12, $0xb8;
	[tilespmem:$0xE000] =	vst v63  }
0x62: {  	_ =	swait.ge [sflag:s17], $0x2800  }
0x63: {  	[sflag:s17] =	ssyncset.done $0x0  }
0x64: {  	[sflag:s17] =	ssyncadd.s32 $0xFFFFD800  }
0x65: {  	_ =	swait.ge [sflag:s17], $0x2800  }
0x66: {  	[sflag:s17] =	ssyncset.done $0x0  }
0x67: {  	[sflag:s17] =	ssyncadd.s32 $0xFFFFD800  }
0x68: {  	[hbm4b:s6+s3] =	stream.linear.scatter [tilespmem:s13], [sflag:$0x3], $0x2800, $0x38;
	[tilespmem:$0xE000] =	vst v63  }
0x69: {  	s21 =	sadd.s32 $0x1, s21;
	_ =	swait.ge [sflag:s11], $0x2800  }
0x6a: {  	p0 =	sne.s32 s21, s8;
	[sflag:s11] =	ssyncset.done $0x0  }
.Ltmp1:
0x6b: {  	[sflag:s11] =	ssyncadd.s32 $0xFFFFD800;
	(pc) =	sbr.rel @p0 .LBB2_1-.Ltmp1, $4  }
0x6c: {  	[hbm4b:s7+s3] =	stream.linear.scatter [tilespmem:s14], [sflag:$0x3], $0x2800, $0x38;
	[tilespmem:$0xE000] =	vst v63  }
0x6d: {  	_ =	swait.ge [sflag:s11], $0x2800  }
0x6e: {  	[sflag:s11] =	ssyncset.done $0x0  }
0x6f: {  	[sflag:s11] =	ssyncadd.s32 $0xFFFFD800  }
0x70: {  	_ =	sfence.sel $0x180000  }
0x71: {  	[bflag:$0x0] =	sbarrier.arrive $0xFFFF  }
0x72: {  	p0 =	sne.s32 s1, $0x0;
	_ =	strace $0x90000050  }
0x73: {  	s0 =	sadd.s32 @!p0 $0x100000, s0;
	[bflag:$0x2] =	sbarrier.arrive $0xFFFF  }
0x74: {  	[sflag:s0] =	ssyncadd.tile.s32 @!p0 $0x1;
	_ =	shalt  }
.Lfunc_end2:
_tile_overlayer_lowered:
.L_overlay_start_2:
0x75: {  	(tag) =	ssettag $0x2  }
0x76: {  	s0 =	rddreg [dreg:$0x0];
	s2 =	stileid.u32  }
0x77: {  	s1 =	rddreg [dreg:$0x1];
	p0 =	sne.s32 s2, $0x0  }
0x78: {  	s3 =	rddreg [dreg:$0x2];
	[bflag:$0x3] =	sbarrier.arrive $0xFFFF;
	s2 =	simm.s32 @!p0 $0x1C03  }
0x79: {  	[timem:s3], [sflag:s2] =	dma.local @!p0 [hbm:s0], s1  }
0x7a: {  	s0 =	simm.s32 @!p0 $0x3  }
0x7b: {  	_ =	swait.ge @!p0 [sflag:s0], s1  }
0x7c: {  	s1 =	ssub.s32 @!p0 $0x0, s1;
	[sflag:s0] =	ssyncset.done @!p0 $0x0  }
0x7d: {  	[sflag:s0] =	ssyncadd.s32 @!p0 s1  }
0x7e: {  	[bflag:$0x3] =	sbarrier.arrive $0xFFFF  }
0x7f: {  	_ =	shalt  }

// kernel: kernel.25.cloned.1.call-start
scs
__scs_entry_jumppad:
0x0: {  	(pc) =	sbr.rel $0x88, $3  }
0x1: {  	(tag) =	ssettag $0x0;
	lr =	simm.s32 $0x1  }
0x2: {  	[smem:$0x3F95] =	sst lr;
	_ =	strace $0xD0000000  }
0x3: {  	_ = 	snop  }
0x4: {  	_ = 	snop  }
0x5: {  	_ = 	snop  }
0x6: {  	_ = 	snop  }
0x7: {  	_ = 	snop  }
__scs_overlays_trampoline_lowered:
0x8: {  	[smem:$0x3FA4] =	sst s0  }
0x9: {  	[smem:$0x3FA5] =	sst s1  }
0xa: {  	[smem:$0x3FA6] =	sst s2  }
0xb: {  	[smem:$0x3FA7] =	sst s3  }
0xc: {  	[smem:$0x3FA8] =	sst s4  }
0xd: {  	[smem:$0x3FA9] =	sst s5  }
0xe: {  	[smem:$0x3FAA] =	sst s6  }
0xf: {  	[smem:$0x3FAB] =	sst s7  }
0x10: {  	[smem:$0x3FAC] =	sst s8  }
0x11: {  	[smem:$0x3FAD] =	sst s9;
	s0 =	simm.s32 @!p0 $0x0  }
0x12: {  	s1 =	sld [smem:$0x3F93];
	s0 =	simm.s32 @p0 $0x1  }
0x13: {  	[smem:$0x3FAE] =	sst s0;
	s0 =	simm.s32 @!p1 $0x0  }
0x14: {  	s2 =	sld [smem:$0x3F92];
	s0 =	simm.s32 @p1 $0x1  }
0x15: {  	[smem:$0x3FAF] =	sst s0;
	s0 =	simm.s32 @!p2 $0x0  }
0x16: {  	s3 =	sld [smem:$0x3FDB];
	s0 =	simm.s32 @p2 $0x1  }
0x17: {  	s4 =	simm.s32 $0x1BF5;
	[smem:$0x3FB1] =	sst s0  }
0x18: {  	s0 =	sld [smem:$0x3F94];
	_ =	swait.ge [sflag:s4], $0x0  }
0x19: {  	s7 =	sld [smem:$0x3F95]  }
0x1a: {  	s8 =	sadd.s32 $0xFFFFE003, lr  }
0x1b: {  	s9 =	sadd.s32 $0xFFFFFEF7, lr;
	s5 =	simm.s32 $0xFFFFFFFF;
	p2 =	slt.u32 s8, $0xFFFFF086  }
0x1c: {  	p1 =	slt.u32 s9, $0xF7A;
	s5 =	simm.s32 @!p2 $0x0  }
0x1d: {  	s5 =	simm.s32 @p1 $0x1;
	p0 =	seq.s32 s7, s2  }
0x1e: {  	s7 =	smul.u32 @!p0 $0xF7A, s2;
	p2 =	seq.s32 @!p0 s5, $0x0  }
0x1f: {  	s9 =	smul.u32 $0xF7A, s1;
	s8 =	simm.s32 @!p0 $0x1BF5;
	p2 =	por !p2, p0  }
0x20: {  	[sflag:s8] =	ssyncset.s32 @!p0 $0xFFFFF086;
	s6 =	sadd.s32 @!p0 s3, s7;
	s7 =	simm.s32 @!p0 $0x108  }
0x21: {  	s3 =	sadd.s32 s3, s9;
	s6 =	sadd.s32 @!p0 $0x88, s6;
	s7 =	simm.s32 @p2 $0x1082  }
0x22: {  	[simem:s7], [sflag:s8] =	dma.local @!p0 [hbm:s6], $0xF7A  }
0x23: {  	s9 =	sor.u32 $0xD0000000, s2;
	s6 =	simm.s32 $0x108;
	_ =	swait.ge @!p0 [sflag:s8], $0x0  }
0x24: {  	s3 =	sadd.s32 $0x88, s3;
	s6 =	simm.s32 @!p1 $0x1082;
	[sflag:s4] =	ssyncset.s32 $0xFFFFF086  }
0x25: {  	[simem:s6], [sflag:s4] =	dma.local [hbm:s3], $0xF7A  }
0x26: {  	[smem:$0x3F95] =	sst s1;
	(tag) =	ssettag s2;
	_ =	strace s9  }
0x27: {  	s1 =	sld [smem:$0x3FA5]  }
0x28: {  	s2 =	sld [smem:$0x3FA6]  }
0x29: {  	s4 =	sld [smem:$0x3FA8]  }
0x2a: {  	p0 =	seq.s32 s5, $0x0;
	s5 =	sld [smem:$0x3FA9]  }
0x2b: {  	s6 =	sld [smem:$0x3FAA]  }
0x2c: {  	s7 =	sld [smem:$0x3FAB]  }
0x2d: {  	s3 =	simm.s32 $0x108;
	s8 =	sld [smem:$0x3FAC]  }
0x2e: {  	s3 =	simm.s32 @!p0 $0x1082;
	s9 =	sld [smem:$0x3FAD]  }
0x2f: {  	lr =	sadd.s32 s0, s3;
	s0 =	sld [smem:$0x3FA4]  }
0x30: {  	s3 =	sld [smem:$0x3FA7]  }
0x31: {  	[smem:$0x3FB0] =	sst s10  }
0x32: {  	s10 =	sld [smem:$0x3FAE];
	_ =	sdelay $0x3  }
0x33: {  	p0 =	seq.s32 s10, $0x1;
	s10 =	sld [smem:$0x3FB0];
	_ =	sdelay $0x3  }
0x34: {  	[smem:$0x3FB0] =	sst s10  }
0x35: {  	s10 =	sld [smem:$0x3FAF];
	_ =	sdelay $0x3  }
0x36: {  	p1 =	seq.s32 s10, $0x1;
	s10 =	sld [smem:$0x3FB0];
	_ =	sdelay $0x3  }
0x37: {  	[smem:$0x3FB0] =	sst s10  }
0x38: {  	s10 =	sld [smem:$0x3FB1]  }
0x39: {  	_ = 	snop;
	(pc) =	sbr.ind lr, $3  }
0x3a: {  	_ = 	snop  }
0x3b: {  	_ = 	snop  }
0x3c: {  	p2 =	seq.s32 s10, $0x1;
	s10 =	sld [smem:$0x3FB0]  }
0x3d: {  	_ =	shalt  }
0x3e: {  	_ =	shalt  }
0x3f: {  	_ =	shalt  }
0x40: {  	_ =	shalt  }
0x41: {  	_ =	shalt  }
0x42: {  	_ =	shalt  }
0x43: {  	_ =	shalt  }
0x44: {  	_ =	shalt  }
0x45: {  	_ =	shalt  }
0x46: {  	_ =	shalt  }
0x47: {  	_ =	shalt  }
0x48: {  	_ =	shalt  }
0x49: {  	_ =	shalt  }
0x4a: {  	_ =	shalt  }
0x4b: {  	_ =	shalt  }
0x4c: {  	_ =	shalt  }
0x4d: {  	_ =	shalt  }
0x4e: {  	_ =	shalt  }
0x4f: {  	_ =	shalt  }
0x50: {  	_ =	shalt  }
0x51: {  	_ =	shalt  }
0x52: {  	_ =	shalt  }
0x53: {  	_ =	shalt  }
0x54: {  	_ =	shalt  }
0x55: {  	_ =	shalt  }
0x56: {  	_ =	shalt  }
0x57: {  	_ =	shalt  }
0x58: {  	_ =	shalt  }
0x59: {  	_ =	shalt  }
0x5a: {  	_ =	shalt  }
0x5b: {  	_ =	shalt  }
0x5c: {  	_ =	shalt  }
0x5d: {  	_ =	shalt  }
0x5e: {  	_ =	shalt  }
0x5f: {  	_ =	shalt  }
0x60: {  	_ =	shalt  }
0x61: {  	_ =	shalt  }
0x62: {  	_ =	shalt  }
0x63: {  	_ =	shalt  }
0x64: {  	_ =	shalt  }
0x65: {  	_ =	shalt  }
0x66: {  	_ =	shalt  }
0x67: {  	_ =	shalt  }
0x68: {  	_ =	shalt  }
0x69: {  	_ =	shalt  }
0x6a: {  	_ =	shalt  }
0x6b: {  	_ =	shalt  }
0x6c: {  	_ =	shalt  }
0x6d: {  	_ =	shalt  }
0x6e: {  	_ =	shalt  }
0x6f: {  	_ =	shalt  }
0x70: {  	_ =	shalt  }
0x71: {  	_ =	shalt  }
0x72: {  	_ =	shalt  }
0x73: {  	_ =	shalt  }
0x74: {  	_ =	shalt  }
0x75: {  	_ =	shalt  }
0x76: {  	_ =	shalt  }
0x77: {  	_ =	shalt  }
0x78: {  	_ =	shalt  }
0x79: {  	_ =	shalt  }
0x7a: {  	_ =	shalt  }
0x7b: {  	_ =	shalt  }
0x7c: {  	_ =	shalt  }
0x7d: {  	_ =	shalt  }
0x7e: {  	_ =	shalt  }
0x7f: {  	_ =	shalt  }
0x80: {  	_ =	shalt  }
0x81: {  	_ =	shalt  }
0x82: {  	_ =	shalt  }
0x83: {  	_ =	shalt  }
0x84: {  	_ =	shalt  }
0x85: {  	_ =	shalt  }
0x86: {  	_ =	shalt  }
0x87: {  	_ =	shalt  }
.Lfunc_end0:
.L_simem_size_0:
called_computation.4_lowered:
.L_overlay_start_0:
0x88: {  	s2 =	sld [smem:$0x3FD9]  }
0x89: {  	s3 =	sld [smem:$0x3FFE];
	_ =	sdelay $0x1  }
0x8a: {  	s1 =	srdreg.scid  }
0x8b: {  	s0 =	sand.u32 $0x1, s1  }
0x8c: {  	s15 =	sshll.u32 s0, $0xA;
	s2 =	sadd.s32 s3, s2  }
0x8d: {  	s2 =	sadd.s32 s2, s15  }
0x8e: {  	[smem:$0x3FBC] =	sst s2  }
0x8f: {  	_ = 	snop  }
0x90: {  	s2 =	sld [smem:$0x3FD0];
	_ =	sdelay $0x2  }
0x91: {  	s4 =	simm.s32 $0xB;
	s16 =	simm.s32 $0x10  }
0x92: {  	[smem:s16], [sflag:s4] =	dma.local [hbm:s2], $0x1  }
0x93: {  	_ =	swait.eq [sflag:s4], $0x1  }
0x94: {  	[sflag:s4] =	ssyncset.done $0x0  }
0x95: {  	s17 =	sld [smem:$0x10];
	[sflag:s4] =	ssyncadd.s32 $0xFFFFFFFF  }
0x96: {  	s18 =	sld [smem:$0x13];
	(tm) =	ssettm $0x1  }
0x97: {  	s19 =	sld [smem:$0x3FFB];
	_ =	sdelay $0x3  }
0x98: {  	_ =	strace s19  }
0x99: {  	s2 =	sld [smem:$0x3FFC];
	_ =	sdelay $0x3  }
0x9a: {  	_ =	strace s2  }
0x9b: {  	s2 =	sld [smem:$0x3FFD];
	_ =	sdelay $0x3  }
0x9c: {  	_ =	strace s2  }
0x9d: {  	_ =	strace $0x8FFFFFFF  }
0x9e: {  	s20 =	sld [smem:$0x3FDB];
	_ =	sdelay $0x1  }
0x9f: {  	s5 =	simm.s32 $_scs_section_size  }
0xa0: {  	s6 =	simm.s32 $_size__tile_overlayer_lowered;
	s7 =	simm.s32 $_tile_overlayer_lowered  }
0xa1: {  	s8 =	simm.s32 $0x1BFF;
	s21 =	sshll.u32 s7, $0x1;
	s5 =	sadd.s32 s5, s20  }
0xa2: {  	s22 =	simm.s32 $0x0;
	s6 =	sshll.u32 s6, $0x1;
	s7 =	sadd.s32 s21, s5  }
0xa3: {  	[timem:s22], [sflag:s8] =	dma.local [hbm:s7], s6  }
0xa4: {  	_ =	swait.ge [sflag:s8], s6  }
0xa5: {  	s6 =	ssub.s32 $0x0, s6;
	[sflag:s8] =	ssyncset.done $0x0  }
0xa6: {  	[sflag:s8] =	ssyncadd.s32 s6;
	_ =	sdelay $0x1  }
0xa7: {  	s23 =	simm.s32 $0x1B8B  }
0xa8: {  	_ =	swait.ge [sflag:s23], $0x1  }
0xa9: {  	[sflag:s23] =	ssyncset.done $0x0  }
0xaa: {  	[sflag:s23] =	ssyncadd.s32 $0xFFFFFFFF  }
0xab: {  	s6 =	sld [smem:$0x0]  }
0xac: {  	s7 =	sand.u32 $0xFFFFFFFE, s1  }
0xad: {  	p0 =	sne.s32 s1, s7  }
0xae: {  	s7 =	sshll.u32 @p0 s7, $0xE  }
0xaf: {  	s7 =	sadd.s32 @p0 $0x11B8D, s7;
	s8 =	sshll.u32 @p0 s6, $0x11  }
0xb0: {  	s7 =	sor.u32 @p0 s8, s7  }
0xb1: {  	[sflag:s7] =	ssyncadd.remote.s32 @p0 $0x1;
	_ =	sdelay $0x1  }
0xb2: {  	s7 =	simm.s32 @p0 $0x1B8D  }
0xb3: {  	_ =	swait.eq @p0 [sflag:s7], $0x1  }
0xb4: {  	[sflag:s7] =	ssyncadd.s32 @p0 $0xFFFFFFFF  }
0xb5: {  	s8 =	sshll.u32 @!p0 s1, $0xE  }
0xb6: {  	s8 =	sor.u32 @!p0 $0x4000, s8;
	s7 =	simm.s32 @!p0 $0x1B8D  }
0xb7: {  	s6 =	sshll.u32 @!p0 s6, $0x11;
	s8 =	sadd.s32 @!p0 $0x11B8D, s8;
	_ =	swait.eq @!p0 [sflag:s7], $0x1  }
0xb8: {  	s6 =	sor.u32 @!p0 s6, s8;
	[sflag:s7] =	ssyncadd.s32 @!p0 $0xFFFFFFFF  }
0xb9: {  	s25 =	simm.s32 $0x1B8E;
	s24 =	sld [smem:$0x3FFE];
	[sflag:s6] =	ssyncadd.remote.s32 @!p0 $0x1  }
0xba: {  	s26 =	simm.s32 $execute0_lowered;
	[smem:$0x3FD2] =	sst s25  }
0xbb: {  	s7 =	sshll.u32 s26, $0x1;
	_ =	strace $0x80000052;
	[dreg:$0x1] =	wrdreg $0xFFFFFFFF  }
0xbc: {  	s28 =	simm.s32 $_size_execute0_lowered;
	s5 =	sadd.s32 s5, s7;
	[dreg:$0x0] =	wrdreg $0x0  }
0xbd: {  	s7 =	sshll.u32 s28, $0x1;
	[dreg:$0x2] =	wrdreg s5  }
0xbe: {  	[dreg:$0x3] =	wrdreg s7  }
0xbf: {  	[dreg:$0x4] =	wrdreg $0xC0  }
0xc0: {  	_ =	task [dreg:s22], $0x5FFFF  }
0xc1: {  	[dreg:$0x1] =	wrdreg $0xFFFFFFFF  }
0xc2: {  	[dreg:$0x0] =	wrdreg $0x60  }
0xc3: {  	[dreg:$0x2] =	wrdreg s17  }
0xc4: {  	[dreg:$0x3] =	wrdreg s24  }
0xc5: {  	[dreg:$0x4] =	wrdreg s18  }
0xc6: {  	[dreg:$0x5] =	wrdreg $0xA  }
0xc7: {  	_ =	task.clear_ibuf [dreg:s22], $0x6FFFF;
	_ =	strace $0x90000052  }
0xc8: {  	s29 =	simm.s32 $0xA;
	_ =	strace $0x80000054  }
0xc9: {  	_ =	swait.ge [sflag:s29], $0x1  }
0xca: {  	[sflag:s29] =	ssyncadd.s32 $0xFFFFFFFF  }
0xcb: {  	_ =	strace $0x90000054  }
0xcc: {  	_ =	sfence  }
0xcd: {  	s30 =	sld [smem:$0x0];
	_ =	sdelay $0x2  }
0xce: {  	s31 =	sshll.u32 s1, $0xD;
	s1 =	sshrl.u32 s1, $0x2  }
0xcf: {  	s4 =	sand.u32 $0x4000, s31;
	s1 =	sadd.s32 s1, s30  }
0xd0: {  	s0 =	sor.u32 s4, s0;
	s1 =	sshll.u32 s1, $0x11  }
0xd1: {  	s0 =	sor.u32 s1, s0  }
0xd2: {  	s0 =	sadd.s32 $0x8F2B, s0  }
0xd3: {  	[sflag:s0] =	ssyncadd.remote.s32 $0x1  }
0xd4: {  	_ =	sfence.sel $0xFFFF  }
0xd5: {  	[dreg:$0x0] =	wrdreg $0xFFFFFFFF;
	(pc) =	sbr.abs _section_cstart, $3  }
0xd6: {  	[dreg:$0x1] =	wrdreg $0xFFFFFFFF  }
0xd7: {  	_ =	task.clear_ibuf [dreg:s22], $0x2FFFF;
	_ =	strace $0x9FFFFFFF  }
0xd8: {  	(tm) =	ssettm $0x7FFFFFFF  }
0xd9: {  	_ =	shalt  }
tec
execute0_lowered:
.L_overlay_start_1:
0x0: {  	(tag) =	ssettag $0x1  }
0x1: {  	s1 =	rddreg [dreg:$0x0]  }
0x2: {  	s4 =	rddreg [dreg:$0x1]  }
0x3: {  	s5 =	rddreg [dreg:$0x2]  }
0x4: {  	s0 =	rddreg [dreg:$0x3];
	s3 =	simm.s32 $0x0  }
0x5: {  	s6 =	srdreg.scid;
	s2 =	stileid.u32;
	s12 =	simm.s32 $0x6800  }
0x6: {  	s13 =	simm.s32 $0x9000;
	s14 =	simm.s32 $0xB800;
	s15 =	simm.s32 $0x1  }
0x7: {  	s16 =	simm.s32 $0x2;
	s17 =	simm.s32 $0x0;
	[smem:$0x7FF] =	sst s3  }
0x8: {  	s6 =	sand.u32 $0x1, s6;
	s7 =	sshll.u32 s2, $0xB;
	s9 =	smul.u32 $0xA00, s2  }
0x9: {  	_ =	strace $0x80000053;
	s8 =	sshll.u32 s6, $0xA;
	s10 =	ssub.s32 $0x2, s6  }
0xa: {  	s6 =	smul.u32 $0x500, s6;
	s7 =	sor.u32 s8, s7;
	s31 =	sshrl.u32 s10, $0x1  }
0xb: {  	s9 =	sadd.s32 s9, s4;
	s11 =	sadd.s32 s7, s4;
	s8 =	ssub.s32 s10, s31  }
0xc: {  	s5 =	sadd.s32 s5, s7;
	s9 =	sadd.s32 s6, s9;
	s10 =	simm.s32 $0x50  }
0xd: {  	s4 =	sadd.s32 $0x4000, s11;
	s6 =	smax.u32 s8, $0x1;
	s7 =	sadd.s32 $0x560000, s9  }
0xe: {  	s8 =	sadd.s32 $0x7CC000, s9;
	s9 =	simm.s32 $0x3;
	s11 =	simm.s32 $0x4000  }
.LBB2_1:
0xf: {  	[tilespmem:s3], [sflag:$0x3] =	stream.linear.gather [hbm4b:s4+s3], $0x1F00, $0x38;
	[tilespmem:$0xE000] =	vst v63  }
0x10: {  	_ =	swait.ge [sflag:s9], $0x1F00  }
0x11: {  	[sflag:s9] =	ssyncset.done $0x0  }
0x12: {  	s18 =	simm.s32 $0x2000;
	[sflag:s9] =	ssyncadd.s32 $0xFFFFE100  }
0x13: {  	[tilespmem:s18], [sflag:$0x3] =	stream.linear.gather [hbm4b:s5+s3], $0x1F00, $0x38;
	[tilespmem:$0xE000] =	vst v63  }
0x14: {  	_ =	swait.ge [sflag:s9], $0x1F00  }
0x15: {  	[sflag:s9] =	ssyncset.done $0x0  }
0x16: {  	[sflag:s9] =	ssyncadd.s32 $0xFFFFE100  }
0x17: {  	[tilespmem:s11], [sflag:$0x1] =	stream.indirect.gather [hbm4b:s1+s10], $0x80, s3, s10, $0xb8;
	[tilespmem:$0xE000] =	vst v63  }
0x18: {  	_ = 	snop  }
0x19: {  	[tilespmem:s12], [sflag:$0x1] =	stream.indirect.gather [hbm4b:s1+s10], $0x80, s18, s10, $0xb8;
	[tilespmem:$0xE000] =	vst v63  }
0x1a: {  	s19 =	simm.s32 $0x80  }
0x1b: {  	[tilespmem:s13], [sflag:$0x2] =	stream.indirect.gather [hbm4b:s1+s10], $0x80, s19, s10, $0xb8;
	[tilespmem:$0xE000] =	vst v63  }
0x1c: {  	s29 =	simm.s32 $0x2080  }
0x1d: {  	[tilespmem:s14], [sflag:$0x2] =	stream.indirect.gather [hbm4b:s1+s10], $0x80, s29, s10, $0xb8;
	[tilespmem:$0xE000] =	vst v63  }
0x1e: {  	_ =	swait.ge [sflag:s15], $0x2800  }
0x1f: {  	[sflag:s15] =	ssyncset.done $0x0  }
0x20: {  	[sflag:s15] =	ssyncadd.s32 $0xFFFFD800  }
0x21: {  	_ =	swait.ge [sflag:s15], $0x2800  }
0x22: {  	[sflag:s15] =	ssyncset.done $0x0  }
0x23: {  	s30 =	sadd.s32 $0x0, s7;
	[sflag:s15] =	ssyncadd.s32 $0xFFFFD800  }
0x24: {  	[hbm4b:s30+s3] =	stream.linear.scatter [tilespmem:s11], [sflag:$0x3], $0x2800, $0x38;
	[tilespmem:$0xE000] =	vst v63  }
0x25: {  	_ =	swait.ge [sflag:s9], $0x2800  }
0x26: {  	[sflag:s9] =	ssyncset.done $0x0  }
0x27: {  	s20 =	sadd.s32 $0x0, s8;
	[sflag:s9] =	ssyncadd.s32 $0xFFFFD800  }
0x28: {  	[hbm4b:s20+s3] =	stream.linear.scatter [tilespmem:s12], [sflag:$0x3], $0x2800, $0x38;
	[tilespmem:$0xE000] =	vst v63  }
0x29: {  	_ =	swait.ge [sflag:s9], $0x2800  }
0x2a: {  	[sflag:s9] =	ssyncset.done $0x0  }
0x2b: {  	[sflag:s9] =	ssyncadd.s32 $0xFFFFD800  }
0x2c: {  	_ =	swait.ge [sflag:s16], $0x2800  }
0x2d: {  	[sflag:s16] =	ssyncset.done $0x0  }
0x2e: {  	[sflag:s16] =	ssyncadd.s32 $0xFFFFD800  }
0x2f: {  	_ =	swait.ge [sflag:s16], $0x2800  }
0x30: {  	[sflag:s16] =	ssyncset.done $0x0  }
0x31: {  	s19 =	sadd.s32 $0xA000, s30;
	[sflag:s16] =	ssyncadd.s32 $0xFFFFD800  }
0x32: {  	[hbm4b:s19+s3] =	stream.linear.scatter [tilespmem:s13], [sflag:$0x3], $0x2800, $0x38;
	[tilespmem:$0xE000] =	vst v63  }
0x33: {  	_ =	swait.ge [sflag:s9], $0x2800  }
0x34: {  	[sflag:s9] =	ssyncset.done $0x0  }
0x35: {  	s31 =	sadd.s32 $0xA000, s20;
	[sflag:s9] =	ssyncadd.s32 $0xFFFFD800  }
0x36: {  	[hbm4b:s31+s3] =	stream.linear.scatter [tilespmem:s14], [sflag:$0x3], $0x2800, $0x38;
	[tilespmem:$0xE000] =	vst v63  }
0x37: {  	_ =	swait.ge [sflag:s9], $0x2800  }
0x38: {  	s20 =	simm.s32 $0x0;
	s19 =	simm.s32 $0x14000;
	[sflag:s9] =	ssyncset.done $0x0  }
.LBB2_2:
0x39: {  	[sflag:s9] =	ssyncadd.s32 $0xFFFFD800;
	s18 =	sadd.s32 $0x100, s18;
	s20 =	sadd.s32 $0x100, s20  }
0x3a: {  	[tilespmem:s11], [sflag:$0x1] =	stream.indirect.gather [hbm4b:s1+s10], $0x80, s20, s10, $0xb8;
	[tilespmem:$0xE000] =	vst v63  }
0x3b: {  	p0 =	sne.s32 s19, $0x258000;
	s21 =	smov.u32 s19;
	s19 =	sadd.s32 $0x14000, s19  }
0x3c: {  	[tilespmem:s12], [sflag:$0x1] =	stream.indirect.gather [hbm4b:s1+s10], $0x80, s18, s10, $0xb8;
	[tilespmem:$0xE000] =	vst v63  }
0x3d: {  	s22 =	sadd.s32 $0x80, s20  }
0x3e: {  	[tilespmem:s13], [sflag:$0x2] =	stream.indirect.gather [hbm4b:s1+s10], $0x80, s22, s10, $0xb8;
	[tilespmem:$0xE000] =	vst v63  }
0x3f: {  	s22 =	sadd.s32 $0x80, s18  }
0x40: {  	[tilespmem:s14], [sflag:$0x2] =	stream.indirect.gather [hbm4b:s1+s10], $0x80, s22, s10, $0xb8;
	[tilespmem:$0xE000] =	vst v63  }
0x41: {  	_ =	swait.ge [sflag:s15], $0x2800  }
0x42: {  	[sflag:s15] =	ssyncset.done $0x0  }
0x43: {  	[sflag:s15] =	ssyncadd.s32 $0xFFFFD800  }
0x44: {  	_ =	swait.ge [sflag:s15], $0x2800  }
0x45: {  	[sflag:s15] =	ssyncset.done $0x0  }
0x46: {  	s22 =	sadd.s32 s21, s7;
	[sflag:s15] =	ssyncadd.s32 $0xFFFFD800  }
0x47: {  	[hbm4b:s22+s3] =	stream.linear.scatter [tilespmem:s11], [sflag:$0x3], $0x2800, $0x38;
	[tilespmem:$0xE000] =	vst v63  }
0x48: {  	_ =	swait.ge [sflag:s9], $0x2800  }
0x49: {  	[sflag:s9] =	ssyncset.done $0x0  }
0x4a: {  	s21 =	sadd.s32 s21, s8;
	[sflag:s9] =	ssyncadd.s32 $0xFFFFD800  }
0x4b: {  	[hbm4b:s21+s3] =	stream.linear.scatter [tilespmem:s12], [sflag:$0x3], $0x2800, $0x38;
	[tilespmem:$0xE000] =	vst v63  }
0x4c: {  	_ =	swait.ge [sflag:s9], $0x2800  }
0x4d: {  	[sflag:s9] =	ssyncset.done $0x0  }
0x4e: {  	[sflag:s9] =	ssyncadd.s32 $0xFFFFD800  }
0x4f: {  	_ =	swait.ge [sflag:s16], $0x2800  }
0x50: {  	[sflag:s16] =	ssyncset.done $0x0  }
0x51: {  	[sflag:s16] =	ssyncadd.s32 $0xFFFFD800  }
0x52: {  	_ =	swait.ge [sflag:s16], $0x2800  }
0x53: {  	[sflag:s16] =	ssyncset.done $0x0  }
0x54: {  	s22 =	sadd.s32 $0xA000, s22;
	[sflag:s16] =	ssyncadd.s32 $0xFFFFD800  }
0x55: {  	[hbm4b:s22+s3] =	stream.linear.scatter [tilespmem:s13], [sflag:$0x3], $0x2800, $0x38;
	[tilespmem:$0xE000] =	vst v63  }
0x56: {  	_ =	swait.ge [sflag:s9], $0x2800  }
.Ltmp0:
0x57: {  	[sflag:s9] =	ssyncset.done $0x0;
	(pc) =	sbr.rel @p0 .LBB2_2-.Ltmp0, $4  }
0x58: {  	s21 =	sadd.s32 $0xA000, s21;
	[sflag:s9] =	ssyncadd.s32 $0xFFFFD800  }
0x59: {  	[hbm4b:s21+s3] =	stream.linear.scatter [tilespmem:s14], [sflag:$0x3], $0x2800, $0x38;
	[tilespmem:$0xE000] =	vst v63  }
0x5a: {  	_ =	swait.ge [sflag:s9], $0x2800  }
0x5b: {  	[sflag:s9] =	ssyncset.done $0x0  }
0x5c: {  	s17 =	sadd.s32 $0x1, s17  }
0x5d: {  	p0 =	sne.s32 s17, s6  }
.Ltmp1:
0x5e: {  	_ = 	snop;
	(pc) =	sbr.rel @p0 .LBB2_1-.Ltmp1, $2  }
0x5f: {  	_ =	sdelay $0x2  }
0x60: {  	[sflag:s9] =	ssyncadd.s32 $0xFFFFD800  }
0x61: {  	_ =	sfence.sel $0x180000  }
0x62: {  	[bflag:$0x0] =	sbarrier.arrive $0xFFFF  }
0x63: {  	p0 =	sne.s32 s2, $0x0;
	_ =	strace $0x90000053  }
0x64: {  	s0 =	sadd.s32 @!p0 $0x100000, s0;
	[bflag:$0x2] =	sbarrier.arrive $0xFFFF  }
0x65: {  	[sflag:s0] =	ssyncadd.tile.s32 @!p0 $0x1;
	_ =	shalt  }
.Lfunc_end2:
_tile_overlayer_lowered:
.L_overlay_start_2:
0x66: {  	(tag) =	ssettag $0x2  }
0x67: {  	s0 =	rddreg [dreg:$0x0];
	s2 =	stileid.u32  }
0x68: {  	s1 =	rddreg [dreg:$0x1];
	p0 =	sne.s32 s2, $0x0  }
0x69: {  	s3 =	rddreg [dreg:$0x2];
	[bflag:$0x3] =	sbarrier.arrive $0xFFFF;
	s2 =	simm.s32 @!p0 $0x1C03  }
0x6a: {  	[timem:s3], [sflag:s2] =	dma.local @!p0 [hbm:s0], s1  }
0x6b: {  	s0 =	simm.s32 @!p0 $0x3  }
0x6c: {  	_ =	swait.ge @!p0 [sflag:s0], s1  }
0x6d: {  	s1 =	ssub.s32 @!p0 $0x0, s1;
	[sflag:s0] =	ssyncset.done @!p0 $0x0  }
0x6e: {  	[sflag:s0] =	ssyncadd.s32 @!p0 s1  }
0x6f: {  	[bflag:$0x3] =	sbarrier.arrive $0xFFFF  }
0x70: {  	_ =	shalt  }

</sc_bundles>
